<compile_context>
chip_gen: v7x
topology: tpu7x:2x2x1
jax: 0.10.2.dev20260603
libtpu: 0.0.44.dev20260713+nightly
codegen_flags: <defaults>
</compile_context>

<pallas_src>
import functools
import math

import jax
import jax.numpy as jnp
import numpy as np
from jax import lax
from jax.experimental import pallas as pl
from jax.experimental.pallas import tpu as pltpu
from jax.experimental.pallas import tpu_sc as plsc

NUM_EMBEDDINGS = 8192
EMBEDDING_DIM = 1024
HALF_DIM = EMBEDDING_DIM // 2
_DT = math.log(10000.0) / (HALF_DIM - 1)
_DIV_FULL = np.exp(-_DT * (np.arange(EMBEDDING_DIM) // 2)).astype(np.float32)[None, :]

_ROWS_BLK = 1024
_GRID = NUM_EMBEDDINGS // _ROWS_BLK


_QR = 32


def _table_body(base_ref, beta_ref, div_ref, out_ref):
    i = pl.program_id(0)
    p0 = (i * _ROWS_BLK).astype(jnp.float32)
    freq = base_ref[0, 0] * div_ref[...] + beta_ref[0, 0]
    t = jax.lax.broadcasted_iota(jnp.int32, (_QR, EMBEDDING_DIM), 0).astype(
        jnp.float32) * freq
    a = p0 * freq + t * float(_QR)
    col = jax.lax.broadcasted_iota(jnp.int32, (_QR, EMBEDDING_DIM), 1)
    odd = col % 2 == 1
    ac, asn = jnp.cos(a), jnp.sin(a)
    bc = jnp.where(odd, jnp.cos(t), 0.0)
    bs = jnp.where(odd, jnp.sin(t), 0.0)

    def expand_q(x):
        return jnp.broadcast_to(x[:, None, :], (_QR, _QR, EMBEDDING_DIM)).reshape(
            _ROWS_BLK, EMBEDDING_DIM)

    def expand_r(x):
        return jnp.broadcast_to(x[None, :, :], (_QR, _QR, EMBEDDING_DIM)).reshape(
            _ROWS_BLK, EMBEDDING_DIM)

    out_ref[...] = expand_q(ac) * expand_r(bc) - expand_q(asn) * expand_r(bs)


def _build_table(base, beta):
    return pl.pallas_call(
        _table_body,
        grid=(_GRID,),
        in_specs=[
            pl.BlockSpec(memory_space=pltpu.SMEM),
            pl.BlockSpec(memory_space=pltpu.SMEM),
            pl.BlockSpec((1, EMBEDDING_DIM), lambda i: (0, 0)),
        ],
        out_specs=pl.BlockSpec((_ROWS_BLK, EMBEDDING_DIM), lambda i: (i, 0)),
        out_shape=jax.ShapeDtypeStruct((NUM_EMBEDDINGS, EMBEDDING_DIM), jnp.float32),
    )(base.reshape(1, 1), beta.reshape(1, 1), jnp.asarray(_DIV_FULL))


_NW = 32
_B = 4 * 8192
_BPW = _B // _NW
_C = 32
_NCHUNK = _BPW // _C


_DEPTH = 3


@functools.cache
def _make_gather():
    mesh = plsc.VectorSubcoreMesh(core_axis_name="c", subcore_axis_name="s")

    @functools.partial(
        pl.kernel,
        mesh=mesh,
        out_type=jax.ShapeDtypeStruct((_B, EMBEDDING_DIM), jnp.float32),
        scratch_types=[
            pltpu.VMEM((_NCHUNK, _C), jnp.int32),
        ]
        + [pltpu.VMEM((_C, EMBEDDING_DIM), jnp.float32)] * _DEPTH
        + [pltpu.SemaphoreType.DMA] * (2 * _DEPTH),
    )
    def gather(table_hbm, idx_hbm, out_hbm, idx_v, *rest):
        bufs = rest[:_DEPTH]
        gsems = rest[_DEPTH:2 * _DEPTH]
        ssems = rest[2 * _DEPTH:]
        wid = lax.axis_index("s") * 2 + lax.axis_index("c")
        base_row = wid * _BPW
        pltpu.sync_copy(idx_hbm.at[wid], idx_v)
        gathers = [None] * _NCHUNK
        for j in range(min(_DEPTH, _NCHUNK)):
            gathers[j] = pltpu.async_copy(
                table_hbm.at[idx_v.at[j]], bufs[j % _DEPTH], gsems[j % _DEPTH])
        for j in range(_NCHUNK):
            b = j % _DEPTH
            gathers[j].wait()
            s = pltpu.async_copy(
                bufs[b], out_hbm.at[pl.ds(base_row + j * _C, _C)], ssems[b])
            s.wait()
            if j + _DEPTH < _NCHUNK:
                gathers[j + _DEPTH] = pltpu.async_copy(
                    table_hbm.at[idx_v.at[j + _DEPTH]], bufs[b], gsems[b])

    return gather


def kernel(position_ids, base, alpha, beta):
    del alpha
    batch, seq = position_ids.shape
    table = _build_table(base, beta)
    idx3 = position_ids.reshape(_NW, _NCHUNK, _C).astype(jnp.int32)
    out = _make_gather()(table, idx3)
    return out.reshape(batch, seq, EMBEDDING_DIM)

# --- scband reference (transcript-rebuilt; emitter-appended) ---
"""Pipeline reference for scband-learnable-positional-encoding-28587302322646 (READ-ONLY COPY).

The authoritative reference and input builder live on the scoring server;
editing this copy changes nothing except your own understanding.
"""

import jax, jax.numpy as jnp
import numpy as np
import math

NUM_EMBEDDINGS = 8192
EMBEDDING_DIM = 1024
CHUNKS = 1
BATCH = 4
SEQ_LEN = 8192


def setup_inputs(seed: int = 0) -> dict:
    key = jax.random.key(seed)
    k1, = jax.random.split(key, 1)
    position_ids = jax.random.randint(k1, (BATCH, SEQ_LEN), 0, NUM_EMBEDDINGS)
    base = jnp.ones((1,), dtype=jnp.float32)
    alpha = jnp.zeros((1,), dtype=jnp.float32)
    beta = jnp.zeros((1,), dtype=jnp.float32)
    return {"position_ids": position_ids, "base": base, "alpha": alpha, "beta": beta}


def reference(position_ids, base, alpha, beta):
    batch_size, lengths = position_ids.shape
    # constant buffers (same as registered buffers in the torch module)
    positions = jnp.arange(NUM_EMBEDDINGS)
    half_dim = EMBEDDING_DIM // (2 * CHUNKS)
    dt = math.log(10000) / (half_dim - 1)
    div_term = jnp.exp(jnp.arange(half_dim).astype(jnp.float32) * (-dt))
    # learnable modulation of frequencies
    div_term_sin = jnp.sin(positions[:, None].astype(jnp.float32) * (base * div_term + alpha)[None])
    div_term_cos = jnp.cos(positions[:, None].astype(jnp.float32) * (base * div_term + beta)[None])
    weights = jnp.zeros((NUM_EMBEDDINGS, EMBEDDING_DIM), dtype=jnp.float32)
    chunk_dim = EMBEDDING_DIM // CHUNKS
    for chunk_index in range(CHUNKS):
        # faithful to the original: sin slice is written then overwritten by cos on the same slice
        weights = weights.at[:, chunk_dim * chunk_index + 1:chunk_dim * (chunk_index + 1):2].set(div_term_sin)
        weights = weights.at[:, chunk_dim * chunk_index + 1:chunk_dim * (chunk_index + 1):2].set(div_term_cos)
    encodings = jnp.take(weights, position_ids.reshape(-1), axis=0)
    return encodings.reshape(batch_size, lengths, EMBEDDING_DIM)

if __name__ == "__main__":
    import jax
    _d = setup_inputs()
    print(jax.jit(kernel)(*tuple(_d.values())))

</pallas_src>

<mosaic_0001>
#map = affine_map<(d0, d1) -> (0, 0)>
#map1 = affine_map<(d0, d1) -> (0, 0, 0)>
module attributes {stable_mosaic.version = 14 : i64} {
  func.func @gather(%arg0: i32, %arg1: i32, %arg2: memref<8192x1024xf32, #tpu.memory_space<hbm>>, %arg3: memref<32x32x32xi32, #tpu.memory_space<hbm>>, %arg4: memref<32768x1024xf32, #tpu.memory_space<hbm>>, %arg5: memref<32x32xi32, #tpu.memory_space<vmem>>, %arg6: memref<32x1024xf32, #tpu.memory_space<vmem>>, %arg7: memref<32x1024xf32, #tpu.memory_space<vmem>>, %arg8: memref<32x1024xf32, #tpu.memory_space<vmem>>, %arg9: memref<!tpu.dma_semaphore, #tpu.memory_space<semaphore_mem>>, %arg10: memref<!tpu.dma_semaphore, #tpu.memory_space<semaphore_mem>>, %arg11: memref<!tpu.dma_semaphore, #tpu.memory_space<semaphore_mem>>, %arg12: memref<!tpu.dma_semaphore, #tpu.memory_space<semaphore_mem>>, %arg13: memref<!tpu.dma_semaphore, #tpu.memory_space<semaphore_mem>>, %arg14: memref<!tpu.dma_semaphore, #tpu.memory_space<semaphore_mem>>) attributes {dimension_semantics = [#tpu.dimension_semantics<core_parallel>, #tpu.dimension_semantics<subcore_parallel>], iteration_bounds = array<i64: 2, 16>, scalar_prefetch = 0 : i64, scratch_operands = 10 : i64, tpu.core_type = #tpu.core_type<sc_vector_subcore>, window_params = [{transform_indices = #map}, {transform_indices = #map1}, {transform_indices = #map}]} {
    %mul3A = arith.constant 2 : i32
    %mul3A_0 = arith.muli %arg1, %mul3A : i32
    %add3A = arith.addi %mul3A_0, %arg0 : i32
    %mul3A_1 = arith.constant 1024 : i32
    %mul3A_2 = arith.muli %add3A, %mul3A_1 : i32
    "tpu.region"() ({
      %run_scoped3A = tpu.sem_alloc : memref<!tpu.dma_semaphore, #tpu.memory_space<semaphore_mem>>
      %dma_start3A_769 = arith.constant 0 : i32
      %dma_start3A_770 = arith.constant 0 : i32
      %dma_start3A_771 = tpu.memref_slice %arg3[%add3A, %dma_start3A_769, %dma_start3A_770] : memref<32x32x32xi32, #tpu.memory_space<hbm>> -> memref<1x32x32xi32, #tpu.memory_space<hbm>>
      %dma_start3A_772 = tpu.memref_squeeze %dma_start3A_771 : memref<1x32x32xi32, #tpu.memory_space<hbm>> -> memref<32x32xi32, #tpu.memory_space<hbm>>
      %dma_start3A_773 = arith.constant 0 : i32
      %dma_start3A_774 = arith.constant 0 : i32
      %dma_start3A_775 = tpu.memref_slice %arg3[%add3A, %dma_start3A_773, %dma_start3A_774] : memref<32x32x32xi32, #tpu.memory_space<hbm>> -> memref<1x32x32xi32, #tpu.memory_space<hbm>>
      %dma_start3A_776 = tpu.memref_squeeze %dma_start3A_775 : memref<1x32x32xi32, #tpu.memory_space<hbm>> -> memref<32x32xi32, #tpu.memory_space<hbm>>
      tpu.enqueue_dma source(%dma_start3A_776 : memref<32x32xi32, #tpu.memory_space<hbm>>) target(%arg5 : memref<32x32xi32, #tpu.memory_space<vmem>>) target_semaphore(%run_scoped3A : memref<!tpu.dma_semaphore, #tpu.memory_space<semaphore_mem>>)
      %dma_wait3A_777 = arith.constant 0 : i32
      %dma_wait3A_778 = arith.constant 0 : i32
      %dma_wait3A_779 = tpu.memref_slice %arg3[%add3A, %dma_wait3A_777, %dma_wait3A_778] : memref<32x32x32xi32, #tpu.memory_space<hbm>> -> memref<1x32x32xi32, #tpu.memory_space<hbm>>
      %dma_wait3A_780 = tpu.memref_squeeze %dma_wait3A_779 : memref<1x32x32xi32, #tpu.memory_space<hbm>> -> memref<32x32xi32, #tpu.memory_space<hbm>>
      %dma_wait3A_781 = arith.constant 0 : i32
      %dma_wait3A_782 = arith.constant 0 : i32
      %dma_wait3A_783 = tpu.memref_slice %arg3[%add3A, %dma_wait3A_781, %dma_wait3A_782] : memref<32x32x32xi32, #tpu.memory_space<hbm>> -> memref<1x32x32xi32, #tpu.memory_space<hbm>>
      %dma_wait3A_784 = tpu.memref_squeeze %dma_wait3A_783 : memref<1x32x32xi32, #tpu.memory_space<hbm>> -> memref<32x32xi32, #tpu.memory_space<hbm>>
      tpu.wait_dma2 semaphore(%run_scoped3A : memref<!tpu.dma_semaphore, #tpu.memory_space<semaphore_mem>>) src(%dma_wait3A_784 : memref<32x32xi32, #tpu.memory_space<hbm>>) dst(%arg5 : memref<32x32xi32, #tpu.memory_space<vmem>>)
      tpu.yield
    }) : () -> ()
    %dma_start3A = arith.constant 0 : i32
    %dma_start3A_3 = arith.constant 0 : i32
    %dma_start3A_4 = tpu.memref_slice %arg5[%dma_start3A, %dma_start3A_3] : memref<32x32xi32, #tpu.memory_space<vmem>> -> memref<1x32xi32, #tpu.memory_space<vmem>>
    %dma_start3A_5 = tpu.memref_squeeze %dma_start3A_4 : memref<1x32xi32, #tpu.memory_space<vmem>> -> memref<32xi32, #tpu.memory_space<vmem>>
    %dma_start3A_6 = arith.constant 0 : i32
    %dma_start3A_7 = arith.constant 0 : i32
    %dma_start3A_8 = tpu.memref_slice %arg2[%dma_start3A_6, %dma_start3A_7] : memref<8192x1024xf32, #tpu.memory_space<hbm>> -> memref<8192x1024xf32, #tpu.memory_space<hbm>>
    tpu.enqueue_indirect_dma source(%dma_start3A_8 : memref<8192x1024xf32, #tpu.memory_space<hbm>>) target(%arg6 : memref<32x1024xf32, #tpu.memory_space<vmem>>) offsets(%dma_start3A_5 : memref<32xi32, #tpu.memory_space<vmem>>) semaphore(%arg9 : memref<!tpu.dma_semaphore, #tpu.memory_space<semaphore_mem>>)
    %dma_start3A_9 = arith.constant 1 : i32
    %dma_start3A_10 = arith.constant 0 : i32
    %dma_start3A_11 = tpu.memref_slice %arg5[%dma_start3A_9, %dma_start3A_10] : memref<32x32xi32, #tpu.memory_space<vmem>> -> memref<1x32xi32, #tpu.memory_space<vmem>>
    %dma_start3A_12 = tpu.memref_squeeze %dma_start3A_11 : memref<1x32xi32, #tpu.memory_space<vmem>> -> memref<32xi32, #tpu.memory_space<vmem>>
    %dma_start3A_13 = arith.constant 0 : i32
    %dma_start3A_14 = arith.constant 0 : i32
    %dma_start3A_15 = tpu.memref_slice %arg2[%dma_start3A_13, %dma_start3A_14] : memref<8192x1024xf32, #tpu.memory_space<hbm>> -> memref<8192x1024xf32, #tpu.memory_space<hbm>>
    tpu.enqueue_indirect_dma source(%dma_start3A_15 : memref<8192x1024xf32, #tpu.memory_space<hbm>>) target(%arg7 : memref<32x1024xf32, #tpu.memory_space<vmem>>) offsets(%dma_start3A_12 : memref<32xi32, #tpu.memory_space<vmem>>) semaphore(%arg10 : memref<!tpu.dma_semaphore, #tpu.memory_space<semaphore_mem>>)
    %dma_start3A_16 = arith.constant 2 : i32
    %dma_start3A_17 = arith.constant 0 : i32
    %dma_start3A_18 = tpu.memref_slice %arg5[%dma_start3A_16, %dma_start3A_17] : memref<32x32xi32, #tpu.memory_space<vmem>> -> memref<1x32xi32, #tpu.memory_space<vmem>>
    %dma_start3A_19 = tpu.memref_squeeze %dma_start3A_18 : memref<1x32xi32, #tpu.memory_space<vmem>> -> memref<32xi32, #tpu.memory_space<vmem>>
    %dma_start3A_20 = arith.constant 0 : i32
    %dma_start3A_21 = arith.constant 0 : i32
    %dma_start3A_22 = tpu.memref_slice %arg2[%dma_start3A_20, %dma_start3A_21] : memref<8192x1024xf32, #tpu.memory_space<hbm>> -> memref<8192x1024xf32, #tpu.memory_space<hbm>>
    tpu.enqueue_indirect_dma source(%dma_start3A_22 : memref<8192x1024xf32, #tpu.memory_space<hbm>>) target(%arg8 : memref<32x1024xf32, #tpu.memory_space<vmem>>) offsets(%dma_start3A_19 : memref<32xi32, #tpu.memory_space<vmem>>) semaphore(%arg11 : memref<!tpu.dma_semaphore, #tpu.memory_space<semaphore_mem>>)
    %dma_wait3A = arith.constant 0 : i32
    %dma_wait3A_23 = arith.constant 0 : i32
    %dma_wait3A_24 = tpu.memref_slice %arg5[%dma_wait3A, %dma_wait3A_23] : memref<32x32xi32, #tpu.memory_space<vmem>> -> memref<1x32xi32, #tpu.memory_space<vmem>>
    %dma_wait3A_25 = tpu.memref_squeeze %dma_wait3A_24 : memref<1x32xi32, #tpu.memory_space<vmem>> -> memref<32xi32, #tpu.memory_space<vmem>>
    %dma_wait3A_26 = arith.constant 0 : i32
    %dma_wait3A_27 = arith.constant 0 : i32
    %dma_wait3A_28 = tpu.memref_slice %arg2[%dma_wait3A_26, %dma_wait3A_27] : memref<8192x1024xf32, #tpu.memory_space<hbm>> -> memref<8192x1024xf32, #tpu.memory_space<hbm>>
    tpu.wait_indirect_dma semaphore(%arg9 : memref<!tpu.dma_semaphore, #tpu.memory_space<semaphore_mem>>) src(%dma_wait3A_28 : memref<8192x1024xf32, #tpu.memory_space<hbm>>) dst(%arg6 : memref<32x1024xf32, #tpu.memory_space<vmem>>)
    %add3A_29 = arith.constant 0 : i32
    %add3A_30 = arith.addi %mul3A_2, %add3A_29 : i32
    %dma_start3A_31 = arith.constant 0 : i32
    %dma_start3A_32 = tpu.memref_slice %arg4[%add3A_30, %dma_start3A_31] : memref<32768x1024xf32, #tpu.memory_space<hbm>> -> memref<32x1024xf32, #tpu.memory_space<hbm>>
    %dma_start3A_33 = arith.constant 0 : i32
    %dma_start3A_34 = tpu.memref_slice %arg4[%add3A_30, %dma_start3A_33] : memref<32768x1024xf32, #tpu.memory_space<hbm>> -> memref<32x1024xf32, #tpu.memory_space<hbm>>
    tpu.enqueue_dma source(%arg6 : memref<32x1024xf32, #tpu.memory_space<vmem>>) target(%dma_start3A_34 : memref<32x1024xf32, #tpu.memory_space<hbm>>) target_semaphore(%arg12 : memref<!tpu.dma_semaphore, #tpu.memory_space<semaphore_mem>>)
    %dma_wait3A_35 = arith.constant 0 : i32
    %dma_wait3A_36 = tpu.memref_slice %arg4[%add3A_30, %dma_wait3A_35] : memref<32768x1024xf32, #tpu.memory_space<hbm>> -> memref<32x1024xf32, #tpu.memory_space<hbm>>
    %dma_wait3A_37 = arith.constant 0 : i32
    %dma_wait3A_38 = tpu.memref_slice %arg4[%add3A_30, %dma_wait3A_37] : memref<32768x1024xf32, #tpu.memory_space<hbm>> -> memref<32x1024xf32, #tpu.memory_space<hbm>>
    tpu.wait_dma2 semaphore(%arg12 : memref<!tpu.dma_semaphore, #tpu.memory_space<semaphore_mem>>) src(%arg6 : memref<32x1024xf32, #tpu.memory_space<vmem>>) dst(%dma_wait3A_38 : memref<32x1024xf32, #tpu.memory_space<hbm>>)
    %dma_start3A_39 = arith.constant 3 : i32
    %dma_start3A_40 = arith.constant 0 : i32
    %dma_start3A_41 = tpu.memref_slice %arg5[%dma_start3A_39, %dma_start3A_40] : memref<32x32xi32, #tpu.memory_space<vmem>> -> memref<1x32xi32, #tpu.memory_space<vmem>>
    %dma_start3A_42 = tpu.memref_squeeze %dma_start3A_41 : memref<1x32xi32, #tpu.memory_space<vmem>> -> memref<32xi32, #tpu.memory_space<vmem>>
    %dma_start3A_43 = arith.constant 0 : i32
    %dma_start3A_44 = arith.constant 0 : i32
    %dma_start3A_45 = tpu.memref_slice %arg2[%dma_start3A_43, %dma_start3A_44] : memref<8192x1024xf32, #tpu.memory_space<hbm>> -> memref<8192x1024xf32, #tpu.memory_space<hbm>>
    tpu.enqueue_indirect_dma source(%dma_start3A_45 : memref<8192x1024xf32, #tpu.memory_space<hbm>>) target(%arg6 : memref<32x1024xf32, #tpu.memory_space<vmem>>) offsets(%dma_start3A_42 : memref<32xi32, #tpu.memory_space<vmem>>) semaphore(%arg9 : memref<!tpu.dma_semaphore, #tpu.memory_space<semaphore_mem>>)
    %dma_wait3A_46 = arith.constant 1 : i32
    %dma_wait3A_47 = arith.constant 0 : i32
    %dma_wait3A_48 = tpu.memref_slice %arg5[%dma_wait3A_46, %dma_wait3A_47] : memref<32x32xi32, #tpu.memory_space<vmem>> -> memref<1x32xi32, #tpu.memory_space<vmem>>
    %dma_wait3A_49 = tpu.memref_squeeze %dma_wait3A_48 : memref<1x32xi32, #tpu.memory_space<vmem>> -> memref<32xi32, #tpu.memory_space<vmem>>
    %dma_wait3A_50 = arith.constant 0 : i32
    %dma_wait3A_51 = arith.constant 0 : i32
    %dma_wait3A_52 = tpu.memref_slice %arg2[%dma_wait3A_50, %dma_wait3A_51] : memref<8192x1024xf32, #tpu.memory_space<hbm>> -> memref<8192x1024xf32, #tpu.memory_space<hbm>>
    tpu.wait_indirect_dma semaphore(%arg10 : memref<!tpu.dma_semaphore, #tpu.memory_space<semaphore_mem>>) src(%dma_wait3A_52 : memref<8192x1024xf32, #tpu.memory_space<hbm>>) dst(%arg7 : memref<32x1024xf32, #tpu.memory_space<vmem>>)
    %add3A_53 = arith.constant 32 : i32
    %add3A_54 = arith.addi %mul3A_2, %add3A_53 : i32
    %dma_start3A_55 = arith.constant 0 : i32
    %dma_start3A_56 = tpu.memref_slice %arg4[%add3A_54, %dma_start3A_55] : memref<32768x1024xf32, #tpu.memory_space<hbm>> -> memref<32x1024xf32, #tpu.memory_space<hbm>>
    %dma_start3A_57 = arith.constant 0 : i32
    %dma_start3A_58 = tpu.memref_slice %arg4[%add3A_54, %dma_start3A_57] : memref<32768x1024xf32, #tpu.memory_space<hbm>> -> memref<32x1024xf32, #tpu.memory_space<hbm>>
    tpu.enqueue_dma source(%arg7 : memref<32x1024xf32, #tpu.memory_space<vmem>>) target(%dma_start3A_58 : memref<32x1024xf32, #tpu.memory_space<hbm>>) target_semaphore(%arg13 : memref<!tpu.dma_semaphore, #tpu.memory_space<semaphore_mem>>)
    %dma_wait3A_59 = arith.constant 0 : i32
    %dma_wait3A_60 = tpu.memref_slice %arg4[%add3A_54, %dma_wait3A_59] : memref<32768x1024xf32, #tpu.memory_space<hbm>> -> memref<32x1024xf32, #tpu.memory_space<hbm>>
    %dma_wait3A_61 = arith.constant 0 : i32
    %dma_wait3A_62 = tpu.memref_slice %arg4[%add3A_54, %dma_wait3A_61] : memref<32768x1024xf32, #tpu.memory_space<hbm>> -> memref<32x1024xf32, #tpu.memory_space<hbm>>
    tpu.wait_dma2 semaphore(%arg13 : memref<!tpu.dma_semaphore, #tpu.memory_space<semaphore_mem>>) src(%arg7 : memref<32x1024xf32, #tpu.memory_space<vmem>>) dst(%dma_wait3A_62 : memref<32x1024xf32, #tpu.memory_space<hbm>>)
    %dma_start3A_63 = arith.constant 4 : i32
    %dma_start3A_64 = arith.constant 0 : i32
    %dma_start3A_65 = tpu.memref_slice %arg5[%dma_start3A_63, %dma_start3A_64] : memref<32x32xi32, #tpu.memory_space<vmem>> -> memref<1x32xi32, #tpu.memory_space<vmem>>
    %dma_start3A_66 = tpu.memref_squeeze %dma_start3A_65 : memref<1x32xi32, #tpu.memory_space<vmem>> -> memref<32xi32, #tpu.memory_space<vmem>>
    %dma_start3A_67 = arith.constant 0 : i32
    %dma_start3A_68 = arith.constant 0 : i32
    %dma_start3A_69 = tpu.memref_slice %arg2[%dma_start3A_67, %dma_start3A_68] : memref<8192x1024xf32, #tpu.memory_space<hbm>> -> memref<8192x1024xf32, #tpu.memory_space<hbm>>
    tpu.enqueue_indirect_dma source(%dma_start3A_69 : memref<8192x1024xf32, #tpu.memory_space<hbm>>) target(%arg7 : memref<32x1024xf32, #tpu.memory_space<vmem>>) offsets(%dma_start3A_66 : memref<32xi32, #tpu.memory_space<vmem>>) semaphore(%arg10 : memref<!tpu.dma_semaphore, #tpu.memory_space<semaphore_mem>>)
    %dma_wait3A_70 = arith.constant 2 : i32
    %dma_wait3A_71 = arith.constant 0 : i32
    %dma_wait3A_72 = tpu.memref_slice %arg5[%dma_wait3A_70, %dma_wait3A_71] : memref<32x32xi32, #tpu.memory_space<vmem>> -> memref<1x32xi32, #tpu.memory_space<vmem>>
    %dma_wait3A_73 = tpu.memref_squeeze %dma_wait3A_72 : memref<1x32xi32, #tpu.memory_space<vmem>> -> memref<32xi32, #tpu.memory_space<vmem>>
    %dma_wait3A_74 = arith.constant 0 : i32
    %dma_wait3A_75 = arith.constant 0 : i32
    %dma_wait3A_76 = tpu.memref_slice %arg2[%dma_wait3A_74, %dma_wait3A_75] : memref<8192x1024xf32, #tpu.memory_space<hbm>> -> memref<8192x1024xf32, #tpu.memory_space<hbm>>
    tpu.wait_indirect_dma semaphore(%arg11 : memref<!tpu.dma_semaphore, #tpu.memory_space<semaphore_mem>>) src(%dma_wait3A_76 : memref<8192x1024xf32, #tpu.memory_space<hbm>>) dst(%arg8 : memref<32x1024xf32, #tpu.memory_space<vmem>>)
    %add3A_77 = arith.constant 64 : i32
    %add3A_78 = arith.addi %mul3A_2, %add3A_77 : i32
    %dma_start3A_79 = arith.constant 0 : i32
    %dma_start3A_80 = tpu.memref_slice %arg4[%add3A_78, %dma_start3A_79] : memref<32768x1024xf32, #tpu.memory_space<hbm>> -> memref<32x1024xf32, #tpu.memory_space<hbm>>
    %dma_start3A_81 = arith.constant 0 : i32
    %dma_start3A_82 = tpu.memref_slice %arg4[%add3A_78, %dma_start3A_81] : memref<32768x1024xf32, #tpu.memory_space<hbm>> -> memref<32x1024xf32, #tpu.memory_space<hbm>>
    tpu.enqueue_dma source(%arg8 : memref<32x1024xf32, #tpu.memory_space<vmem>>) target(%dma_start3A_82 : memref<32x1024xf32, #tpu.memory_space<hbm>>) target_semaphore(%arg14 : memref<!tpu.dma_semaphore, #tpu.memory_space<semaphore_mem>>)
    %dma_wait3A_83 = arith.constant 0 : i32
    %dma_wait3A_84 = tpu.memref_slice %arg4[%add3A_78, %dma_wait3A_83] : memref<32768x1024xf32, #tpu.memory_space<hbm>> -> memref<32x1024xf32, #tpu.memory_space<hbm>>
    %dma_wait3A_85 = arith.constant 0 : i32
    %dma_wait3A_86 = tpu.memref_slice %arg4[%add3A_78, %dma_wait3A_85] : memref<32768x1024xf32, #tpu.memory_space<hbm>> -> memref<32x1024xf32, #tpu.memory_space<hbm>>
    tpu.wait_dma2 semaphore(%arg14 : memref<!tpu.dma_semaphore, #tpu.memory_space<semaphore_mem>>) src(%arg8 : memref<32x1024xf32, #tpu.memory_space<vmem>>) dst(%dma_wait3A_86 : memref<32x1024xf32, #tpu.memory_space<hbm>>)
    %dma_start3A_87 = arith.constant 5 : i32
    %dma_start3A_88 = arith.constant 0 : i32
    %dma_start3A_89 = tpu.memref_slice %arg5[%dma_start3A_87, %dma_start3A_88] : memref<32x32xi32, #tpu.memory_space<vmem>> -> memref<1x32xi32, #tpu.memory_space<vmem>>
    %dma_start3A_90 = tpu.memref_squeeze %dma_start3A_89 : memref<1x32xi32, #tpu.memory_space<vmem>> -> memref<32xi32, #tpu.memory_space<vmem>>
    %dma_start3A_91 = arith.constant 0 : i32
    %dma_start3A_92 = arith.constant 0 : i32
    %dma_start3A_93 = tpu.memref_slice %arg2[%dma_start3A_91, %dma_start3A_92] : memref<8192x1024xf32, #tpu.memory_space<hbm>> -> memref<8192x1024xf32, #tpu.memory_space<hbm>>
    tpu.enqueue_indirect_dma source(%dma_start3A_93 : memref<8192x1024xf32, #tpu.memory_space<hbm>>) target(%arg8 : memref<32x1024xf32, #tpu.memory_space<vmem>>) offsets(%dma_start3A_90 : memref<32xi32, #tpu.memory_space<vmem>>) semaphore(%arg11 : memref<!tpu.dma_semaphore, #tpu.memory_space<semaphore_mem>>)
    %dma_wait3A_94 = arith.constant 3 : i32
    %dma_wait3A_95 = arith.constant 0 : i32
    %dma_wait3A_96 = tpu.memref_slice %arg5[%dma_wait3A_94, %dma_wait3A_95] : memref<32x32xi32, #tpu.memory_space<vmem>> -> memref<1x32xi32, #tpu.memory_space<vmem>>
    %dma_wait3A_97 = tpu.memref_squeeze %dma_wait3A_96 : memref<1x32xi32, #tpu.memory_space<vmem>> -> memref<32xi32, #tpu.memory_space<vmem>>
    %dma_wait3A_98 = arith.constant 0 : i32
    %dma_wait3A_99 = arith.constant 0 : i32
    %dma_wait3A_100 = tpu.memref_slice %arg2[%dma_wait3A_98, %dma_wait3A_99] : memref<8192x1024xf32, #tpu.memory_space<hbm>> -> memref<8192x1024xf32, #tpu.memory_space<hbm>>
    tpu.wait_indirect_dma semaphore(%arg9 : memref<!tpu.dma_semaphore, #tpu.memory_space<semaphore_mem>>) src(%dma_wait3A_100 : memref<8192x1024xf32, #tpu.memory_space<hbm>>) dst(%arg6 : memref<32x1024xf32, #tpu.memory_space<vmem>>)
    %add3A_101 = arith.constant 96 : i32
    %add3A_102 = arith.addi %mul3A_2, %add3A_101 : i32
    %dma_start3A_103 = arith.constant 0 : i32
    %dma_start3A_104 = tpu.memref_slice %arg4[%add3A_102, %dma_start3A_103] : memref<32768x1024xf32, #tpu.memory_space<hbm>> -> memref<32x1024xf32, #tpu.memory_space<hbm>>
    %dma_start3A_105 = arith.constant 0 : i32
    %dma_start3A_106 = tpu.memref_slice %arg4[%add3A_102, %dma_start3A_105] : memref<32768x1024xf32, #tpu.memory_space<hbm>> -> memref<32x1024xf32, #tpu.memory_space<hbm>>
    tpu.enqueue_dma source(%arg6 : memref<32x1024xf32, #tpu.memory_space<vmem>>) target(%dma_start3A_106 : memref<32x1024xf32, #tpu.memory_space<hbm>>) target_semaphore(%arg12 : memref<!tpu.dma_semaphore, #tpu.memory_space<semaphore_mem>>)
    %dma_wait3A_107 = arith.constant 0 : i32
    %dma_wait3A_108 = tpu.memref_slice %arg4[%add3A_102, %dma_wait3A_107] : memref<32768x1024xf32, #tpu.memory_space<hbm>> -> memref<32x1024xf32, #tpu.memory_space<hbm>>
    %dma_wait3A_109 = arith.constant 0 : i32
    %dma_wait3A_110 = tpu.memref_slice %arg4[%add3A_102, %dma_wait3A_109] : memref<32768x1024xf32, #tpu.memory_space<hbm>> -> memref<32x1024xf32, #tpu.memory_space<hbm>>
    tpu.wait_dma2 semaphore(%arg12 : memref<!tpu.dma_semaphore, #tpu.memory_space<semaphore_mem>>) src(%arg6 : memref<32x1024xf32, #tpu.memory_space<vmem>>) dst(%dma_wait3A_110 : memref<32x1024xf32, #tpu.memory_space<hbm>>)
    %dma_start3A_111 = arith.constant 6 : i32
    %dma_start3A_112 = arith.constant 0 : i32
    %dma_start3A_113 = tpu.memref_slice %arg5[%dma_start3A_111, %dma_start3A_112] : memref<32x32xi32, #tpu.memory_space<vmem>> -> memref<1x32xi32, #tpu.memory_space<vmem>>
    %dma_start3A_114 = tpu.memref_squeeze %dma_start3A_113 : memref<1x32xi32, #tpu.memory_space<vmem>> -> memref<32xi32, #tpu.memory_space<vmem>>
    %dma_start3A_115 = arith.constant 0 : i32
    %dma_start3A_116 = arith.constant 0 : i32
    %dma_start3A_117 = tpu.memref_slice %arg2[%dma_start3A_115, %dma_start3A_116] : memref<8192x1024xf32, #tpu.memory_space<hbm>> -> memref<8192x1024xf32, #tpu.memory_space<hbm>>
    tpu.enqueue_indirect_dma source(%dma_start3A_117 : memref<8192x1024xf32, #tpu.memory_space<hbm>>) target(%arg6 : memref<32x1024xf32, #tpu.memory_space<vmem>>) offsets(%dma_start3A_114 : memref<32xi32, #tpu.memory_space<vmem>>) semaphore(%arg9 : memref<!tpu.dma_semaphore, #tpu.memory_space<semaphore_mem>>)
    %dma_wait3A_118 = arith.constant 4 : i32
    %dma_wait3A_119 = arith.constant 0 : i32
    %dma_wait3A_120 = tpu.memref_slice %arg5[%dma_wait3A_118, %dma_wait3A_119] : memref<32x32xi32, #tpu.memory_space<vmem>> -> memref<1x32xi32, #tpu.memory_space<vmem>>
    %dma_wait3A_121 = tpu.memref_squeeze %dma_wait3A_120 : memref<1x32xi32, #tpu.memory_space<vmem>> -> memref<32xi32, #tpu.memory_space<vmem>>
    %dma_wait3A_122 = arith.constant 0 : i32
    %dma_wait3A_123 = arith.constant 0 : i32
    %dma_wait3A_124 = tpu.memref_slice %arg2[%dma_wait3A_122, %dma_wait3A_123] : memref<8192x1024xf32, #tpu.memory_space<hbm>> -> memref<8192x1024xf32, #tpu.memory_space<hbm>>
    tpu.wait_indirect_dma semaphore(%arg10 : memref<!tpu.dma_semaphore, #tpu.memory_space<semaphore_mem>>) src(%dma_wait3A_124 : memref<8192x1024xf32, #tpu.memory_space<hbm>>) dst(%arg7 : memref<32x1024xf32, #tpu.memory_space<vmem>>)
    %add3A_125 = arith.constant 128 : i32
    %add3A_126 = arith.addi %mul3A_2, %add3A_125 : i32
    %dma_start3A_127 = arith.constant 0 : i32
    %dma_start3A_128 = tpu.memref_slice %arg4[%add3A_126, %dma_start3A_127] : memref<32768x1024xf32, #tpu.memory_space<hbm>> -> memref<32x1024xf32, #tpu.memory_space<hbm>>
    %dma_start3A_129 = arith.constant 0 : i32
    %dma_start3A_130 = tpu.memref_slice %arg4[%add3A_126, %dma_start3A_129] : memref<32768x1024xf32, #tpu.memory_space<hbm>> -> memref<32x1024xf32, #tpu.memory_space<hbm>>
    tpu.enqueue_dma source(%arg7 : memref<32x1024xf32, #tpu.memory_space<vmem>>) target(%dma_start3A_130 : memref<32x1024xf32, #tpu.memory_space<hbm>>) target_semaphore(%arg13 : memref<!tpu.dma_semaphore, #tpu.memory_space<semaphore_mem>>)
    %dma_wait3A_131 = arith.constant 0 : i32
    %dma_wait3A_132 = tpu.memref_slice %arg4[%add3A_126, %dma_wait3A_131] : memref<32768x1024xf32, #tpu.memory_space<hbm>> -> memref<32x1024xf32, #tpu.memory_space<hbm>>
    %dma_wait3A_133 = arith.constant 0 : i32
    %dma_wait3A_134 = tpu.memref_slice %arg4[%add3A_126, %dma_wait3A_133] : memref<32768x1024xf32, #tpu.memory_space<hbm>> -> memref<32x1024xf32, #tpu.memory_space<hbm>>
    tpu.wait_dma2 semaphore(%arg13 : memref<!tpu.dma_semaphore, #tpu.memory_space<semaphore_mem>>) src(%arg7 : memref<32x1024xf32, #tpu.memory_space<vmem>>) dst(%dma_wait3A_134 : memref<32x1024xf32, #tpu.memory_space<hbm>>)
    %dma_start3A_135 = arith.constant 7 : i32
    %dma_start3A_136 = arith.constant 0 : i32
    %dma_start3A_137 = tpu.memref_slice %arg5[%dma_start3A_135, %dma_start3A_136] : memref<32x32xi32, #tpu.memory_space<vmem>> -> memref<1x32xi32, #tpu.memory_space<vmem>>
    %dma_start3A_138 = tpu.memref_squeeze %dma_start3A_137 : memref<1x32xi32, #tpu.memory_space<vmem>> -> memref<32xi32, #tpu.memory_space<vmem>>
    %dma_start3A_139 = arith.constant 0 : i32
    %dma_start3A_140 = arith.constant 0 : i32
    %dma_start3A_141 = tpu.memref_slice %arg2[%dma_start3A_139, %dma_start3A_140] : memref<8192x1024xf32, #tpu.memory_space<hbm>> -> memref<8192x1024xf32, #tpu.memory_space<hbm>>
    tpu.enqueue_indirect_dma source(%dma_start3A_141 : memref<8192x1024xf32, #tpu.memory_space<hbm>>) target(%arg7 : memref<32x1024xf32, #tpu.memory_space<vmem>>) offsets(%dma_start3A_138 : memref<32xi32, #tpu.memory_space<vmem>>) semaphore(%arg10 : memref<!tpu.dma_semaphore, #tpu.memory_space<semaphore_mem>>)
    %dma_wait3A_142 = arith.constant 5 : i32
    %dma_wait3A_143 = arith.constant 0 : i32
    %dma_wait3A_144 = tpu.memref_slice %arg5[%dma_wait3A_142, %dma_wait3A_143] : memref<32x32xi32, #tpu.memory_space<vmem>> -> memref<1x32xi32, #tpu.memory_space<vmem>>
    %dma_wait3A_145 = tpu.memref_squeeze %dma_wait3A_144 : memref<1x32xi32, #tpu.memory_space<vmem>> -> memref<32xi32, #tpu.memory_space<vmem>>
    %dma_wait3A_146 = arith.constant 0 : i32
    %dma_wait3A_147 = arith.constant 0 : i32
    %dma_wait3A_148 = tpu.memref_slice %arg2[%dma_wait3A_146, %dma_wait3A_147] : memref<8192x1024xf32, #tpu.memory_space<hbm>> -> memref<8192x1024xf32, #tpu.memory_space<hbm>>
    tpu.wait_indirect_dma semaphore(%arg11 : memref<!tpu.dma_semaphore, #tpu.memory_space<semaphore_mem>>) src(%dma_wait3A_148 : memref<8192x1024xf32, #tpu.memory_space<hbm>>) dst(%arg8 : memref<32x1024xf32, #tpu.memory_space<vmem>>)
    %add3A_149 = arith.constant 160 : i32
    %add3A_150 = arith.addi %mul3A_2, %add3A_149 : i32
    %dma_start3A_151 = arith.constant 0 : i32
    %dma_start3A_152 = tpu.memref_slice %arg4[%add3A_150, %dma_start3A_151] : memref<32768x1024xf32, #tpu.memory_space<hbm>> -> memref<32x1024xf32, #tpu.memory_space<hbm>>
    %dma_start3A_153 = arith.constant 0 : i32
    %dma_start3A_154 = tpu.memref_slice %arg4[%add3A_150, %dma_start3A_153] : memref<32768x1024xf32, #tpu.memory_space<hbm>> -> memref<32x1024xf32, #tpu.memory_space<hbm>>
    tpu.enqueue_dma source(%arg8 : memref<32x1024xf32, #tpu.memory_space<vmem>>) target(%dma_start3A_154 : memref<32x1024xf32, #tpu.memory_space<hbm>>) target_semaphore(%arg14 : memref<!tpu.dma_semaphore, #tpu.memory_space<semaphore_mem>>)
    %dma_wait3A_155 = arith.constant 0 : i32
    %dma_wait3A_156 = tpu.memref_slice %arg4[%add3A_150, %dma_wait3A_155] : memref<32768x1024xf32, #tpu.memory_space<hbm>> -> memref<32x1024xf32, #tpu.memory_space<hbm>>
    %dma_wait3A_157 = arith.constant 0 : i32
    %dma_wait3A_158 = tpu.memref_slice %arg4[%add3A_150, %dma_wait3A_157] : memref<32768x1024xf32, #tpu.memory_space<hbm>> -> memref<32x1024xf32, #tpu.memory_space<hbm>>
    tpu.wait_dma2 semaphore(%arg14 : memref<!tpu.dma_semaphore, #tpu.memory_space<semaphore_mem>>) src(%arg8 : memref<32x1024xf32, #tpu.memory_space<vmem>>) dst(%dma_wait3A_158 : memref<32x1024xf32, #tpu.memory_space<hbm>>)
    %dma_start3A_159 = arith.constant 8 : i32
    %dma_start3A_160 = arith.constant 0 : i32
    %dma_start3A_161 = tpu.memref_slice %arg5[%dma_start3A_159, %dma_start3A_160] : memref<32x32xi32, #tpu.memory_space<vmem>> -> memref<1x32xi32, #tpu.memory_space<vmem>>
    %dma_start3A_162 = tpu.memref_squeeze %dma_start3A_161 : memref<1x32xi32, #tpu.memory_space<vmem>> -> memref<32xi32, #tpu.memory_space<vmem>>
    %dma_start3A_163 = arith.constant 0 : i32
    %dma_start3A_164 = arith.constant 0 : i32
    %dma_start3A_165 = tpu.memref_slice %arg2[%dma_start3A_163, %dma_start3A_164] : memref<8192x1024xf32, #tpu.memory_space<hbm>> -> memref<8192x1024xf32, #tpu.memory_space<hbm>>
    tpu.enqueue_indirect_dma source(%dma_start3A_165 : memref<8192x1024xf32, #tpu.memory_space<hbm>>) target(%arg8 : memref<32x1024xf32, #tpu.memory_space<vmem>>) offsets(%dma_start3A_162 : memref<32xi32, #tpu.memory_space<vmem>>) semaphore(%arg11 : memref<!tpu.dma_semaphore, #tpu.memory_space<semaphore_mem>>)
    %dma_wait3A_166 = arith.constant 6 : i32
    %dma_wait3A_167 = arith.constant 0 : i32
    %dma_wait3A_168 = tpu.memref_slice %arg5[%dma_wait3A_166, %dma_wait3A_167] : memref<32x32xi32, #tpu.memory_space<vmem>> -> memref<1x32xi32, #tpu.memory_space<vmem>>
    %dma_wait3A_169 = tpu.memref_squeeze %dma_wait3A_168 : memref<1x32xi32, #tpu.memory_space<vmem>> -> memref<32xi32, #tpu.memory_space<vmem>>
    %dma_wait3A_170 = arith.constant 0 : i32
    %dma_wait3A_171 = arith.constant 0 : i32
    %dma_wait3A_172 = tpu.memref_slice %arg2[%dma_wait3A_170, %dma_wait3A_171] : memref<8192x1024xf32, #tpu.memory_space<hbm>> -> memref<8192x1024xf32, #tpu.memory_space<hbm>>
    tpu.wait_indirect_dma semaphore(%arg9 : memref<!tpu.dma_semaphore, #tpu.memory_space<semaphore_mem>>) src(%dma_wait3A_172 : memref<8192x1024xf32, #tpu.memory_space<hbm>>) dst(%arg6 : memref<32x1024xf32, #tpu.memory_space<vmem>>)
    %add3A_173 = arith.constant 192 : i32
    %add3A_174 = arith.addi %mul3A_2, %add3A_173 : i32
    %dma_start3A_175 = arith.constant 0 : i32
    %dma_start3A_176 = tpu.memref_slice %arg4[%add3A_174, %dma_start3A_175] : memref<32768x1024xf32, #tpu.memory_space<hbm>> -> memref<32x1024xf32, #tpu.memory_space<hbm>>
    %dma_start3A_177 = arith.constant 0 : i32
    %dma_start3A_178 = tpu.memref_slice %arg4[%add3A_174, %dma_start3A_177] : memref<32768x1024xf32, #tpu.memory_space<hbm>> -> memref<32x1024xf32, #tpu.memory_space<hbm>>
    tpu.enqueue_dma source(%arg6 : memref<32x1024xf32, #tpu.memory_space<vmem>>) target(%dma_start3A_178 : memref<32x1024xf32, #tpu.memory_space<hbm>>) target_semaphore(%arg12 : memref<!tpu.dma_semaphore, #tpu.memory_space<semaphore_mem>>)
    %dma_wait3A_179 = arith.constant 0 : i32
    %dma_wait3A_180 = tpu.memref_slice %arg4[%add3A_174, %dma_wait3A_179] : memref<32768x1024xf32, #tpu.memory_space<hbm>> -> memref<32x1024xf32, #tpu.memory_space<hbm>>
    %dma_wait3A_181 = arith.constant 0 : i32
    %dma_wait3A_182 = tpu.memref_slice %arg4[%add3A_174, %dma_wait3A_181] : memref<32768x1024xf32, #tpu.memory_space<hbm>> -> memref<32x1024xf32, #tpu.memory_space<hbm>>
    tpu.wait_dma2 semaphore(%arg12 : memref<!tpu.dma_semaphore, #tpu.memory_space<semaphore_mem>>) src(%arg6 : memref<32x1024xf32, #tpu.memory_space<vmem>>) dst(%dma_wait3A_182 : memref<32x1024xf32, #tpu.memory_space<hbm>>)
    %dma_start3A_183 = arith.constant 9 : i32
    %dma_start3A_184 = arith.constant 0 : i32
    %dma_start3A_185 = tpu.memref_slice %arg5[%dma_start3A_183, %dma_start3A_184] : memref<32x32xi32, #tpu.memory_space<vmem>> -> memref<1x32xi32, #tpu.memory_space<vmem>>
    %dma_start3A_186 = tpu.memref_squeeze %dma_start3A_185 : memref<1x32xi32, #tpu.memory_space<vmem>> -> memref<32xi32, #tpu.memory_space<vmem>>
    %dma_start3A_187 = arith.constant 0 : i32
    %dma_start3A_188 = arith.constant 0 : i32
    %dma_start3A_189 = tpu.memref_slice %arg2[%dma_start3A_187, %dma_start3A_188] : memref<8192x1024xf32, #tpu.memory_space<hbm>> -> memref<8192x1024xf32, #tpu.memory_space<hbm>>
    tpu.enqueue_indirect_dma source(%dma_start3A_189 : memref<8192x1024xf32, #tpu.memory_space<hbm>>) target(%arg6 : memref<32x1024xf32, #tpu.memory_space<vmem>>) offsets(%dma_start3A_186 : memref<32xi32, #tpu.memory_space<vmem>>) semaphore(%arg9 : memref<!tpu.dma_semaphore, #tpu.memory_space<semaphore_mem>>)
    %dma_wait3A_190 = arith.constant 7 : i32
    %dma_wait3A_191 = arith.constant 0 : i32
    %dma_wait3A_192 = tpu.memref_slice %arg5[%dma_wait3A_190, %dma_wait3A_191] : memref<32x32xi32, #tpu.memory_space<vmem>> -> memref<1x32xi32, #tpu.memory_space<vmem>>
    %dma_wait3A_193 = tpu.memref_squeeze %dma_wait3A_192 : memref<1x32xi32, #tpu.memory_space<vmem>> -> memref<32xi32, #tpu.memory_space<vmem>>
    %dma_wait3A_194 = arith.constant 0 : i32
    %dma_wait3A_195 = arith.constant 0 : i32
    %dma_wait3A_196 = tpu.memref_slice %arg2[%dma_wait3A_194, %dma_wait3A_195] : memref<8192x1024xf32, #tpu.memory_space<hbm>> -> memref<8192x1024xf32, #tpu.memory_space<hbm>>
    tpu.wait_indirect_dma semaphore(%arg10 : memref<!tpu.dma_semaphore, #tpu.memory_space<semaphore_mem>>) src(%dma_wait3A_196 : memref<8192x1024xf32, #tpu.memory_space<hbm>>) dst(%arg7 : memref<32x1024xf32, #tpu.memory_space<vmem>>)
    %add3A_197 = arith.constant 224 : i32
    %add3A_198 = arith.addi %mul3A_2, %add3A_197 : i32
    %dma_start3A_199 = arith.constant 0 : i32
    %dma_start3A_200 = tpu.memref_slice %arg4[%add3A_198, %dma_start3A_199] : memref<32768x1024xf32, #tpu.memory_space<hbm>> -> memref<32x1024xf32, #tpu.memory_space<hbm>>
    %dma_start3A_201 = arith.constant 0 : i32
    %dma_start3A_202 = tpu.memref_slice %arg4[%add3A_198, %dma_start3A_201] : memref<32768x1024xf32, #tpu.memory_space<hbm>> -> memref<32x1024xf32, #tpu.memory_space<hbm>>
    tpu.enqueue_dma source(%arg7 : memref<32x1024xf32, #tpu.memory_space<vmem>>) target(%dma_start3A_202 : memref<32x1024xf32, #tpu.memory_space<hbm>>) target_semaphore(%arg13 : memref<!tpu.dma_semaphore, #tpu.memory_space<semaphore_mem>>)
    %dma_wait3A_203 = arith.constant 0 : i32
    %dma_wait3A_204 = tpu.memref_slice %arg4[%add3A_198, %dma_wait3A_203] : memref<32768x1024xf32, #tpu.memory_space<hbm>> -> memref<32x1024xf32, #tpu.memory_space<hbm>>
    %dma_wait3A_205 = arith.constant 0 : i32
    %dma_wait3A_206 = tpu.memref_slice %arg4[%add3A_198, %dma_wait3A_205] : memref<32768x1024xf32, #tpu.memory_space<hbm>> -> memref<32x1024xf32, #tpu.memory_space<hbm>>
    tpu.wait_dma2 semaphore(%arg13 : memref<!tpu.dma_semaphore, #tpu.memory_space<semaphore_mem>>) src(%arg7 : memref<32x1024xf32, #tpu.memory_space<vmem>>) dst(%dma_wait3A_206 : memref<32x1024xf32, #tpu.memory_space<hbm>>)
    %dma_start3A_207 = arith.constant 10 : i32
    %dma_start3A_208 = arith.constant 0 : i32
    %dma_start3A_209 = tpu.memref_slice %arg5[%dma_start3A_207, %dma_start3A_208] : memref<32x32xi32, #tpu.memory_space<vmem>> -> memref<1x32xi32, #tpu.memory_space<vmem>>
    %dma_start3A_210 = tpu.memref_squeeze %dma_start3A_209 : memref<1x32xi32, #tpu.memory_space<vmem>> -> memref<32xi32, #tpu.memory_space<vmem>>
    %dma_start3A_211 = arith.constant 0 : i32
    %dma_start3A_212 = arith.constant 0 : i32
    %dma_start3A_213 = tpu.memref_slice %arg2[%dma_start3A_211, %dma_start3A_212] : memref<8192x1024xf32, #tpu.memory_space<hbm>> -> memref<8192x1024xf32, #tpu.memory_space<hbm>>
    tpu.enqueue_indirect_dma source(%dma_start3A_213 : memref<8192x1024xf32, #tpu.memory_space<hbm>>) target(%arg7 : memref<32x1024xf32, #tpu.memory_space<vmem>>) offsets(%dma_start3A_210 : memref<32xi32, #tpu.memory_space<vmem>>) semaphore(%arg10 : memref<!tpu.dma_semaphore, #tpu.memory_space<semaphore_mem>>)
    %dma_wait3A_214 = arith.constant 8 : i32
    %dma_wait3A_215 = arith.constant 0 : i32
    %dma_wait3A_216 = tpu.memref_slice %arg5[%dma_wait3A_214, %dma_wait3A_215] : memref<32x32xi32, #tpu.memory_space<vmem>> -> memref<1x32xi32, #tpu.memory_space<vmem>>
    %dma_wait3A_217 = tpu.memref_squeeze %dma_wait3A_216 : memref<1x32xi32, #tpu.memory_space<vmem>> -> memref<32xi32, #tpu.memory_space<vmem>>
    %dma_wait3A_218 = arith.constant 0 : i32
    %dma_wait3A_219 = arith.constant 0 : i32
    %dma_wait3A_220 = tpu.memref_slice %arg2[%dma_wait3A_218, %dma_wait3A_219] : memref<8192x1024xf32, #tpu.memory_space<hbm>> -> memref<8192x1024xf32, #tpu.memory_space<hbm>>
    tpu.wait_indirect_dma semaphore(%arg11 : memref<!tpu.dma_semaphore, #tpu.memory_space<semaphore_mem>>) src(%dma_wait3A_220 : memref<8192x1024xf32, #tpu.memory_space<hbm>>) dst(%arg8 : memref<32x1024xf32, #tpu.memory_space<vmem>>)
    %add3A_221 = arith.constant 256 : i32
    %add3A_222 = arith.addi %mul3A_2, %add3A_221 : i32
    %dma_start3A_223 = arith.constant 0 : i32
    %dma_start3A_224 = tpu.memref_slice %arg4[%add3A_222, %dma_start3A_223] : memref<32768x1024xf32, #tpu.memory_space<hbm>> -> memref<32x1024xf32, #tpu.memory_space<hbm>>
    %dma_start3A_225 = arith.constant 0 : i32
    %dma_start3A_226 = tpu.memref_slice %arg4[%add3A_222, %dma_start3A_225] : memref<32768x1024xf32, #tpu.memory_space<hbm>> -> memref<32x1024xf32, #tpu.memory_space<hbm>>
    tpu.enqueue_dma source(%arg8 : memref<32x1024xf32, #tpu.memory_space<vmem>>) target(%dma_start3A_226 : memref<32x1024xf32, #tpu.memory_space<hbm>>) target_semaphore(%arg14 : memref<!tpu.dma_semaphore, #tpu.memory_space<semaphore_mem>>)
    %dma_wait3A_227 = arith.constant 0 : i32
    %dma_wait3A_228 = tpu.memref_slice %arg4[%add3A_222, %dma_wait3A_227] : memref<32768x1024xf32, #tpu.memory_space<hbm>> -> memref<32x1024xf32, #tpu.memory_space<hbm>>
    %dma_wait3A_229 = arith.constant 0 : i32
    %dma_wait3A_230 = tpu.memref_slice %arg4[%add3A_222, %dma_wait3A_229] : memref<32768x1024xf32, #tpu.memory_space<hbm>> -> memref<32x1024xf32, #tpu.memory_space<hbm>>
    tpu.wait_dma2 semaphore(%arg14 : memref<!tpu.dma_semaphore, #tpu.memory_space<semaphore_mem>>) src(%arg8 : memref<32x1024xf32, #tpu.memory_space<vmem>>) dst(%dma_wait3A_230 : memref<32x1024xf32, #tpu.memory_space<hbm>>)
    %dma_start3A_231 = arith.constant 11 : i32
    %dma_start3A_232 = arith.constant 0 : i32
    %dma_start3A_233 = tpu.memref_slice %arg5[%dma_start3A_231, %dma_start3A_232] : memref<32x32xi32, #tpu.memory_space<vmem>> -> memref<1x32xi32, #tpu.memory_space<vmem>>
    %dma_start3A_234 = tpu.memref_squeeze %dma_start3A_233 : memref<1x32xi32, #tpu.memory_space<vmem>> -> memref<32xi32, #tpu.memory_space<vmem>>
    %dma_start3A_235 = arith.constant 0 : i32
    %dma_start3A_236 = arith.constant 0 : i32
    %dma_start3A_237 = tpu.memref_slice %arg2[%dma_start3A_235, %dma_start3A_236] : memref<8192x1024xf32, #tpu.memory_space<hbm>> -> memref<8192x1024xf32, #tpu.memory_space<hbm>>
    tpu.enqueue_indirect_dma source(%dma_start3A_237 : memref<8192x1024xf32, #tpu.memory_space<hbm>>) target(%arg8 : memref<32x1024xf32, #tpu.memory_space<vmem>>) offsets(%dma_start3A_234 : memref<32xi32, #tpu.memory_space<vmem>>) semaphore(%arg11 : memref<!tpu.dma_semaphore, #tpu.memory_space<semaphore_mem>>)
    %dma_wait3A_238 = arith.constant 9 : i32
    %dma_wait3A_239 = arith.constant 0 : i32
    %dma_wait3A_240 = tpu.memref_slice %arg5[%dma_wait3A_238, %dma_wait3A_239] : memref<32x32xi32, #tpu.memory_space<vmem>> -> memref<1x32xi32, #tpu.memory_space<vmem>>
    %dma_wait3A_241 = tpu.memref_squeeze %dma_wait3A_240 : memref<1x32xi32, #tpu.memory_space<vmem>> -> memref<32xi32, #tpu.memory_space<vmem>>
    %dma_wait3A_242 = arith.constant 0 : i32
    %dma_wait3A_243 = arith.constant 0 : i32
    %dma_wait3A_244 = tpu.memref_slice %arg2[%dma_wait3A_242, %dma_wait3A_243] : memref<8192x1024xf32, #tpu.memory_space<hbm>> -> memref<8192x1024xf32, #tpu.memory_space<hbm>>
    tpu.wait_indirect_dma semaphore(%arg9 : memref<!tpu.dma_semaphore, #tpu.memory_space<semaphore_mem>>) src(%dma_wait3A_244 : memref<8192x1024xf32, #tpu.memory_space<hbm>>) dst(%arg6 : memref<32x1024xf32, #tpu.memory_space<vmem>>)
    %add3A_245 = arith.constant 288 : i32
    %add3A_246 = arith.addi %mul3A_2, %add3A_245 : i32
    %dma_start3A_247 = arith.constant 0 : i32
    %dma_start3A_248 = tpu.memref_slice %arg4[%add3A_246, %dma_start3A_247] : memref<32768x1024xf32, #tpu.memory_space<hbm>> -> memref<32x1024xf32, #tpu.memory_space<hbm>>
    %dma_start3A_249 = arith.constant 0 : i32
    %dma_start3A_250 = tpu.memref_slice %arg4[%add3A_246, %dma_start3A_249] : memref<32768x1024xf32, #tpu.memory_space<hbm>> -> memref<32x1024xf32, #tpu.memory_space<hbm>>
    tpu.enqueue_dma source(%arg6 : memref<32x1024xf32, #tpu.memory_space<vmem>>) target(%dma_start3A_250 : memref<32x1024xf32, #tpu.memory_space<hbm>>) target_semaphore(%arg12 : memref<!tpu.dma_semaphore, #tpu.memory_space<semaphore_mem>>)
    %dma_wait3A_251 = arith.constant 0 : i32
    %dma_wait3A_252 = tpu.memref_slice %arg4[%add3A_246, %dma_wait3A_251] : memref<32768x1024xf32, #tpu.memory_space<hbm>> -> memref<32x1024xf32, #tpu.memory_space<hbm>>
    %dma_wait3A_253 = arith.constant 0 : i32
    %dma_wait3A_254 = tpu.memref_slice %arg4[%add3A_246, %dma_wait3A_253] : memref<32768x1024xf32, #tpu.memory_space<hbm>> -> memref<32x1024xf32, #tpu.memory_space<hbm>>
    tpu.wait_dma2 semaphore(%arg12 : memref<!tpu.dma_semaphore, #tpu.memory_space<semaphore_mem>>) src(%arg6 : memref<32x1024xf32, #tpu.memory_space<vmem>>) dst(%dma_wait3A_254 : memref<32x1024xf32, #tpu.memory_space<hbm>>)
    %dma_start3A_255 = arith.constant 12 : i32
    %dma_start3A_256 = arith.constant 0 : i32
    %dma_start3A_257 = tpu.memref_slice %arg5[%dma_start3A_255, %dma_start3A_256] : memref<32x32xi32, #tpu.memory_space<vmem>> -> memref<1x32xi32, #tpu.memory_space<vmem>>
    %dma_start3A_258 = tpu.memref_squeeze %dma_start3A_257 : memref<1x32xi32, #tpu.memory_space<vmem>> -> memref<32xi32, #tpu.memory_space<vmem>>
    %dma_start3A_259 = arith.constant 0 : i32
    %dma_start3A_260 = arith.constant 0 : i32
    %dma_start3A_261 = tpu.memref_slice %arg2[%dma_start3A_259, %dma_start3A_260] : memref<8192x1024xf32, #tpu.memory_space<hbm>> -> memref<8192x1024xf32, #tpu.memory_space<hbm>>
    tpu.enqueue_indirect_dma source(%dma_start3A_261 : memref<8192x1024xf32, #tpu.memory_space<hbm>>) target(%arg6 : memref<32x1024xf32, #tpu.memory_space<vmem>>) offsets(%dma_start3A_258 : memref<32xi32, #tpu.memory_space<vmem>>) semaphore(%arg9 : memref<!tpu.dma_semaphore, #tpu.memory_space<semaphore_mem>>)
    %dma_wait3A_262 = arith.constant 10 : i32
    %dma_wait3A_263 = arith.constant 0 : i32
    %dma_wait3A_264 = tpu.memref_slice %arg5[%dma_wait3A_262, %dma_wait3A_263] : memref<32x32xi32, #tpu.memory_space<vmem>> -> memref<1x32xi32, #tpu.memory_space<vmem>>
    %dma_wait3A_265 = tpu.memref_squeeze %dma_wait3A_264 : memref<1x32xi32, #tpu.memory_space<vmem>> -> memref<32xi32, #tpu.memory_space<vmem>>
    %dma_wait3A_266 = arith.constant 0 : i32
    %dma_wait3A_267 = arith.constant 0 : i32
    %dma_wait3A_268 = tpu.memref_slice %arg2[%dma_wait3A_266, %dma_wait3A_267] : memref<8192x1024xf32, #tpu.memory_space<hbm>> -> memref<8192x1024xf32, #tpu.memory_space<hbm>>
    tpu.wait_indirect_dma semaphore(%arg10 : memref<!tpu.dma_semaphore, #tpu.memory_space<semaphore_mem>>) src(%dma_wait3A_268 : memref<8192x1024xf32, #tpu.memory_space<hbm>>) dst(%arg7 : memref<32x1024xf32, #tpu.memory_space<vmem>>)
    %add3A_269 = arith.constant 320 : i32
    %add3A_270 = arith.addi %mul3A_2, %add3A_269 : i32
    %dma_start3A_271 = arith.constant 0 : i32
    %dma_start3A_272 = tpu.memref_slice %arg4[%add3A_270, %dma_start3A_271] : memref<32768x1024xf32, #tpu.memory_space<hbm>> -> memref<32x1024xf32, #tpu.memory_space<hbm>>
    %dma_start3A_273 = arith.constant 0 : i32
    %dma_start3A_274 = tpu.memref_slice %arg4[%add3A_270, %dma_start3A_273] : memref<32768x1024xf32, #tpu.memory_space<hbm>> -> memref<32x1024xf32, #tpu.memory_space<hbm>>
    tpu.enqueue_dma source(%arg7 : memref<32x1024xf32, #tpu.memory_space<vmem>>) target(%dma_start3A_274 : memref<32x1024xf32, #tpu.memory_space<hbm>>) target_semaphore(%arg13 : memref<!tpu.dma_semaphore, #tpu.memory_space<semaphore_mem>>)
    %dma_wait3A_275 = arith.constant 0 : i32
    %dma_wait3A_276 = tpu.memref_slice %arg4[%add3A_270, %dma_wait3A_275] : memref<32768x1024xf32, #tpu.memory_space<hbm>> -> memref<32x1024xf32, #tpu.memory_space<hbm>>
    %dma_wait3A_277 = arith.constant 0 : i32
    %dma_wait3A_278 = tpu.memref_slice %arg4[%add3A_270, %dma_wait3A_277] : memref<32768x1024xf32, #tpu.memory_space<hbm>> -> memref<32x1024xf32, #tpu.memory_space<hbm>>
    tpu.wait_dma2 semaphore(%arg13 : memref<!tpu.dma_semaphore, #tpu.memory_space<semaphore_mem>>) src(%arg7 : memref<32x1024xf32, #tpu.memory_space<vmem>>) dst(%dma_wait3A_278 : memref<32x1024xf32, #tpu.memory_space<hbm>>)
    %dma_start3A_279 = arith.constant 13 : i32
    %dma_start3A_280 = arith.constant 0 : i32
    %dma_start3A_281 = tpu.memref_slice %arg5[%dma_start3A_279, %dma_start3A_280] : memref<32x32xi32, #tpu.memory_space<vmem>> -> memref<1x32xi32, #tpu.memory_space<vmem>>
    %dma_start3A_282 = tpu.memref_squeeze %dma_start3A_281 : memref<1x32xi32, #tpu.memory_space<vmem>> -> memref<32xi32, #tpu.memory_space<vmem>>
    %dma_start3A_283 = arith.constant 0 : i32
    %dma_start3A_284 = arith.constant 0 : i32
    %dma_start3A_285 = tpu.memref_slice %arg2[%dma_start3A_283, %dma_start3A_284] : memref<8192x1024xf32, #tpu.memory_space<hbm>> -> memref<8192x1024xf32, #tpu.memory_space<hbm>>
    tpu.enqueue_indirect_dma source(%dma_start3A_285 : memref<8192x1024xf32, #tpu.memory_space<hbm>>) target(%arg7 : memref<32x1024xf32, #tpu.memory_space<vmem>>) offsets(%dma_start3A_282 : memref<32xi32, #tpu.memory_space<vmem>>) semaphore(%arg10 : memref<!tpu.dma_semaphore, #tpu.memory_space<semaphore_mem>>)
    %dma_wait3A_286 = arith.constant 11 : i32
    %dma_wait3A_287 = arith.constant 0 : i32
    %dma_wait3A_288 = tpu.memref_slice %arg5[%dma_wait3A_286, %dma_wait3A_287] : memref<32x32xi32, #tpu.memory_space<vmem>> -> memref<1x32xi32, #tpu.memory_space<vmem>>
    %dma_wait3A_289 = tpu.memref_squeeze %dma_wait3A_288 : memref<1x32xi32, #tpu.memory_space<vmem>> -> memref<32xi32, #tpu.memory_space<vmem>>
    %dma_wait3A_290 = arith.constant 0 : i32
    %dma_wait3A_291 = arith.constant 0 : i32
    %dma_wait3A_292 = tpu.memref_slice %arg2[%dma_wait3A_290, %dma_wait3A_291] : memref<8192x1024xf32, #tpu.memory_space<hbm>> -> memref<8192x1024xf32, #tpu.memory_space<hbm>>
    tpu.wait_indirect_dma semaphore(%arg11 : memref<!tpu.dma_semaphore, #tpu.memory_space<semaphore_mem>>) src(%dma_wait3A_292 : memref<8192x1024xf32, #tpu.memory_space<hbm>>) dst(%arg8 : memref<32x1024xf32, #tpu.memory_space<vmem>>)
    %add3A_293 = arith.constant 352 : i32
    %add3A_294 = arith.addi %mul3A_2, %add3A_293 : i32
    %dma_start3A_295 = arith.constant 0 : i32
    %dma_start3A_296 = tpu.memref_slice %arg4[%add3A_294, %dma_start3A_295] : memref<32768x1024xf32, #tpu.memory_space<hbm>> -> memref<32x1024xf32, #tpu.memory_space<hbm>>
    %dma_start3A_297 = arith.constant 0 : i32
    %dma_start3A_298 = tpu.memref_slice %arg4[%add3A_294, %dma_start3A_297] : memref<32768x1024xf32, #tpu.memory_space<hbm>> -> memref<32x1024xf32, #tpu.memory_space<hbm>>
    tpu.enqueue_dma source(%arg8 : memref<32x1024xf32, #tpu.memory_space<vmem>>) target(%dma_start3A_298 : memref<32x1024xf32, #tpu.memory_space<hbm>>) target_semaphore(%arg14 : memref<!tpu.dma_semaphore, #tpu.memory_space<semaphore_mem>>)
    %dma_wait3A_299 = arith.constant 0 : i32
    %dma_wait3A_300 = tpu.memref_slice %arg4[%add3A_294, %dma_wait3A_299] : memref<32768x1024xf32, #tpu.memory_space<hbm>> -> memref<32x1024xf32, #tpu.memory_space<hbm>>
    %dma_wait3A_301 = arith.constant 0 : i32
    %dma_wait3A_302 = tpu.memref_slice %arg4[%add3A_294, %dma_wait3A_301] : memref<32768x1024xf32, #tpu.memory_space<hbm>> -> memref<32x1024xf32, #tpu.memory_space<hbm>>
    tpu.wait_dma2 semaphore(%arg14 : memref<!tpu.dma_semaphore, #tpu.memory_space<semaphore_mem>>) src(%arg8 : memref<32x1024xf32, #tpu.memory_space<vmem>>) dst(%dma_wait3A_302 : memref<32x1024xf32, #tpu.memory_space<hbm>>)
    %dma_start3A_303 = arith.constant 14 : i32
    %dma_start3A_304 = arith.constant 0 : i32
    %dma_start3A_305 = tpu.memref_slice %arg5[%dma_start3A_303, %dma_start3A_304] : memref<32x32xi32, #tpu.memory_space<vmem>> -> memref<1x32xi32, #tpu.memory_space<vmem>>
    %dma_start3A_306 = tpu.memref_squeeze %dma_start3A_305 : memref<1x32xi32, #tpu.memory_space<vmem>> -> memref<32xi32, #tpu.memory_space<vmem>>
    %dma_start3A_307 = arith.constant 0 : i32
    %dma_start3A_308 = arith.constant 0 : i32
    %dma_start3A_309 = tpu.memref_slice %arg2[%dma_start3A_307, %dma_start3A_308] : memref<8192x1024xf32, #tpu.memory_space<hbm>> -> memref<8192x1024xf32, #tpu.memory_space<hbm>>
    tpu.enqueue_indirect_dma source(%dma_start3A_309 : memref<8192x1024xf32, #tpu.memory_space<hbm>>) target(%arg8 : memref<32x1024xf32, #tpu.memory_space<vmem>>) offsets(%dma_start3A_306 : memref<32xi32, #tpu.memory_space<vmem>>) semaphore(%arg11 : memref<!tpu.dma_semaphore, #tpu.memory_space<semaphore_mem>>)
    %dma_wait3A_310 = arith.constant 12 : i32
    %dma_wait3A_311 = arith.constant 0 : i32
    %dma_wait3A_312 = tpu.memref_slice %arg5[%dma_wait3A_310, %dma_wait3A_311] : memref<32x32xi32, #tpu.memory_space<vmem>> -> memref<1x32xi32, #tpu.memory_space<vmem>>
    %dma_wait3A_313 = tpu.memref_squeeze %dma_wait3A_312 : memref<1x32xi32, #tpu.memory_space<vmem>> -> memref<32xi32, #tpu.memory_space<vmem>>
    %dma_wait3A_314 = arith.constant 0 : i32
    %dma_wait3A_315 = arith.constant 0 : i32
    %dma_wait3A_316 = tpu.memref_slice %arg2[%dma_wait3A_314, %dma_wait3A_315] : memref<8192x1024xf32, #tpu.memory_space<hbm>> -> memref<8192x1024xf32, #tpu.memory_space<hbm>>
    tpu.wait_indirect_dma semaphore(%arg9 : memref<!tpu.dma_semaphore, #tpu.memory_space<semaphore_mem>>) src(%dma_wait3A_316 : memref<8192x1024xf32, #tpu.memory_space<hbm>>) dst(%arg6 : memref<32x1024xf32, #tpu.memory_space<vmem>>)
    %add3A_317 = arith.constant 384 : i32
    %add3A_318 = arith.addi %mul3A_2, %add3A_317 : i32
    %dma_start3A_319 = arith.constant 0 : i32
    %dma_start3A_320 = tpu.memref_slice %arg4[%add3A_318, %dma_start3A_319] : memref<32768x1024xf32, #tpu.memory_space<hbm>> -> memref<32x1024xf32, #tpu.memory_space<hbm>>
    %dma_start3A_321 = arith.constant 0 : i32
    %dma_start3A_322 = tpu.memref_slice %arg4[%add3A_318, %dma_start3A_321] : memref<32768x1024xf32, #tpu.memory_space<hbm>> -> memref<32x1024xf32, #tpu.memory_space<hbm>>
    tpu.enqueue_dma source(%arg6 : memref<32x1024xf32, #tpu.memory_space<vmem>>) target(%dma_start3A_322 : memref<32x1024xf32, #tpu.memory_space<hbm>>) target_semaphore(%arg12 : memref<!tpu.dma_semaphore, #tpu.memory_space<semaphore_mem>>)
    %dma_wait3A_323 = arith.constant 0 : i32
    %dma_wait3A_324 = tpu.memref_slice %arg4[%add3A_318, %dma_wait3A_323] : memref<32768x1024xf32, #tpu.memory_space<hbm>> -> memref<32x1024xf32, #tpu.memory_space<hbm>>
    %dma_wait3A_325 = arith.constant 0 : i32
    %dma_wait3A_326 = tpu.memref_slice %arg4[%add3A_318, %dma_wait3A_325] : memref<32768x1024xf32, #tpu.memory_space<hbm>> -> memref<32x1024xf32, #tpu.memory_space<hbm>>
    tpu.wait_dma2 semaphore(%arg12 : memref<!tpu.dma_semaphore, #tpu.memory_space<semaphore_mem>>) src(%arg6 : memref<32x1024xf32, #tpu.memory_space<vmem>>) dst(%dma_wait3A_326 : memref<32x1024xf32, #tpu.memory_space<hbm>>)
    %dma_start3A_327 = arith.constant 15 : i32
    %dma_start3A_328 = arith.constant 0 : i32
    %dma_start3A_329 = tpu.memref_slice %arg5[%dma_start3A_327, %dma_start3A_328] : memref<32x32xi32, #tpu.memory_space<vmem>> -> memref<1x32xi32, #tpu.memory_space<vmem>>
    %dma_start3A_330 = tpu.memref_squeeze %dma_start3A_329 : memref<1x32xi32, #tpu.memory_space<vmem>> -> memref<32xi32, #tpu.memory_space<vmem>>
    %dma_start3A_331 = arith.constant 0 : i32
    %dma_start3A_332 = arith.constant 0 : i32
    %dma_start3A_333 = tpu.memref_slice %arg2[%dma_start3A_331, %dma_start3A_332] : memref<8192x1024xf32, #tpu.memory_space<hbm>> -> memref<8192x1024xf32, #tpu.memory_space<hbm>>
    tpu.enqueue_indirect_dma source(%dma_start3A_333 : memref<8192x1024xf32, #tpu.memory_space<hbm>>) target(%arg6 : memref<32x1024xf32, #tpu.memory_space<vmem>>) offsets(%dma_start3A_330 : memref<32xi32, #tpu.memory_space<vmem>>) semaphore(%arg9 : memref<!tpu.dma_semaphore, #tpu.memory_space<semaphore_mem>>)
    %dma_wait3A_334 = arith.constant 13 : i32
    %dma_wait3A_335 = arith.constant 0 : i32
    %dma_wait3A_336 = tpu.memref_slice %arg5[%dma_wait3A_334, %dma_wait3A_335] : memref<32x32xi32, #tpu.memory_space<vmem>> -> memref<1x32xi32, #tpu.memory_space<vmem>>
    %dma_wait3A_337 = tpu.memref_squeeze %dma_wait3A_336 : memref<1x32xi32, #tpu.memory_space<vmem>> -> memref<32xi32, #tpu.memory_space<vmem>>
    %dma_wait3A_338 = arith.constant 0 : i32
    %dma_wait3A_339 = arith.constant 0 : i32
    %dma_wait3A_340 = tpu.memref_slice %arg2[%dma_wait3A_338, %dma_wait3A_339] : memref<8192x1024xf32, #tpu.memory_space<hbm>> -> memref<8192x1024xf32, #tpu.memory_space<hbm>>
    tpu.wait_indirect_dma semaphore(%arg10 : memref<!tpu.dma_semaphore, #tpu.memory_space<semaphore_mem>>) src(%dma_wait3A_340 : memref<8192x1024xf32, #tpu.memory_space<hbm>>) dst(%arg7 : memref<32x1024xf32, #tpu.memory_space<vmem>>)
    %add3A_341 = arith.constant 416 : i32
    %add3A_342 = arith.addi %mul3A_2, %add3A_341 : i32
    %dma_start3A_343 = arith.constant 0 : i32
    %dma_start3A_344 = tpu.memref_slice %arg4[%add3A_342, %dma_start3A_343] : memref<32768x1024xf32, #tpu.memory_space<hbm>> -> memref<32x1024xf32, #tpu.memory_space<hbm>>
    %dma_start3A_345 = arith.constant 0 : i32
    %dma_start3A_346 = tpu.memref_slice %arg4[%add3A_342, %dma_start3A_345] : memref<32768x1024xf32, #tpu.memory_space<hbm>> -> memref<32x1024xf32, #tpu.memory_space<hbm>>
    tpu.enqueue_dma source(%arg7 : memref<32x1024xf32, #tpu.memory_space<vmem>>) target(%dma_start3A_346 : memref<32x1024xf32, #tpu.memory_space<hbm>>) target_semaphore(%arg13 : memref<!tpu.dma_semaphore, #tpu.memory_space<semaphore_mem>>)
    %dma_wait3A_347 = arith.constant 0 : i32
    %dma_wait3A_348 = tpu.memref_slice %arg4[%add3A_342, %dma_wait3A_347] : memref<32768x1024xf32, #tpu.memory_space<hbm>> -> memref<32x1024xf32, #tpu.memory_space<hbm>>
    %dma_wait3A_349 = arith.constant 0 : i32
    %dma_wait3A_350 = tpu.memref_slice %arg4[%add3A_342, %dma_wait3A_349] : memref<32768x1024xf32, #tpu.memory_space<hbm>> -> memref<32x1024xf32, #tpu.memory_space<hbm>>
    tpu.wait_dma2 semaphore(%arg13 : memref<!tpu.dma_semaphore, #tpu.memory_space<semaphore_mem>>) src(%arg7 : memref<32x1024xf32, #tpu.memory_space<vmem>>) dst(%dma_wait3A_350 : memref<32x1024xf32, #tpu.memory_space<hbm>>)
    %dma_start3A_351 = arith.constant 16 : i32
    %dma_start3A_352 = arith.constant 0 : i32
    %dma_start3A_353 = tpu.memref_slice %arg5[%dma_start3A_351, %dma_start3A_352] : memref<32x32xi32, #tpu.memory_space<vmem>> -> memref<1x32xi32, #tpu.memory_space<vmem>>
    %dma_start3A_354 = tpu.memref_squeeze %dma_start3A_353 : memref<1x32xi32, #tpu.memory_space<vmem>> -> memref<32xi32, #tpu.memory_space<vmem>>
    %dma_start3A_355 = arith.constant 0 : i32
    %dma_start3A_356 = arith.constant 0 : i32
    %dma_start3A_357 = tpu.memref_slice %arg2[%dma_start3A_355, %dma_start3A_356] : memref<8192x1024xf32, #tpu.memory_space<hbm>> -> memref<8192x1024xf32, #tpu.memory_space<hbm>>
    tpu.enqueue_indirect_dma source(%dma_start3A_357 : memref<8192x1024xf32, #tpu.memory_space<hbm>>) target(%arg7 : memref<32x1024xf32, #tpu.memory_space<vmem>>) offsets(%dma_start3A_354 : memref<32xi32, #tpu.memory_space<vmem>>) semaphore(%arg10 : memref<!tpu.dma_semaphore, #tpu.memory_space<semaphore_mem>>)
    %dma_wait3A_358 = arith.constant 14 : i32
    %dma_wait3A_359 = arith.constant 0 : i32
    %dma_wait3A_360 = tpu.memref_slice %arg5[%dma_wait3A_358, %dma_wait3A_359] : memref<32x32xi32, #tpu.memory_space<vmem>> -> memref<1x32xi32, #tpu.memory_space<vmem>>
    %dma_wait3A_361 = tpu.memref_squeeze %dma_wait3A_360 : memref<1x32xi32, #tpu.memory_space<vmem>> -> memref<32xi32, #tpu.memory_space<vmem>>
    %dma_wait3A_362 = arith.constant 0 : i32
    %dma_wait3A_363 = arith.constant 0 : i32
    %dma_wait3A_364 = tpu.memref_slice %arg2[%dma_wait3A_362, %dma_wait3A_363] : memref<8192x1024xf32, #tpu.memory_space<hbm>> -> memref<8192x1024xf32, #tpu.memory_space<hbm>>
    tpu.wait_indirect_dma semaphore(%arg11 : memref<!tpu.dma_semaphore, #tpu.memory_space<semaphore_mem>>) src(%dma_wait3A_364 : memref<8192x1024xf32, #tpu.memory_space<hbm>>) dst(%arg8 : memref<32x1024xf32, #tpu.memory_space<vmem>>)
    %add3A_365 = arith.constant 448 : i32
    %add3A_366 = arith.addi %mul3A_2, %add3A_365 : i32
    %dma_start3A_367 = arith.constant 0 : i32
    %dma_start3A_368 = tpu.memref_slice %arg4[%add3A_366, %dma_start3A_367] : memref<32768x1024xf32, #tpu.memory_space<hbm>> -> memref<32x1024xf32, #tpu.memory_space<hbm>>
    %dma_start3A_369 = arith.constant 0 : i32
    %dma_start3A_370 = tpu.memref_slice %arg4[%add3A_366, %dma_start3A_369] : memref<32768x1024xf32, #tpu.memory_space<hbm>> -> memref<32x1024xf32, #tpu.memory_space<hbm>>
    tpu.enqueue_dma source(%arg8 : memref<32x1024xf32, #tpu.memory_space<vmem>>) target(%dma_start3A_370 : memref<32x1024xf32, #tpu.memory_space<hbm>>) target_semaphore(%arg14 : memref<!tpu.dma_semaphore, #tpu.memory_space<semaphore_mem>>)
    %dma_wait3A_371 = arith.constant 0 : i32
    %dma_wait3A_372 = tpu.memref_slice %arg4[%add3A_366, %dma_wait3A_371] : memref<32768x1024xf32, #tpu.memory_space<hbm>> -> memref<32x1024xf32, #tpu.memory_space<hbm>>
    %dma_wait3A_373 = arith.constant 0 : i32
    %dma_wait3A_374 = tpu.memref_slice %arg4[%add3A_366, %dma_wait3A_373] : memref<32768x1024xf32, #tpu.memory_space<hbm>> -> memref<32x1024xf32, #tpu.memory_space<hbm>>
    tpu.wait_dma2 semaphore(%arg14 : memref<!tpu.dma_semaphore, #tpu.memory_space<semaphore_mem>>) src(%arg8 : memref<32x1024xf32, #tpu.memory_space<vmem>>) dst(%dma_wait3A_374 : memref<32x1024xf32, #tpu.memory_space<hbm>>)
    %dma_start3A_375 = arith.constant 17 : i32
    %dma_start3A_376 = arith.constant 0 : i32
    %dma_start3A_377 = tpu.memref_slice %arg5[%dma_start3A_375, %dma_start3A_376] : memref<32x32xi32, #tpu.memory_space<vmem>> -> memref<1x32xi32, #tpu.memory_space<vmem>>
    %dma_start3A_378 = tpu.memref_squeeze %dma_start3A_377 : memref<1x32xi32, #tpu.memory_space<vmem>> -> memref<32xi32, #tpu.memory_space<vmem>>
    %dma_start3A_379 = arith.constant 0 : i32
    %dma_start3A_380 = arith.constant 0 : i32
    %dma_start3A_381 = tpu.memref_slice %arg2[%dma_start3A_379, %dma_start3A_380] : memref<8192x1024xf32, #tpu.memory_space<hbm>> -> memref<8192x1024xf32, #tpu.memory_space<hbm>>
    tpu.enqueue_indirect_dma source(%dma_start3A_381 : memref<8192x1024xf32, #tpu.memory_space<hbm>>) target(%arg8 : memref<32x1024xf32, #tpu.memory_space<vmem>>) offsets(%dma_start3A_378 : memref<32xi32, #tpu.memory_space<vmem>>) semaphore(%arg11 : memref<!tpu.dma_semaphore, #tpu.memory_space<semaphore_mem>>)
    %dma_wait3A_382 = arith.constant 15 : i32
    %dma_wait3A_383 = arith.constant 0 : i32
    %dma_wait3A_384 = tpu.memref_slice %arg5[%dma_wait3A_382, %dma_wait3A_383] : memref<32x32xi32, #tpu.memory_space<vmem>> -> memref<1x32xi32, #tpu.memory_space<vmem>>
    %dma_wait3A_385 = tpu.memref_squeeze %dma_wait3A_384 : memref<1x32xi32, #tpu.memory_space<vmem>> -> memref<32xi32, #tpu.memory_space<vmem>>
    %dma_wait3A_386 = arith.constant 0 : i32
    %dma_wait3A_387 = arith.constant 0 : i32
    %dma_wait3A_388 = tpu.memref_slice %arg2[%dma_wait3A_386, %dma_wait3A_387] : memref<8192x1024xf32, #tpu.memory_space<hbm>> -> memref<8192x1024xf32, #tpu.memory_space<hbm>>
    tpu.wait_indirect_dma semaphore(%arg9 : memref<!tpu.dma_semaphore, #tpu.memory_space<semaphore_mem>>) src(%dma_wait3A_388 : memref<8192x1024xf32, #tpu.memory_space<hbm>>) dst(%arg6 : memref<32x1024xf32, #tpu.memory_space<vmem>>)
    %add3A_389 = arith.constant 480 : i32
    %add3A_390 = arith.addi %mul3A_2, %add3A_389 : i32
    %dma_start3A_391 = arith.constant 0 : i32
    %dma_start3A_392 = tpu.memref_slice %arg4[%add3A_390, %dma_start3A_391] : memref<32768x1024xf32, #tpu.memory_space<hbm>> -> memref<32x1024xf32, #tpu.memory_space<hbm>>
    %dma_start3A_393 = arith.constant 0 : i32
    %dma_start3A_394 = tpu.memref_slice %arg4[%add3A_390, %dma_start3A_393] : memref<32768x1024xf32, #tpu.memory_space<hbm>> -> memref<32x1024xf32, #tpu.memory_space<hbm>>
    tpu.enqueue_dma source(%arg6 : memref<32x1024xf32, #tpu.memory_space<vmem>>) target(%dma_start3A_394 : memref<32x1024xf32, #tpu.memory_space<hbm>>) target_semaphore(%arg12 : memref<!tpu.dma_semaphore, #tpu.memory_space<semaphore_mem>>)
    %dma_wait3A_395 = arith.constant 0 : i32
    %dma_wait3A_396 = tpu.memref_slice %arg4[%add3A_390, %dma_wait3A_395] : memref<32768x1024xf32, #tpu.memory_space<hbm>> -> memref<32x1024xf32, #tpu.memory_space<hbm>>
    %dma_wait3A_397 = arith.constant 0 : i32
    %dma_wait3A_398 = tpu.memref_slice %arg4[%add3A_390, %dma_wait3A_397] : memref<32768x1024xf32, #tpu.memory_space<hbm>> -> memref<32x1024xf32, #tpu.memory_space<hbm>>
    tpu.wait_dma2 semaphore(%arg12 : memref<!tpu.dma_semaphore, #tpu.memory_space<semaphore_mem>>) src(%arg6 : memref<32x1024xf32, #tpu.memory_space<vmem>>) dst(%dma_wait3A_398 : memref<32x1024xf32, #tpu.memory_space<hbm>>)
    %dma_start3A_399 = arith.constant 18 : i32
    %dma_start3A_400 = arith.constant 0 : i32
    %dma_start3A_401 = tpu.memref_slice %arg5[%dma_start3A_399, %dma_start3A_400] : memref<32x32xi32, #tpu.memory_space<vmem>> -> memref<1x32xi32, #tpu.memory_space<vmem>>
    %dma_start3A_402 = tpu.memref_squeeze %dma_start3A_401 : memref<1x32xi32, #tpu.memory_space<vmem>> -> memref<32xi32, #tpu.memory_space<vmem>>
    %dma_start3A_403 = arith.constant 0 : i32
    %dma_start3A_404 = arith.constant 0 : i32
    %dma_start3A_405 = tpu.memref_slice %arg2[%dma_start3A_403, %dma_start3A_404] : memref<8192x1024xf32, #tpu.memory_space<hbm>> -> memref<8192x1024xf32, #tpu.memory_space<hbm>>
    tpu.enqueue_indirect_dma source(%dma_start3A_405 : memref<8192x1024xf32, #tpu.memory_space<hbm>>) target(%arg6 : memref<32x1024xf32, #tpu.memory_space<vmem>>) offsets(%dma_start3A_402 : memref<32xi32, #tpu.memory_space<vmem>>) semaphore(%arg9 : memref<!tpu.dma_semaphore, #tpu.memory_space<semaphore_mem>>)
    %dma_wait3A_406 = arith.constant 16 : i32
    %dma_wait3A_407 = arith.constant 0 : i32
    %dma_wait3A_408 = tpu.memref_slice %arg5[%dma_wait3A_406, %dma_wait3A_407] : memref<32x32xi32, #tpu.memory_space<vmem>> -> memref<1x32xi32, #tpu.memory_space<vmem>>
    %dma_wait3A_409 = tpu.memref_squeeze %dma_wait3A_408 : memref<1x32xi32, #tpu.memory_space<vmem>> -> memref<32xi32, #tpu.memory_space<vmem>>
    %dma_wait3A_410 = arith.constant 0 : i32
    %dma_wait3A_411 = arith.constant 0 : i32
    %dma_wait3A_412 = tpu.memref_slice %arg2[%dma_wait3A_410, %dma_wait3A_411] : memref<8192x1024xf32, #tpu.memory_space<hbm>> -> memref<8192x1024xf32, #tpu.memory_space<hbm>>
    tpu.wait_indirect_dma semaphore(%arg10 : memref<!tpu.dma_semaphore, #tpu.memory_space<semaphore_mem>>) src(%dma_wait3A_412 : memref<8192x1024xf32, #tpu.memory_space<hbm>>) dst(%arg7 : memref<32x1024xf32, #tpu.memory_space<vmem>>)
    %add3A_413 = arith.constant 512 : i32
    %add3A_414 = arith.addi %mul3A_2, %add3A_413 : i32
    %dma_start3A_415 = arith.constant 0 : i32
    %dma_start3A_416 = tpu.memref_slice %arg4[%add3A_414, %dma_start3A_415] : memref<32768x1024xf32, #tpu.memory_space<hbm>> -> memref<32x1024xf32, #tpu.memory_space<hbm>>
    %dma_start3A_417 = arith.constant 0 : i32
    %dma_start3A_418 = tpu.memref_slice %arg4[%add3A_414, %dma_start3A_417] : memref<32768x1024xf32, #tpu.memory_space<hbm>> -> memref<32x1024xf32, #tpu.memory_space<hbm>>
    tpu.enqueue_dma source(%arg7 : memref<32x1024xf32, #tpu.memory_space<vmem>>) target(%dma_start3A_418 : memref<32x1024xf32, #tpu.memory_space<hbm>>) target_semaphore(%arg13 : memref<!tpu.dma_semaphore, #tpu.memory_space<semaphore_mem>>)
    %dma_wait3A_419 = arith.constant 0 : i32
    %dma_wait3A_420 = tpu.memref_slice %arg4[%add3A_414, %dma_wait3A_419] : memref<32768x1024xf32, #tpu.memory_space<hbm>> -> memref<32x1024xf32, #tpu.memory_space<hbm>>
    %dma_wait3A_421 = arith.constant 0 : i32
    %dma_wait3A_422 = tpu.memref_slice %arg4[%add3A_414, %dma_wait3A_421] : memref<32768x1024xf32, #tpu.memory_space<hbm>> -> memref<32x1024xf32, #tpu.memory_space<hbm>>
    tpu.wait_dma2 semaphore(%arg13 : memref<!tpu.dma_semaphore, #tpu.memory_space<semaphore_mem>>) src(%arg7 : memref<32x1024xf32, #tpu.memory_space<vmem>>) dst(%dma_wait3A_422 : memref<32x1024xf32, #tpu.memory_space<hbm>>)
    %dma_start3A_423 = arith.constant 19 : i32
    %dma_start3A_424 = arith.constant 0 : i32
    %dma_start3A_425 = tpu.memref_slice %arg5[%dma_start3A_423, %dma_start3A_424] : memref<32x32xi32, #tpu.memory_space<vmem>> -> memref<1x32xi32, #tpu.memory_space<vmem>>
    %dma_start3A_426 = tpu.memref_squeeze %dma_start3A_425 : memref<1x32xi32, #tpu.memory_space<vmem>> -> memref<32xi32, #tpu.memory_space<vmem>>
    %dma_start3A_427 = arith.constant 0 : i32
    %dma_start3A_428 = arith.constant 0 : i32
    %dma_start3A_429 = tpu.memref_slice %arg2[%dma_start3A_427, %dma_start3A_428] : memref<8192x1024xf32, #tpu.memory_space<hbm>> -> memref<8192x1024xf32, #tpu.memory_space<hbm>>
    tpu.enqueue_indirect_dma source(%dma_start3A_429 : memref<8192x1024xf32, #tpu.memory_space<hbm>>) target(%arg7 : memref<32x1024xf32, #tpu.memory_space<vmem>>) offsets(%dma_start3A_426 : memref<32xi32, #tpu.memory_space<vmem>>) semaphore(%arg10 : memref<!tpu.dma_semaphore, #tpu.memory_space<semaphore_mem>>)
    %dma_wait3A_430 = arith.constant 17 : i32
    %dma_wait3A_431 = arith.constant 0 : i32
    %dma_wait3A_432 = tpu.memref_slice %arg5[%dma_wait3A_430, %dma_wait3A_431] : memref<32x32xi32, #tpu.memory_space<vmem>> -> memref<1x32xi32, #tpu.memory_space<vmem>>
    %dma_wait3A_433 = tpu.memref_squeeze %dma_wait3A_432 : memref<1x32xi32, #tpu.memory_space<vmem>> -> memref<32xi32, #tpu.memory_space<vmem>>
    %dma_wait3A_434 = arith.constant 0 : i32
    %dma_wait3A_435 = arith.constant 0 : i32
    %dma_wait3A_436 = tpu.memref_slice %arg2[%dma_wait3A_434, %dma_wait3A_435] : memref<8192x1024xf32, #tpu.memory_space<hbm>> -> memref<8192x1024xf32, #tpu.memory_space<hbm>>
    tpu.wait_indirect_dma semaphore(%arg11 : memref<!tpu.dma_semaphore, #tpu.memory_space<semaphore_mem>>) src(%dma_wait3A_436 : memref<8192x1024xf32, #tpu.memory_space<hbm>>) dst(%arg8 : memref<32x1024xf32, #tpu.memory_space<vmem>>)
    %add3A_437 = arith.constant 544 : i32
    %add3A_438 = arith.addi %mul3A_2, %add3A_437 : i32
    %dma_start3A_439 = arith.constant 0 : i32
    %dma_start3A_440 = tpu.memref_slice %arg4[%add3A_438, %dma_start3A_439] : memref<32768x1024xf32, #tpu.memory_space<hbm>> -> memref<32x1024xf32, #tpu.memory_space<hbm>>
    %dma_start3A_441 = arith.constant 0 : i32
    %dma_start3A_442 = tpu.memref_slice %arg4[%add3A_438, %dma_start3A_441] : memref<32768x1024xf32, #tpu.memory_space<hbm>> -> memref<32x1024xf32, #tpu.memory_space<hbm>>
    tpu.enqueue_dma source(%arg8 : memref<32x1024xf32, #tpu.memory_space<vmem>>) target(%dma_start3A_442 : memref<32x1024xf32, #tpu.memory_space<hbm>>) target_semaphore(%arg14 : memref<!tpu.dma_semaphore, #tpu.memory_space<semaphore_mem>>)
    %dma_wait3A_443 = arith.constant 0 : i32
    %dma_wait3A_444 = tpu.memref_slice %arg4[%add3A_438, %dma_wait3A_443] : memref<32768x1024xf32, #tpu.memory_space<hbm>> -> memref<32x1024xf32, #tpu.memory_space<hbm>>
    %dma_wait3A_445 = arith.constant 0 : i32
    %dma_wait3A_446 = tpu.memref_slice %arg4[%add3A_438, %dma_wait3A_445] : memref<32768x1024xf32, #tpu.memory_space<hbm>> -> memref<32x1024xf32, #tpu.memory_space<hbm>>
    tpu.wait_dma2 semaphore(%arg14 : memref<!tpu.dma_semaphore, #tpu.memory_space<semaphore_mem>>) src(%arg8 : memref<32x1024xf32, #tpu.memory_space<vmem>>) dst(%dma_wait3A_446 : memref<32x1024xf32, #tpu.memory_space<hbm>>)
    %dma_start3A_447 = arith.constant 20 : i32
    %dma_start3A_448 = arith.constant 0 : i32
    %dma_start3A_449 = tpu.memref_slice %arg5[%dma_start3A_447, %dma_start3A_448] : memref<32x32xi32, #tpu.memory_space<vmem>> -> memref<1x32xi32, #tpu.memory_space<vmem>>
    %dma_start3A_450 = tpu.memref_squeeze %dma_start3A_449 : memref<1x32xi32, #tpu.memory_space<vmem>> -> memref<32xi32, #tpu.memory_space<vmem>>
    %dma_start3A_451 = arith.constant 0 : i32
    %dma_start3A_452 = arith.constant 0 : i32
    %dma_start3A_453 = tpu.memref_slice %arg2[%dma_start3A_451, %dma_start3A_452] : memref<8192x1024xf32, #tpu.memory_space<hbm>> -> memref<8192x1024xf32, #tpu.memory_space<hbm>>
    tpu.enqueue_indirect_dma source(%dma_start3A_453 : memref<8192x1024xf32, #tpu.memory_space<hbm>>) target(%arg8 : memref<32x1024xf32, #tpu.memory_space<vmem>>) offsets(%dma_start3A_450 : memref<32xi32, #tpu.memory_space<vmem>>) semaphore(%arg11 : memref<!tpu.dma_semaphore, #tpu.memory_space<semaphore_mem>>)
    %dma_wait3A_454 = arith.constant 18 : i32
    %dma_wait3A_455 = arith.constant 0 : i32
    %dma_wait3A_456 = tpu.memref_slice %arg5[%dma_wait3A_454, %dma_wait3A_455] : memref<32x32xi32, #tpu.memory_space<vmem>> -> memref<1x32xi32, #tpu.memory_space<vmem>>
    %dma_wait3A_457 = tpu.memref_squeeze %dma_wait3A_456 : memref<1x32xi32, #tpu.memory_space<vmem>> -> memref<32xi32, #tpu.memory_space<vmem>>
    %dma_wait3A_458 = arith.constant 0 : i32
    %dma_wait3A_459 = arith.constant 0 : i32
    %dma_wait3A_460 = tpu.memref_slice %arg2[%dma_wait3A_458, %dma_wait3A_459] : memref<8192x1024xf32, #tpu.memory_space<hbm>> -> memref<8192x1024xf32, #tpu.memory_space<hbm>>
    tpu.wait_indirect_dma semaphore(%arg9 : memref<!tpu.dma_semaphore, #tpu.memory_space<semaphore_mem>>) src(%dma_wait3A_460 : memref<8192x1024xf32, #tpu.memory_space<hbm>>) dst(%arg6 : memref<32x1024xf32, #tpu.memory_space<vmem>>)
    %add3A_461 = arith.constant 576 : i32
    %add3A_462 = arith.addi %mul3A_2, %add3A_461 : i32
    %dma_start3A_463 = arith.constant 0 : i32
    %dma_start3A_464 = tpu.memref_slice %arg4[%add3A_462, %dma_start3A_463] : memref<32768x1024xf32, #tpu.memory_space<hbm>> -> memref<32x1024xf32, #tpu.memory_space<hbm>>
    %dma_start3A_465 = arith.constant 0 : i32
    %dma_start3A_466 = tpu.memref_slice %arg4[%add3A_462, %dma_start3A_465] : memref<32768x1024xf32, #tpu.memory_space<hbm>> -> memref<32x1024xf32, #tpu.memory_space<hbm>>
    tpu.enqueue_dma source(%arg6 : memref<32x1024xf32, #tpu.memory_space<vmem>>) target(%dma_start3A_466 : memref<32x1024xf32, #tpu.memory_space<hbm>>) target_semaphore(%arg12 : memref<!tpu.dma_semaphore, #tpu.memory_space<semaphore_mem>>)
    %dma_wait3A_467 = arith.constant 0 : i32
    %dma_wait3A_468 = tpu.memref_slice %arg4[%add3A_462, %dma_wait3A_467] : memref<32768x1024xf32, #tpu.memory_space<hbm>> -> memref<32x1024xf32, #tpu.memory_space<hbm>>
    %dma_wait3A_469 = arith.constant 0 : i32
    %dma_wait3A_470 = tpu.memref_slice %arg4[%add3A_462, %dma_wait3A_469] : memref<32768x1024xf32, #tpu.memory_space<hbm>> -> memref<32x1024xf32, #tpu.memory_space<hbm>>
    tpu.wait_dma2 semaphore(%arg12 : memref<!tpu.dma_semaphore, #tpu.memory_space<semaphore_mem>>) src(%arg6 : memref<32x1024xf32, #tpu.memory_space<vmem>>) dst(%dma_wait3A_470 : memref<32x1024xf32, #tpu.memory_space<hbm>>)
    %dma_start3A_471 = arith.constant 21 : i32
    %dma_start3A_472 = arith.constant 0 : i32
    %dma_start3A_473 = tpu.memref_slice %arg5[%dma_start3A_471, %dma_start3A_472] : memref<32x32xi32, #tpu.memory_space<vmem>> -> memref<1x32xi32, #tpu.memory_space<vmem>>
    %dma_start3A_474 = tpu.memref_squeeze %dma_start3A_473 : memref<1x32xi32, #tpu.memory_space<vmem>> -> memref<32xi32, #tpu.memory_space<vmem>>
    %dma_start3A_475 = arith.constant 0 : i32
    %dma_start3A_476 = arith.constant 0 : i32
    %dma_start3A_477 = tpu.memref_slice %arg2[%dma_start3A_475, %dma_start3A_476] : memref<8192x1024xf32, #tpu.memory_space<hbm>> -> memref<8192x1024xf32, #tpu.memory_space<hbm>>
    tpu.enqueue_indirect_dma source(%dma_start3A_477 : memref<8192x1024xf32, #tpu.memory_space<hbm>>) target(%arg6 : memref<32x1024xf32, #tpu.memory_space<vmem>>) offsets(%dma_start3A_474 : memref<32xi32, #tpu.memory_space<vmem>>) semaphore(%arg9 : memref<!tpu.dma_semaphore, #tpu.memory_space<semaphore_mem>>)
    %dma_wait3A_478 = arith.constant 19 : i32
    %dma_wait3A_479 = arith.constant 0 : i32
    %dma_wait3A_480 = tpu.memref_slice %arg5[%dma_wait3A_478, %dma_wait3A_479] : memref<32x32xi32, #tpu.memory_space<vmem>> -> memref<1x32xi32, #tpu.memory_space<vmem>>
    %dma_wait3A_481 = tpu.memref_squeeze %dma_wait3A_480 : memref<1x32xi32, #tpu.memory_space<vmem>> -> memref<32xi32, #tpu.memory_space<vmem>>
    %dma_wait3A_482 = arith.constant 0 : i32
    %dma_wait3A_483 = arith.constant 0 : i32
    %dma_wait3A_484 = tpu.memref_slice %arg2[%dma_wait3A_482, %dma_wait3A_483] : memref<8192x1024xf32, #tpu.memory_space<hbm>> -> memref<8192x1024xf32, #tpu.memory_space<hbm>>
    tpu.wait_indirect_dma semaphore(%arg10 : memref<!tpu.dma_semaphore, #tpu.memory_space<semaphore_mem>>) src(%dma_wait3A_484 : memref<8192x1024xf32, #tpu.memory_space<hbm>>) dst(%arg7 : memref<32x1024xf32, #tpu.memory_space<vmem>>)
    %add3A_485 = arith.constant 608 : i32
    %add3A_486 = arith.addi %mul3A_2, %add3A_485 : i32
    %dma_start3A_487 = arith.constant 0 : i32
    %dma_start3A_488 = tpu.memref_slice %arg4[%add3A_486, %dma_start3A_487] : memref<32768x1024xf32, #tpu.memory_space<hbm>> -> memref<32x1024xf32, #tpu.memory_space<hbm>>
    %dma_start3A_489 = arith.constant 0 : i32
    %dma_start3A_490 = tpu.memref_slice %arg4[%add3A_486, %dma_start3A_489] : memref<32768x1024xf32, #tpu.memory_space<hbm>> -> memref<32x1024xf32, #tpu.memory_space<hbm>>
    tpu.enqueue_dma source(%arg7 : memref<32x1024xf32, #tpu.memory_space<vmem>>) target(%dma_start3A_490 : memref<32x1024xf32, #tpu.memory_space<hbm>>) target_semaphore(%arg13 : memref<!tpu.dma_semaphore, #tpu.memory_space<semaphore_mem>>)
    %dma_wait3A_491 = arith.constant 0 : i32
    %dma_wait3A_492 = tpu.memref_slice %arg4[%add3A_486, %dma_wait3A_491] : memref<32768x1024xf32, #tpu.memory_space<hbm>> -> memref<32x1024xf32, #tpu.memory_space<hbm>>
    %dma_wait3A_493 = arith.constant 0 : i32
    %dma_wait3A_494 = tpu.memref_slice %arg4[%add3A_486, %dma_wait3A_493] : memref<32768x1024xf32, #tpu.memory_space<hbm>> -> memref<32x1024xf32, #tpu.memory_space<hbm>>
    tpu.wait_dma2 semaphore(%arg13 : memref<!tpu.dma_semaphore, #tpu.memory_space<semaphore_mem>>) src(%arg7 : memref<32x1024xf32, #tpu.memory_space<vmem>>) dst(%dma_wait3A_494 : memref<32x1024xf32, #tpu.memory_space<hbm>>)
    %dma_start3A_495 = arith.constant 22 : i32
    %dma_start3A_496 = arith.constant 0 : i32
    %dma_start3A_497 = tpu.memref_slice %arg5[%dma_start3A_495, %dma_start3A_496] : memref<32x32xi32, #tpu.memory_space<vmem>> -> memref<1x32xi32, #tpu.memory_space<vmem>>
    %dma_start3A_498 = tpu.memref_squeeze %dma_start3A_497 : memref<1x32xi32, #tpu.memory_space<vmem>> -> memref<32xi32, #tpu.memory_space<vmem>>
    %dma_start3A_499 = arith.constant 0 : i32
    %dma_start3A_500 = arith.constant 0 : i32
    %dma_start3A_501 = tpu.memref_slice %arg2[%dma_start3A_499, %dma_start3A_500] : memref<8192x1024xf32, #tpu.memory_space<hbm>> -> memref<8192x1024xf32, #tpu.memory_space<hbm>>
    tpu.enqueue_indirect_dma source(%dma_start3A_501 : memref<8192x1024xf32, #tpu.memory_space<hbm>>) target(%arg7 : memref<32x1024xf32, #tpu.memory_space<vmem>>) offsets(%dma_start3A_498 : memref<32xi32, #tpu.memory_space<vmem>>) semaphore(%arg10 : memref<!tpu.dma_semaphore, #tpu.memory_space<semaphore_mem>>)
    %dma_wait3A_502 = arith.constant 20 : i32
    %dma_wait3A_503 = arith.constant 0 : i32
    %dma_wait3A_504 = tpu.memref_slice %arg5[%dma_wait3A_502, %dma_wait3A_503] : memref<32x32xi32, #tpu.memory_space<vmem>> -> memref<1x32xi32, #tpu.memory_space<vmem>>
    %dma_wait3A_505 = tpu.memref_squeeze %dma_wait3A_504 : memref<1x32xi32, #tpu.memory_space<vmem>> -> memref<32xi32, #tpu.memory_space<vmem>>
    %dma_wait3A_506 = arith.constant 0 : i32
    %dma_wait3A_507 = arith.constant 0 : i32
    %dma_wait3A_508 = tpu.memref_slice %arg2[%dma_wait3A_506, %dma_wait3A_507] : memref<8192x1024xf32, #tpu.memory_space<hbm>> -> memref<8192x1024xf32, #tpu.memory_space<hbm>>
    tpu.wait_indirect_dma semaphore(%arg11 : memref<!tpu.dma_semaphore, #tpu.memory_space<semaphore_mem>>) src(%dma_wait3A_508 : memref<8192x1024xf32, #tpu.memory_space<hbm>>) dst(%arg8 : memref<32x1024xf32, #tpu.memory_space<vmem>>)
    %add3A_509 = arith.constant 640 : i32
    %add3A_510 = arith.addi %mul3A_2, %add3A_509 : i32
    %dma_start3A_511 = arith.constant 0 : i32
    %dma_start3A_512 = tpu.memref_slice %arg4[%add3A_510, %dma_start3A_511] : memref<32768x1024xf32, #tpu.memory_space<hbm>> -> memref<32x1024xf32, #tpu.memory_space<hbm>>
    %dma_start3A_513 = arith.constant 0 : i32
    %dma_start3A_514 = tpu.memref_slice %arg4[%add3A_510, %dma_start3A_513] : memref<32768x1024xf32, #tpu.memory_space<hbm>> -> memref<32x1024xf32, #tpu.memory_space<hbm>>
    tpu.enqueue_dma source(%arg8 : memref<32x1024xf32, #tpu.memory_space<vmem>>) target(%dma_start3A_514 : memref<32x1024xf32, #tpu.memory_space<hbm>>) target_semaphore(%arg14 : memref<!tpu.dma_semaphore, #tpu.memory_space<semaphore_mem>>)
    %dma_wait3A_515 = arith.constant 0 : i32
    %dma_wait3A_516 = tpu.memref_slice %arg4[%add3A_510, %dma_wait3A_515] : memref<32768x1024xf32, #tpu.memory_space<hbm>> -> memref<32x1024xf32, #tpu.memory_space<hbm>>
    %dma_wait3A_517 = arith.constant 0 : i32
    %dma_wait3A_518 = tpu.memref_slice %arg4[%add3A_510, %dma_wait3A_517] : memref<32768x1024xf32, #tpu.memory_space<hbm>> -> memref<32x1024xf32, #tpu.memory_space<hbm>>
    tpu.wait_dma2 semaphore(%arg14 : memref<!tpu.dma_semaphore, #tpu.memory_space<semaphore_mem>>) src(%arg8 : memref<32x1024xf32, #tpu.memory_space<vmem>>) dst(%dma_wait3A_518 : memref<32x1024xf32, #tpu.memory_space<hbm>>)
    %dma_start3A_519 = arith.constant 23 : i32
    %dma_start3A_520 = arith.constant 0 : i32
    %dma_start3A_521 = tpu.memref_slice %arg5[%dma_start3A_519, %dma_start3A_520] : memref<32x32xi32, #tpu.memory_space<vmem>> -> memref<1x32xi32, #tpu.memory_space<vmem>>
    %dma_start3A_522 = tpu.memref_squeeze %dma_start3A_521 : memref<1x32xi32, #tpu.memory_space<vmem>> -> memref<32xi32, #tpu.memory_space<vmem>>
    %dma_start3A_523 = arith.constant 0 : i32
    %dma_start3A_524 = arith.constant 0 : i32
    %dma_start3A_525 = tpu.memref_slice %arg2[%dma_start3A_523, %dma_start3A_524] : memref<8192x1024xf32, #tpu.memory_space<hbm>> -> memref<8192x1024xf32, #tpu.memory_space<hbm>>
    tpu.enqueue_indirect_dma source(%dma_start3A_525 : memref<8192x1024xf32, #tpu.memory_space<hbm>>) target(%arg8 : memref<32x1024xf32, #tpu.memory_space<vmem>>) offsets(%dma_start3A_522 : memref<32xi32, #tpu.memory_space<vmem>>) semaphore(%arg11 : memref<!tpu.dma_semaphore, #tpu.memory_space<semaphore_mem>>)
    %dma_wait3A_526 = arith.constant 21 : i32
    %dma_wait3A_527 = arith.constant 0 : i32
    %dma_wait3A_528 = tpu.memref_slice %arg5[%dma_wait3A_526, %dma_wait3A_527] : memref<32x32xi32, #tpu.memory_space<vmem>> -> memref<1x32xi32, #tpu.memory_space<vmem>>
    %dma_wait3A_529 = tpu.memref_squeeze %dma_wait3A_528 : memref<1x32xi32, #tpu.memory_space<vmem>> -> memref<32xi32, #tpu.memory_space<vmem>>
    %dma_wait3A_530 = arith.constant 0 : i32
    %dma_wait3A_531 = arith.constant 0 : i32
    %dma_wait3A_532 = tpu.memref_slice %arg2[%dma_wait3A_530, %dma_wait3A_531] : memref<8192x1024xf32, #tpu.memory_space<hbm>> -> memref<8192x1024xf32, #tpu.memory_space<hbm>>
    tpu.wait_indirect_dma semaphore(%arg9 : memref<!tpu.dma_semaphore, #tpu.memory_space<semaphore_mem>>) src(%dma_wait3A_532 : memref<8192x1024xf32, #tpu.memory_space<hbm>>) dst(%arg6 : memref<32x1024xf32, #tpu.memory_space<vmem>>)
    %add3A_533 = arith.constant 672 : i32
    %add3A_534 = arith.addi %mul3A_2, %add3A_533 : i32
    %dma_start3A_535 = arith.constant 0 : i32
    %dma_start3A_536 = tpu.memref_slice %arg4[%add3A_534, %dma_start3A_535] : memref<32768x1024xf32, #tpu.memory_space<hbm>> -> memref<32x1024xf32, #tpu.memory_space<hbm>>
    %dma_start3A_537 = arith.constant 0 : i32
    %dma_start3A_538 = tpu.memref_slice %arg4[%add3A_534, %dma_start3A_537] : memref<32768x1024xf32, #tpu.memory_space<hbm>> -> memref<32x1024xf32, #tpu.memory_space<hbm>>
    tpu.enqueue_dma source(%arg6 : memref<32x1024xf32, #tpu.memory_space<vmem>>) target(%dma_start3A_538 : memref<32x1024xf32, #tpu.memory_space<hbm>>) target_semaphore(%arg12 : memref<!tpu.dma_semaphore, #tpu.memory_space<semaphore_mem>>)
    %dma_wait3A_539 = arith.constant 0 : i32
    %dma_wait3A_540 = tpu.memref_slice %arg4[%add3A_534, %dma_wait3A_539] : memref<32768x1024xf32, #tpu.memory_space<hbm>> -> memref<32x1024xf32, #tpu.memory_space<hbm>>
    %dma_wait3A_541 = arith.constant 0 : i32
    %dma_wait3A_542 = tpu.memref_slice %arg4[%add3A_534, %dma_wait3A_541] : memref<32768x1024xf32, #tpu.memory_space<hbm>> -> memref<32x1024xf32, #tpu.memory_space<hbm>>
    tpu.wait_dma2 semaphore(%arg12 : memref<!tpu.dma_semaphore, #tpu.memory_space<semaphore_mem>>) src(%arg6 : memref<32x1024xf32, #tpu.memory_space<vmem>>) dst(%dma_wait3A_542 : memref<32x1024xf32, #tpu.memory_space<hbm>>)
    %dma_start3A_543 = arith.constant 24 : i32
    %dma_start3A_544 = arith.constant 0 : i32
    %dma_start3A_545 = tpu.memref_slice %arg5[%dma_start3A_543, %dma_start3A_544] : memref<32x32xi32, #tpu.memory_space<vmem>> -> memref<1x32xi32, #tpu.memory_space<vmem>>
    %dma_start3A_546 = tpu.memref_squeeze %dma_start3A_545 : memref<1x32xi32, #tpu.memory_space<vmem>> -> memref<32xi32, #tpu.memory_space<vmem>>
    %dma_start3A_547 = arith.constant 0 : i32
    %dma_start3A_548 = arith.constant 0 : i32
    %dma_start3A_549 = tpu.memref_slice %arg2[%dma_start3A_547, %dma_start3A_548] : memref<8192x1024xf32, #tpu.memory_space<hbm>> -> memref<8192x1024xf32, #tpu.memory_space<hbm>>
    tpu.enqueue_indirect_dma source(%dma_start3A_549 : memref<8192x1024xf32, #tpu.memory_space<hbm>>) target(%arg6 : memref<32x1024xf32, #tpu.memory_space<vmem>>) offsets(%dma_start3A_546 : memref<32xi32, #tpu.memory_space<vmem>>) semaphore(%arg9 : memref<!tpu.dma_semaphore, #tpu.memory_space<semaphore_mem>>)
    %dma_wait3A_550 = arith.constant 22 : i32
    %dma_wait3A_551 = arith.constant 0 : i32
    %dma_wait3A_552 = tpu.memref_slice %arg5[%dma_wait3A_550, %dma_wait3A_551] : memref<32x32xi32, #tpu.memory_space<vmem>> -> memref<1x32xi32, #tpu.memory_space<vmem>>
    %dma_wait3A_553 = tpu.memref_squeeze %dma_wait3A_552 : memref<1x32xi32, #tpu.memory_space<vmem>> -> memref<32xi32, #tpu.memory_space<vmem>>
    %dma_wait3A_554 = arith.constant 0 : i32
    %dma_wait3A_555 = arith.constant 0 : i32
    %dma_wait3A_556 = tpu.memref_slice %arg2[%dma_wait3A_554, %dma_wait3A_555] : memref<8192x1024xf32, #tpu.memory_space<hbm>> -> memref<8192x1024xf32, #tpu.memory_space<hbm>>
    tpu.wait_indirect_dma semaphore(%arg10 : memref<!tpu.dma_semaphore, #tpu.memory_space<semaphore_mem>>) src(%dma_wait3A_556 : memref<8192x1024xf32, #tpu.memory_space<hbm>>) dst(%arg7 : memref<32x1024xf32, #tpu.memory_space<vmem>>)
    %add3A_557 = arith.constant 704 : i32
    %add3A_558 = arith.addi %mul3A_2, %add3A_557 : i32
    %dma_start3A_559 = arith.constant 0 : i32
    %dma_start3A_560 = tpu.memref_slice %arg4[%add3A_558, %dma_start3A_559] : memref<32768x1024xf32, #tpu.memory_space<hbm>> -> memref<32x1024xf32, #tpu.memory_space<hbm>>
    %dma_start3A_561 = arith.constant 0 : i32
    %dma_start3A_562 = tpu.memref_slice %arg4[%add3A_558, %dma_start3A_561] : memref<32768x1024xf32, #tpu.memory_space<hbm>> -> memref<32x1024xf32, #tpu.memory_space<hbm>>
    tpu.enqueue_dma source(%arg7 : memref<32x1024xf32, #tpu.memory_space<vmem>>) target(%dma_start3A_562 : memref<32x1024xf32, #tpu.memory_space<hbm>>) target_semaphore(%arg13 : memref<!tpu.dma_semaphore, #tpu.memory_space<semaphore_mem>>)
    %dma_wait3A_563 = arith.constant 0 : i32
    %dma_wait3A_564 = tpu.memref_slice %arg4[%add3A_558, %dma_wait3A_563] : memref<32768x1024xf32, #tpu.memory_space<hbm>> -> memref<32x1024xf32, #tpu.memory_space<hbm>>
    %dma_wait3A_565 = arith.constant 0 : i32
    %dma_wait3A_566 = tpu.memref_slice %arg4[%add3A_558, %dma_wait3A_565] : memref<32768x1024xf32, #tpu.memory_space<hbm>> -> memref<32x1024xf32, #tpu.memory_space<hbm>>
    tpu.wait_dma2 semaphore(%arg13 : memref<!tpu.dma_semaphore, #tpu.memory_space<semaphore_mem>>) src(%arg7 : memref<32x1024xf32, #tpu.memory_space<vmem>>) dst(%dma_wait3A_566 : memref<32x1024xf32, #tpu.memory_space<hbm>>)
    %dma_start3A_567 = arith.constant 25 : i32
    %dma_start3A_568 = arith.constant 0 : i32
    %dma_start3A_569 = tpu.memref_slice %arg5[%dma_start3A_567, %dma_start3A_568] : memref<32x32xi32, #tpu.memory_space<vmem>> -> memref<1x32xi32, #tpu.memory_space<vmem>>
    %dma_start3A_570 = tpu.memref_squeeze %dma_start3A_569 : memref<1x32xi32, #tpu.memory_space<vmem>> -> memref<32xi32, #tpu.memory_space<vmem>>
    %dma_start3A_571 = arith.constant 0 : i32
    %dma_start3A_572 = arith.constant 0 : i32
    %dma_start3A_573 = tpu.memref_slice %arg2[%dma_start3A_571, %dma_start3A_572] : memref<8192x1024xf32, #tpu.memory_space<hbm>> -> memref<8192x1024xf32, #tpu.memory_space<hbm>>
    tpu.enqueue_indirect_dma source(%dma_start3A_573 : memref<8192x1024xf32, #tpu.memory_space<hbm>>) target(%arg7 : memref<32x1024xf32, #tpu.memory_space<vmem>>) offsets(%dma_start3A_570 : memref<32xi32, #tpu.memory_space<vmem>>) semaphore(%arg10 : memref<!tpu.dma_semaphore, #tpu.memory_space<semaphore_mem>>)
    %dma_wait3A_574 = arith.constant 23 : i32
    %dma_wait3A_575 = arith.constant 0 : i32
    %dma_wait3A_576 = tpu.memref_slice %arg5[%dma_wait3A_574, %dma_wait3A_575] : memref<32x32xi32, #tpu.memory_space<vmem>> -> memref<1x32xi32, #tpu.memory_space<vmem>>
    %dma_wait3A_577 = tpu.memref_squeeze %dma_wait3A_576 : memref<1x32xi32, #tpu.memory_space<vmem>> -> memref<32xi32, #tpu.memory_space<vmem>>
    %dma_wait3A_578 = arith.constant 0 : i32
    %dma_wait3A_579 = arith.constant 0 : i32
    %dma_wait3A_580 = tpu.memref_slice %arg2[%dma_wait3A_578, %dma_wait3A_579] : memref<8192x1024xf32, #tpu.memory_space<hbm>> -> memref<8192x1024xf32, #tpu.memory_space<hbm>>
    tpu.wait_indirect_dma semaphore(%arg11 : memref<!tpu.dma_semaphore, #tpu.memory_space<semaphore_mem>>) src(%dma_wait3A_580 : memref<8192x1024xf32, #tpu.memory_space<hbm>>) dst(%arg8 : memref<32x1024xf32, #tpu.memory_space<vmem>>)
    %add3A_581 = arith.constant 736 : i32
    %add3A_582 = arith.addi %mul3A_2, %add3A_581 : i32
    %dma_start3A_583 = arith.constant 0 : i32
    %dma_start3A_584 = tpu.memref_slice %arg4[%add3A_582, %dma_start3A_583] : memref<32768x1024xf32, #tpu.memory_space<hbm>> -> memref<32x1024xf32, #tpu.memory_space<hbm>>
    %dma_start3A_585 = arith.constant 0 : i32
    %dma_start3A_586 = tpu.memref_slice %arg4[%add3A_582, %dma_start3A_585] : memref<32768x1024xf32, #tpu.memory_space<hbm>> -> memref<32x1024xf32, #tpu.memory_space<hbm>>
    tpu.enqueue_dma source(%arg8 : memref<32x1024xf32, #tpu.memory_space<vmem>>) target(%dma_start3A_586 : memref<32x1024xf32, #tpu.memory_space<hbm>>) target_semaphore(%arg14 : memref<!tpu.dma_semaphore, #tpu.memory_space<semaphore_mem>>)
    %dma_wait3A_587 = arith.constant 0 : i32
    %dma_wait3A_588 = tpu.memref_slice %arg4[%add3A_582, %dma_wait3A_587] : memref<32768x1024xf32, #tpu.memory_space<hbm>> -> memref<32x1024xf32, #tpu.memory_space<hbm>>
    %dma_wait3A_589 = arith.constant 0 : i32
    %dma_wait3A_590 = tpu.memref_slice %arg4[%add3A_582, %dma_wait3A_589] : memref<32768x1024xf32, #tpu.memory_space<hbm>> -> memref<32x1024xf32, #tpu.memory_space<hbm>>
    tpu.wait_dma2 semaphore(%arg14 : memref<!tpu.dma_semaphore, #tpu.memory_space<semaphore_mem>>) src(%arg8 : memref<32x1024xf32, #tpu.memory_space<vmem>>) dst(%dma_wait3A_590 : memref<32x1024xf32, #tpu.memory_space<hbm>>)
    %dma_start3A_591 = arith.constant 26 : i32
    %dma_start3A_592 = arith.constant 0 : i32
    %dma_start3A_593 = tpu.memref_slice %arg5[%dma_start3A_591, %dma_start3A_592] : memref<32x32xi32, #tpu.memory_space<vmem>> -> memref<1x32xi32, #tpu.memory_space<vmem>>
    %dma_start3A_594 = tpu.memref_squeeze %dma_start3A_593 : memref<1x32xi32, #tpu.memory_space<vmem>> -> memref<32xi32, #tpu.memory_space<vmem>>
    %dma_start3A_595 = arith.constant 0 : i32
    %dma_start3A_596 = arith.constant 0 : i32
    %dma_start3A_597 = tpu.memref_slice %arg2[%dma_start3A_595, %dma_start3A_596] : memref<8192x1024xf32, #tpu.memory_space<hbm>> -> memref<8192x1024xf32, #tpu.memory_space<hbm>>
    tpu.enqueue_indirect_dma source(%dma_start3A_597 : memref<8192x1024xf32, #tpu.memory_space<hbm>>) target(%arg8 : memref<32x1024xf32, #tpu.memory_space<vmem>>) offsets(%dma_start3A_594 : memref<32xi32, #tpu.memory_space<vmem>>) semaphore(%arg11 : memref<!tpu.dma_semaphore, #tpu.memory_space<semaphore_mem>>)
    %dma_wait3A_598 = arith.constant 24 : i32
    %dma_wait3A_599 = arith.constant 0 : i32
    %dma_wait3A_600 = tpu.memref_slice %arg5[%dma_wait3A_598, %dma_wait3A_599] : memref<32x32xi32, #tpu.memory_space<vmem>> -> memref<1x32xi32, #tpu.memory_space<vmem>>
    %dma_wait3A_601 = tpu.memref_squeeze %dma_wait3A_600 : memref<1x32xi32, #tpu.memory_space<vmem>> -> memref<32xi32, #tpu.memory_space<vmem>>
    %dma_wait3A_602 = arith.constant 0 : i32
    %dma_wait3A_603 = arith.constant 0 : i32
    %dma_wait3A_604 = tpu.memref_slice %arg2[%dma_wait3A_602, %dma_wait3A_603] : memref<8192x1024xf32, #tpu.memory_space<hbm>> -> memref<8192x1024xf32, #tpu.memory_space<hbm>>
    tpu.wait_indirect_dma semaphore(%arg9 : memref<!tpu.dma_semaphore, #tpu.memory_space<semaphore_mem>>) src(%dma_wait3A_604 : memref<8192x1024xf32, #tpu.memory_space<hbm>>) dst(%arg6 : memref<32x1024xf32, #tpu.memory_space<vmem>>)
    %add3A_605 = arith.constant 768 : i32
    %add3A_606 = arith.addi %mul3A_2, %add3A_605 : i32
    %dma_start3A_607 = arith.constant 0 : i32
    %dma_start3A_608 = tpu.memref_slice %arg4[%add3A_606, %dma_start3A_607] : memref<32768x1024xf32, #tpu.memory_space<hbm>> -> memref<32x1024xf32, #tpu.memory_space<hbm>>
    %dma_start3A_609 = arith.constant 0 : i32
    %dma_start3A_610 = tpu.memref_slice %arg4[%add3A_606, %dma_start3A_609] : memref<32768x1024xf32, #tpu.memory_space<hbm>> -> memref<32x1024xf32, #tpu.memory_space<hbm>>
    tpu.enqueue_dma source(%arg6 : memref<32x1024xf32, #tpu.memory_space<vmem>>) target(%dma_start3A_610 : memref<32x1024xf32, #tpu.memory_space<hbm>>) target_semaphore(%arg12 : memref<!tpu.dma_semaphore, #tpu.memory_space<semaphore_mem>>)
    %dma_wait3A_611 = arith.constant 0 : i32
    %dma_wait3A_612 = tpu.memref_slice %arg4[%add3A_606, %dma_wait3A_611] : memref<32768x1024xf32, #tpu.memory_space<hbm>> -> memref<32x1024xf32, #tpu.memory_space<hbm>>
    %dma_wait3A_613 = arith.constant 0 : i32
    %dma_wait3A_614 = tpu.memref_slice %arg4[%add3A_606, %dma_wait3A_613] : memref<32768x1024xf32, #tpu.memory_space<hbm>> -> memref<32x1024xf32, #tpu.memory_space<hbm>>
    tpu.wait_dma2 semaphore(%arg12 : memref<!tpu.dma_semaphore, #tpu.memory_space<semaphore_mem>>) src(%arg6 : memref<32x1024xf32, #tpu.memory_space<vmem>>) dst(%dma_wait3A_614 : memref<32x1024xf32, #tpu.memory_space<hbm>>)
    %dma_start3A_615 = arith.constant 27 : i32
    %dma_start3A_616 = arith.constant 0 : i32
    %dma_start3A_617 = tpu.memref_slice %arg5[%dma_start3A_615, %dma_start3A_616] : memref<32x32xi32, #tpu.memory_space<vmem>> -> memref<1x32xi32, #tpu.memory_space<vmem>>
    %dma_start3A_618 = tpu.memref_squeeze %dma_start3A_617 : memref<1x32xi32, #tpu.memory_space<vmem>> -> memref<32xi32, #tpu.memory_space<vmem>>
    %dma_start3A_619 = arith.constant 0 : i32
    %dma_start3A_620 = arith.constant 0 : i32
    %dma_start3A_621 = tpu.memref_slice %arg2[%dma_start3A_619, %dma_start3A_620] : memref<8192x1024xf32, #tpu.memory_space<hbm>> -> memref<8192x1024xf32, #tpu.memory_space<hbm>>
    tpu.enqueue_indirect_dma source(%dma_start3A_621 : memref<8192x1024xf32, #tpu.memory_space<hbm>>) target(%arg6 : memref<32x1024xf32, #tpu.memory_space<vmem>>) offsets(%dma_start3A_618 : memref<32xi32, #tpu.memory_space<vmem>>) semaphore(%arg9 : memref<!tpu.dma_semaphore, #tpu.memory_space<semaphore_mem>>)
    %dma_wait3A_622 = arith.constant 25 : i32
    %dma_wait3A_623 = arith.constant 0 : i32
    %dma_wait3A_624 = tpu.memref_slice %arg5[%dma_wait3A_622, %dma_wait3A_623] : memref<32x32xi32, #tpu.memory_space<vmem>> -> memref<1x32xi32, #tpu.memory_space<vmem>>
    %dma_wait3A_625 = tpu.memref_squeeze %dma_wait3A_624 : memref<1x32xi32, #tpu.memory_space<vmem>> -> memref<32xi32, #tpu.memory_space<vmem>>
    %dma_wait3A_626 = arith.constant 0 : i32
    %dma_wait3A_627 = arith.constant 0 : i32
    %dma_wait3A_628 = tpu.memref_slice %arg2[%dma_wait3A_626, %dma_wait3A_627] : memref<8192x1024xf32, #tpu.memory_space<hbm>> -> memref<8192x1024xf32, #tpu.memory_space<hbm>>
    tpu.wait_indirect_dma semaphore(%arg10 : memref<!tpu.dma_semaphore, #tpu.memory_space<semaphore_mem>>) src(%dma_wait3A_628 : memref<8192x1024xf32, #tpu.memory_space<hbm>>) dst(%arg7 : memref<32x1024xf32, #tpu.memory_space<vmem>>)
    %add3A_629 = arith.constant 800 : i32
    %add3A_630 = arith.addi %mul3A_2, %add3A_629 : i32
    %dma_start3A_631 = arith.constant 0 : i32
    %dma_start3A_632 = tpu.memref_slice %arg4[%add3A_630, %dma_start3A_631] : memref<32768x1024xf32, #tpu.memory_space<hbm>> -> memref<32x1024xf32, #tpu.memory_space<hbm>>
    %dma_start3A_633 = arith.constant 0 : i32
    %dma_start3A_634 = tpu.memref_slice %arg4[%add3A_630, %dma_start3A_633] : memref<32768x1024xf32, #tpu.memory_space<hbm>> -> memref<32x1024xf32, #tpu.memory_space<hbm>>
    tpu.enqueue_dma source(%arg7 : memref<32x1024xf32, #tpu.memory_space<vmem>>) target(%dma_start3A_634 : memref<32x1024xf32, #tpu.memory_space<hbm>>) target_semaphore(%arg13 : memref<!tpu.dma_semaphore, #tpu.memory_space<semaphore_mem>>)
    %dma_wait3A_635 = arith.constant 0 : i32
    %dma_wait3A_636 = tpu.memref_slice %arg4[%add3A_630, %dma_wait3A_635] : memref<32768x1024xf32, #tpu.memory_space<hbm>> -> memref<32x1024xf32, #tpu.memory_space<hbm>>
    %dma_wait3A_637 = arith.constant 0 : i32
    %dma_wait3A_638 = tpu.memref_slice %arg4[%add3A_630, %dma_wait3A_637] : memref<32768x1024xf32, #tpu.memory_space<hbm>> -> memref<32x1024xf32, #tpu.memory_space<hbm>>
    tpu.wait_dma2 semaphore(%arg13 : memref<!tpu.dma_semaphore, #tpu.memory_space<semaphore_mem>>) src(%arg7 : memref<32x1024xf32, #tpu.memory_space<vmem>>) dst(%dma_wait3A_638 : memref<32x1024xf32, #tpu.memory_space<hbm>>)
    %dma_start3A_639 = arith.constant 28 : i32
    %dma_start3A_640 = arith.constant 0 : i32
    %dma_start3A_641 = tpu.memref_slice %arg5[%dma_start3A_639, %dma_start3A_640] : memref<32x32xi32, #tpu.memory_space<vmem>> -> memref<1x32xi32, #tpu.memory_space<vmem>>
    %dma_start3A_642 = tpu.memref_squeeze %dma_start3A_641 : memref<1x32xi32, #tpu.memory_space<vmem>> -> memref<32xi32, #tpu.memory_space<vmem>>
    %dma_start3A_643 = arith.constant 0 : i32
    %dma_start3A_644 = arith.constant 0 : i32
    %dma_start3A_645 = tpu.memref_slice %arg2[%dma_start3A_643, %dma_start3A_644] : memref<8192x1024xf32, #tpu.memory_space<hbm>> -> memref<8192x1024xf32, #tpu.memory_space<hbm>>
    tpu.enqueue_indirect_dma source(%dma_start3A_645 : memref<8192x1024xf32, #tpu.memory_space<hbm>>) target(%arg7 : memref<32x1024xf32, #tpu.memory_space<vmem>>) offsets(%dma_start3A_642 : memref<32xi32, #tpu.memory_space<vmem>>) semaphore(%arg10 : memref<!tpu.dma_semaphore, #tpu.memory_space<semaphore_mem>>)
    %dma_wait3A_646 = arith.constant 26 : i32
    %dma_wait3A_647 = arith.constant 0 : i32
    %dma_wait3A_648 = tpu.memref_slice %arg5[%dma_wait3A_646, %dma_wait3A_647] : memref<32x32xi32, #tpu.memory_space<vmem>> -> memref<1x32xi32, #tpu.memory_space<vmem>>
    %dma_wait3A_649 = tpu.memref_squeeze %dma_wait3A_648 : memref<1x32xi32, #tpu.memory_space<vmem>> -> memref<32xi32, #tpu.memory_space<vmem>>
    %dma_wait3A_650 = arith.constant 0 : i32
    %dma_wait3A_651 = arith.constant 0 : i32
    %dma_wait3A_652 = tpu.memref_slice %arg2[%dma_wait3A_650, %dma_wait3A_651] : memref<8192x1024xf32, #tpu.memory_space<hbm>> -> memref<8192x1024xf32, #tpu.memory_space<hbm>>
    tpu.wait_indirect_dma semaphore(%arg11 : memref<!tpu.dma_semaphore, #tpu.memory_space<semaphore_mem>>) src(%dma_wait3A_652 : memref<8192x1024xf32, #tpu.memory_space<hbm>>) dst(%arg8 : memref<32x1024xf32, #tpu.memory_space<vmem>>)
    %add3A_653 = arith.constant 832 : i32
    %add3A_654 = arith.addi %mul3A_2, %add3A_653 : i32
    %dma_start3A_655 = arith.constant 0 : i32
    %dma_start3A_656 = tpu.memref_slice %arg4[%add3A_654, %dma_start3A_655] : memref<32768x1024xf32, #tpu.memory_space<hbm>> -> memref<32x1024xf32, #tpu.memory_space<hbm>>
    %dma_start3A_657 = arith.constant 0 : i32
    %dma_start3A_658 = tpu.memref_slice %arg4[%add3A_654, %dma_start3A_657] : memref<32768x1024xf32, #tpu.memory_space<hbm>> -> memref<32x1024xf32, #tpu.memory_space<hbm>>
    tpu.enqueue_dma source(%arg8 : memref<32x1024xf32, #tpu.memory_space<vmem>>) target(%dma_start3A_658 : memref<32x1024xf32, #tpu.memory_space<hbm>>) target_semaphore(%arg14 : memref<!tpu.dma_semaphore, #tpu.memory_space<semaphore_mem>>)
    %dma_wait3A_659 = arith.constant 0 : i32
    %dma_wait3A_660 = tpu.memref_slice %arg4[%add3A_654, %dma_wait3A_659] : memref<32768x1024xf32, #tpu.memory_space<hbm>> -> memref<32x1024xf32, #tpu.memory_space<hbm>>
    %dma_wait3A_661 = arith.constant 0 : i32
    %dma_wait3A_662 = tpu.memref_slice %arg4[%add3A_654, %dma_wait3A_661] : memref<32768x1024xf32, #tpu.memory_space<hbm>> -> memref<32x1024xf32, #tpu.memory_space<hbm>>
    tpu.wait_dma2 semaphore(%arg14 : memref<!tpu.dma_semaphore, #tpu.memory_space<semaphore_mem>>) src(%arg8 : memref<32x1024xf32, #tpu.memory_space<vmem>>) dst(%dma_wait3A_662 : memref<32x1024xf32, #tpu.memory_space<hbm>>)
    %dma_start3A_663 = arith.constant 29 : i32
    %dma_start3A_664 = arith.constant 0 : i32
    %dma_start3A_665 = tpu.memref_slice %arg5[%dma_start3A_663, %dma_start3A_664] : memref<32x32xi32, #tpu.memory_space<vmem>> -> memref<1x32xi32, #tpu.memory_space<vmem>>
    %dma_start3A_666 = tpu.memref_squeeze %dma_start3A_665 : memref<1x32xi32, #tpu.memory_space<vmem>> -> memref<32xi32, #tpu.memory_space<vmem>>
    %dma_start3A_667 = arith.constant 0 : i32
    %dma_start3A_668 = arith.constant 0 : i32
    %dma_start3A_669 = tpu.memref_slice %arg2[%dma_start3A_667, %dma_start3A_668] : memref<8192x1024xf32, #tpu.memory_space<hbm>> -> memref<8192x1024xf32, #tpu.memory_space<hbm>>
    tpu.enqueue_indirect_dma source(%dma_start3A_669 : memref<8192x1024xf32, #tpu.memory_space<hbm>>) target(%arg8 : memref<32x1024xf32, #tpu.memory_space<vmem>>) offsets(%dma_start3A_666 : memref<32xi32, #tpu.memory_space<vmem>>) semaphore(%arg11 : memref<!tpu.dma_semaphore, #tpu.memory_space<semaphore_mem>>)
    %dma_wait3A_670 = arith.constant 27 : i32
    %dma_wait3A_671 = arith.constant 0 : i32
    %dma_wait3A_672 = tpu.memref_slice %arg5[%dma_wait3A_670, %dma_wait3A_671] : memref<32x32xi32, #tpu.memory_space<vmem>> -> memref<1x32xi32, #tpu.memory_space<vmem>>
    %dma_wait3A_673 = tpu.memref_squeeze %dma_wait3A_672 : memref<1x32xi32, #tpu.memory_space<vmem>> -> memref<32xi32, #tpu.memory_space<vmem>>
    %dma_wait3A_674 = arith.constant 0 : i32
    %dma_wait3A_675 = arith.constant 0 : i32
    %dma_wait3A_676 = tpu.memref_slice %arg2[%dma_wait3A_674, %dma_wait3A_675] : memref<8192x1024xf32, #tpu.memory_space<hbm>> -> memref<8192x1024xf32, #tpu.memory_space<hbm>>
    tpu.wait_indirect_dma semaphore(%arg9 : memref<!tpu.dma_semaphore, #tpu.memory_space<semaphore_mem>>) src(%dma_wait3A_676 : memref<8192x1024xf32, #tpu.memory_space<hbm>>) dst(%arg6 : memref<32x1024xf32, #tpu.memory_space<vmem>>)
    %add3A_677 = arith.constant 864 : i32
    %add3A_678 = arith.addi %mul3A_2, %add3A_677 : i32
    %dma_start3A_679 = arith.constant 0 : i32
    %dma_start3A_680 = tpu.memref_slice %arg4[%add3A_678, %dma_start3A_679] : memref<32768x1024xf32, #tpu.memory_space<hbm>> -> memref<32x1024xf32, #tpu.memory_space<hbm>>
    %dma_start3A_681 = arith.constant 0 : i32
    %dma_start3A_682 = tpu.memref_slice %arg4[%add3A_678, %dma_start3A_681] : memref<32768x1024xf32, #tpu.memory_space<hbm>> -> memref<32x1024xf32, #tpu.memory_space<hbm>>
    tpu.enqueue_dma source(%arg6 : memref<32x1024xf32, #tpu.memory_space<vmem>>) target(%dma_start3A_682 : memref<32x1024xf32, #tpu.memory_space<hbm>>) target_semaphore(%arg12 : memref<!tpu.dma_semaphore, #tpu.memory_space<semaphore_mem>>)
    %dma_wait3A_683 = arith.constant 0 : i32
    %dma_wait3A_684 = tpu.memref_slice %arg4[%add3A_678, %dma_wait3A_683] : memref<32768x1024xf32, #tpu.memory_space<hbm>> -> memref<32x1024xf32, #tpu.memory_space<hbm>>
    %dma_wait3A_685 = arith.constant 0 : i32
    %dma_wait3A_686 = tpu.memref_slice %arg4[%add3A_678, %dma_wait3A_685] : memref<32768x1024xf32, #tpu.memory_space<hbm>> -> memref<32x1024xf32, #tpu.memory_space<hbm>>
    tpu.wait_dma2 semaphore(%arg12 : memref<!tpu.dma_semaphore, #tpu.memory_space<semaphore_mem>>) src(%arg6 : memref<32x1024xf32, #tpu.memory_space<vmem>>) dst(%dma_wait3A_686 : memref<32x1024xf32, #tpu.memory_space<hbm>>)
    %dma_start3A_687 = arith.constant 30 : i32
    %dma_start3A_688 = arith.constant 0 : i32
    %dma_start3A_689 = tpu.memref_slice %arg5[%dma_start3A_687, %dma_start3A_688] : memref<32x32xi32, #tpu.memory_space<vmem>> -> memref<1x32xi32, #tpu.memory_space<vmem>>
    %dma_start3A_690 = tpu.memref_squeeze %dma_start3A_689 : memref<1x32xi32, #tpu.memory_space<vmem>> -> memref<32xi32, #tpu.memory_space<vmem>>
    %dma_start3A_691 = arith.constant 0 : i32
    %dma_start3A_692 = arith.constant 0 : i32
    %dma_start3A_693 = tpu.memref_slice %arg2[%dma_start3A_691, %dma_start3A_692] : memref<8192x1024xf32, #tpu.memory_space<hbm>> -> memref<8192x1024xf32, #tpu.memory_space<hbm>>
    tpu.enqueue_indirect_dma source(%dma_start3A_693 : memref<8192x1024xf32, #tpu.memory_space<hbm>>) target(%arg6 : memref<32x1024xf32, #tpu.memory_space<vmem>>) offsets(%dma_start3A_690 : memref<32xi32, #tpu.memory_space<vmem>>) semaphore(%arg9 : memref<!tpu.dma_semaphore, #tpu.memory_space<semaphore_mem>>)
    %dma_wait3A_694 = arith.constant 28 : i32
    %dma_wait3A_695 = arith.constant 0 : i32
    %dma_wait3A_696 = tpu.memref_slice %arg5[%dma_wait3A_694, %dma_wait3A_695] : memref<32x32xi32, #tpu.memory_space<vmem>> -> memref<1x32xi32, #tpu.memory_space<vmem>>
    %dma_wait3A_697 = tpu.memref_squeeze %dma_wait3A_696 : memref<1x32xi32, #tpu.memory_space<vmem>> -> memref<32xi32, #tpu.memory_space<vmem>>
    %dma_wait3A_698 = arith.constant 0 : i32
    %dma_wait3A_699 = arith.constant 0 : i32
    %dma_wait3A_700 = tpu.memref_slice %arg2[%dma_wait3A_698, %dma_wait3A_699] : memref<8192x1024xf32, #tpu.memory_space<hbm>> -> memref<8192x1024xf32, #tpu.memory_space<hbm>>
    tpu.wait_indirect_dma semaphore(%arg10 : memref<!tpu.dma_semaphore, #tpu.memory_space<semaphore_mem>>) src(%dma_wait3A_700 : memref<8192x1024xf32, #tpu.memory_space<hbm>>) dst(%arg7 : memref<32x1024xf32, #tpu.memory_space<vmem>>)
    %add3A_701 = arith.constant 896 : i32
    %add3A_702 = arith.addi %mul3A_2, %add3A_701 : i32
    %dma_start3A_703 = arith.constant 0 : i32
    %dma_start3A_704 = tpu.memref_slice %arg4[%add3A_702, %dma_start3A_703] : memref<32768x1024xf32, #tpu.memory_space<hbm>> -> memref<32x1024xf32, #tpu.memory_space<hbm>>
    %dma_start3A_705 = arith.constant 0 : i32
    %dma_start3A_706 = tpu.memref_slice %arg4[%add3A_702, %dma_start3A_705] : memref<32768x1024xf32, #tpu.memory_space<hbm>> -> memref<32x1024xf32, #tpu.memory_space<hbm>>
    tpu.enqueue_dma source(%arg7 : memref<32x1024xf32, #tpu.memory_space<vmem>>) target(%dma_start3A_706 : memref<32x1024xf32, #tpu.memory_space<hbm>>) target_semaphore(%arg13 : memref<!tpu.dma_semaphore, #tpu.memory_space<semaphore_mem>>)
    %dma_wait3A_707 = arith.constant 0 : i32
    %dma_wait3A_708 = tpu.memref_slice %arg4[%add3A_702, %dma_wait3A_707] : memref<32768x1024xf32, #tpu.memory_space<hbm>> -> memref<32x1024xf32, #tpu.memory_space<hbm>>
    %dma_wait3A_709 = arith.constant 0 : i32
    %dma_wait3A_710 = tpu.memref_slice %arg4[%add3A_702, %dma_wait3A_709] : memref<32768x1024xf32, #tpu.memory_space<hbm>> -> memref<32x1024xf32, #tpu.memory_space<hbm>>
    tpu.wait_dma2 semaphore(%arg13 : memref<!tpu.dma_semaphore, #tpu.memory_space<semaphore_mem>>) src(%arg7 : memref<32x1024xf32, #tpu.memory_space<vmem>>) dst(%dma_wait3A_710 : memref<32x1024xf32, #tpu.memory_space<hbm>>)
    %dma_start3A_711 = arith.constant 31 : i32
    %dma_start3A_712 = arith.constant 0 : i32
    %dma_start3A_713 = tpu.memref_slice %arg5[%dma_start3A_711, %dma_start3A_712] : memref<32x32xi32, #tpu.memory_space<vmem>> -> memref<1x32xi32, #tpu.memory_space<vmem>>
    %dma_start3A_714 = tpu.memref_squeeze %dma_start3A_713 : memref<1x32xi32, #tpu.memory_space<vmem>> -> memref<32xi32, #tpu.memory_space<vmem>>
    %dma_start3A_715 = arith.constant 0 : i32
    %dma_start3A_716 = arith.constant 0 : i32
    %dma_start3A_717 = tpu.memref_slice %arg2[%dma_start3A_715, %dma_start3A_716] : memref<8192x1024xf32, #tpu.memory_space<hbm>> -> memref<8192x1024xf32, #tpu.memory_space<hbm>>
    tpu.enqueue_indirect_dma source(%dma_start3A_717 : memref<8192x1024xf32, #tpu.memory_space<hbm>>) target(%arg7 : memref<32x1024xf32, #tpu.memory_space<vmem>>) offsets(%dma_start3A_714 : memref<32xi32, #tpu.memory_space<vmem>>) semaphore(%arg10 : memref<!tpu.dma_semaphore, #tpu.memory_space<semaphore_mem>>)
    %dma_wait3A_718 = arith.constant 29 : i32
    %dma_wait3A_719 = arith.constant 0 : i32
    %dma_wait3A_720 = tpu.memref_slice %arg5[%dma_wait3A_718, %dma_wait3A_719] : memref<32x32xi32, #tpu.memory_space<vmem>> -> memref<1x32xi32, #tpu.memory_space<vmem>>
    %dma_wait3A_721 = tpu.memref_squeeze %dma_wait3A_720 : memref<1x32xi32, #tpu.memory_space<vmem>> -> memref<32xi32, #tpu.memory_space<vmem>>
    %dma_wait3A_722 = arith.constant 0 : i32
    %dma_wait3A_723 = arith.constant 0 : i32
    %dma_wait3A_724 = tpu.memref_slice %arg2[%dma_wait3A_722, %dma_wait3A_723] : memref<8192x1024xf32, #tpu.memory_space<hbm>> -> memref<8192x1024xf32, #tpu.memory_space<hbm>>
    tpu.wait_indirect_dma semaphore(%arg11 : memref<!tpu.dma_semaphore, #tpu.memory_space<semaphore_mem>>) src(%dma_wait3A_724 : memref<8192x1024xf32, #tpu.memory_space<hbm>>) dst(%arg8 : memref<32x1024xf32, #tpu.memory_space<vmem>>)
    %add3A_725 = arith.constant 928 : i32
    %add3A_726 = arith.addi %mul3A_2, %add3A_725 : i32
    %dma_start3A_727 = arith.constant 0 : i32
    %dma_start3A_728 = tpu.memref_slice %arg4[%add3A_726, %dma_start3A_727] : memref<32768x1024xf32, #tpu.memory_space<hbm>> -> memref<32x1024xf32, #tpu.memory_space<hbm>>
    %dma_start3A_729 = arith.constant 0 : i32
    %dma_start3A_730 = tpu.memref_slice %arg4[%add3A_726, %dma_start3A_729] : memref<32768x1024xf32, #tpu.memory_space<hbm>> -> memref<32x1024xf32, #tpu.memory_space<hbm>>
    tpu.enqueue_dma source(%arg8 : memref<32x1024xf32, #tpu.memory_space<vmem>>) target(%dma_start3A_730 : memref<32x1024xf32, #tpu.memory_space<hbm>>) target_semaphore(%arg14 : memref<!tpu.dma_semaphore, #tpu.memory_space<semaphore_mem>>)
    %dma_wait3A_731 = arith.constant 0 : i32
    %dma_wait3A_732 = tpu.memref_slice %arg4[%add3A_726, %dma_wait3A_731] : memref<32768x1024xf32, #tpu.memory_space<hbm>> -> memref<32x1024xf32, #tpu.memory_space<hbm>>
    %dma_wait3A_733 = arith.constant 0 : i32
    %dma_wait3A_734 = tpu.memref_slice %arg4[%add3A_726, %dma_wait3A_733] : memref<32768x1024xf32, #tpu.memory_space<hbm>> -> memref<32x1024xf32, #tpu.memory_space<hbm>>
    tpu.wait_dma2 semaphore(%arg14 : memref<!tpu.dma_semaphore, #tpu.memory_space<semaphore_mem>>) src(%arg8 : memref<32x1024xf32, #tpu.memory_space<vmem>>) dst(%dma_wait3A_734 : memref<32x1024xf32, #tpu.memory_space<hbm>>)
    %dma_wait3A_735 = arith.constant 30 : i32
    %dma_wait3A_736 = arith.constant 0 : i32
    %dma_wait3A_737 = tpu.memref_slice %arg5[%dma_wait3A_735, %dma_wait3A_736] : memref<32x32xi32, #tpu.memory_space<vmem>> -> memref<1x32xi32, #tpu.memory_space<vmem>>
    %dma_wait3A_738 = tpu.memref_squeeze %dma_wait3A_737 : memref<1x32xi32, #tpu.memory_space<vmem>> -> memref<32xi32, #tpu.memory_space<vmem>>
    %dma_wait3A_739 = arith.constant 0 : i32
    %dma_wait3A_740 = arith.constant 0 : i32
    %dma_wait3A_741 = tpu.memref_slice %arg2[%dma_wait3A_739, %dma_wait3A_740] : memref<8192x1024xf32, #tpu.memory_space<hbm>> -> memref<8192x1024xf32, #tpu.memory_space<hbm>>
    tpu.wait_indirect_dma semaphore(%arg9 : memref<!tpu.dma_semaphore, #tpu.memory_space<semaphore_mem>>) src(%dma_wait3A_741 : memref<8192x1024xf32, #tpu.memory_space<hbm>>) dst(%arg6 : memref<32x1024xf32, #tpu.memory_space<vmem>>)
    %add3A_742 = arith.constant 960 : i32
    %add3A_743 = arith.addi %mul3A_2, %add3A_742 : i32
    %dma_start3A_744 = arith.constant 0 : i32
    %dma_start3A_745 = tpu.memref_slice %arg4[%add3A_743, %dma_start3A_744] : memref<32768x1024xf32, #tpu.memory_space<hbm>> -> memref<32x1024xf32, #tpu.memory_space<hbm>>
    %dma_start3A_746 = arith.constant 0 : i32
    %dma_start3A_747 = tpu.memref_slice %arg4[%add3A_743, %dma_start3A_746] : memref<32768x1024xf32, #tpu.memory_space<hbm>> -> memref<32x1024xf32, #tpu.memory_space<hbm>>
    tpu.enqueue_dma source(%arg6 : memref<32x1024xf32, #tpu.memory_space<vmem>>) target(%dma_start3A_747 : memref<32x1024xf32, #tpu.memory_space<hbm>>) target_semaphore(%arg12 : memref<!tpu.dma_semaphore, #tpu.memory_space<semaphore_mem>>)
    %dma_wait3A_748 = arith.constant 0 : i32
    %dma_wait3A_749 = tpu.memref_slice %arg4[%add3A_743, %dma_wait3A_748] : memref<32768x1024xf32, #tpu.memory_space<hbm>> -> memref<32x1024xf32, #tpu.memory_space<hbm>>
    %dma_wait3A_750 = arith.constant 0 : i32
    %dma_wait3A_751 = tpu.memref_slice %arg4[%add3A_743, %dma_wait3A_750] : memref<32768x1024xf32, #tpu.memory_space<hbm>> -> memref<32x1024xf32, #tpu.memory_space<hbm>>
    tpu.wait_dma2 semaphore(%arg12 : memref<!tpu.dma_semaphore, #tpu.memory_space<semaphore_mem>>) src(%arg6 : memref<32x1024xf32, #tpu.memory_space<vmem>>) dst(%dma_wait3A_751 : memref<32x1024xf32, #tpu.memory_space<hbm>>)
    %dma_wait3A_752 = arith.constant 31 : i32
    %dma_wait3A_753 = arith.constant 0 : i32
    %dma_wait3A_754 = tpu.memref_slice %arg5[%dma_wait3A_752, %dma_wait3A_753] : memref<32x32xi32, #tpu.memory_space<vmem>> -> memref<1x32xi32, #tpu.memory_space<vmem>>
    %dma_wait3A_755 = tpu.memref_squeeze %dma_wait3A_754 : memref<1x32xi32, #tpu.memory_space<vmem>> -> memref<32xi32, #tpu.memory_space<vmem>>
    %dma_wait3A_756 = arith.constant 0 : i32
    %dma_wait3A_757 = arith.constant 0 : i32
    %dma_wait3A_758 = tpu.memref_slice %arg2[%dma_wait3A_756, %dma_wait3A_757] : memref<8192x1024xf32, #tpu.memory_space<hbm>> -> memref<8192x1024xf32, #tpu.memory_space<hbm>>
    tpu.wait_indirect_dma semaphore(%arg10 : memref<!tpu.dma_semaphore, #tpu.memory_space<semaphore_mem>>) src(%dma_wait3A_758 : memref<8192x1024xf32, #tpu.memory_space<hbm>>) dst(%arg7 : memref<32x1024xf32, #tpu.memory_space<vmem>>)
    %add3A_759 = arith.constant 992 : i32
    %add3A_760 = arith.addi %mul3A_2, %add3A_759 : i32
    %dma_start3A_761 = arith.constant 0 : i32
    %dma_start3A_762 = tpu.memref_slice %arg4[%add3A_760, %dma_start3A_761] : memref<32768x1024xf32, #tpu.memory_space<hbm>> -> memref<32x1024xf32, #tpu.memory_space<hbm>>
    %dma_start3A_763 = arith.constant 0 : i32
    %dma_start3A_764 = tpu.memref_slice %arg4[%add3A_760, %dma_start3A_763] : memref<32768x1024xf32, #tpu.memory_space<hbm>> -> memref<32x1024xf32, #tpu.memory_space<hbm>>
    tpu.enqueue_dma source(%arg7 : memref<32x1024xf32, #tpu.memory_space<vmem>>) target(%dma_start3A_764 : memref<32x1024xf32, #tpu.memory_space<hbm>>) target_semaphore(%arg13 : memref<!tpu.dma_semaphore, #tpu.memory_space<semaphore_mem>>)
    %dma_wait3A_765 = arith.constant 0 : i32
    %dma_wait3A_766 = tpu.memref_slice %arg4[%add3A_760, %dma_wait3A_765] : memref<32768x1024xf32, #tpu.memory_space<hbm>> -> memref<32x1024xf32, #tpu.memory_space<hbm>>
    %dma_wait3A_767 = arith.constant 0 : i32
    %dma_wait3A_768 = tpu.memref_slice %arg4[%add3A_760, %dma_wait3A_767] : memref<32768x1024xf32, #tpu.memory_space<hbm>> -> memref<32x1024xf32, #tpu.memory_space<hbm>>
    tpu.wait_dma2 semaphore(%arg13 : memref<!tpu.dma_semaphore, #tpu.memory_space<semaphore_mem>>) src(%arg7 : memref<32x1024xf32, #tpu.memory_space<vmem>>) dst(%dma_wait3A_768 : memref<32x1024xf32, #tpu.memory_space<hbm>>)
    return
  }
}

module attributes {stable_mosaic.version = 14 : i64} {
  func.func @_table_body(%arg0: i32, %arg1: memref<1x1xf32, #tpu.memory_space<smem>>, %arg2: memref<1x1xf32, #tpu.memory_space<smem>>, %arg3: memref<1x1024xf32, #tpu.memory_space<vmem>>, %arg4: memref<1024x1024xf32, #tpu.memory_space<vmem>>) attributes {dimension_semantics = [#tpu.dimension_semantics<arbitrary>], iteration_bounds = array<i64: 8>, scalar_prefetch = 0 : i64, scratch_operands = 0 : i64, tpu.core_type = #tpu.core_type<tc>, window_params = [{transform_indices = @transform_0, window_bounds = array<i64: 1, 1>}, {transform_indices = @transform_1, window_bounds = array<i64: 1, 1>}, {pipeline_mode = #tpu.pipeline_mode<synchronous>, transform_indices = @transform_2, window_bounds = array<i64: 1, 1024>}, {transform_indices = @transform_3, window_bounds = array<i64: 1024, 1024>}]} {
    %mul3A = arith.constant 1024 : i32
    %mul3A_0 = arith.muli %arg0, %mul3A : i32
    %convert_element_type3A = arith.sitofp %mul3A_0 : i32 to f32
    %get3A = arith.constant 0 : index
    %get3A_1 = arith.constant 0 : index
    %get3A_2 = memref.load %arg1[%get3A, %get3A_1] : memref<1x1xf32, #tpu.memory_space<smem>>
    %get3A_3 = arith.constant 0 : index
    %get3A_4 = arith.constant 0 : index
    %get3A_5 = vector.load %arg3[%get3A_3, %get3A_4] : memref<1x1024xf32, #tpu.memory_space<vmem>>, vector<1x1024xf32>
    %mul3A_6 = vector.broadcast %get3A_2 : f32 to vector<1x1024xf32>
    %mul3A_7 = arith.mulf %mul3A_6, %get3A_5 : vector<1x1024xf32>
    %get3A_8 = arith.constant 0 : index
    %get3A_9 = arith.constant 0 : index
    %get3A_10 = memref.load %arg2[%get3A_8, %get3A_9] : memref<1x1xf32, #tpu.memory_space<smem>>
    %add3A = vector.broadcast %get3A_10 : f32 to vector<1x1024xf32>
    %add3A_11 = arith.addf %mul3A_7, %add3A : vector<1x1024xf32>
    %iota3A = tpu.iota {dimensions = array<i32: 0>} : vector<32x1024xi32>
    %convert_element_type3A_12 = arith.sitofp %iota3A : vector<32x1024xi32> to vector<32x1024xf32>
    %mul3A_13 = vector.broadcast %add3A_11 : vector<1x1024xf32> to vector<32x1024xf32>
    %mul3A_14 = arith.mulf %convert_element_type3A_12, %mul3A_13 : vector<32x1024xf32>
    %mul3A_15 = vector.broadcast %convert_element_type3A : f32 to vector<1x1024xf32>
    %mul3A_16 = arith.mulf %mul3A_15, %add3A_11 : vector<1x1024xf32>
    %mul3A_17 = arith.constant 3.200000e+01 : f32
    %mul3A_18 = vector.broadcast %mul3A_17 : f32 to vector<32x1024xf32>
    %mul3A_19 = arith.mulf %mul3A_14, %mul3A_18 : vector<32x1024xf32>
    %add3A_20 = vector.broadcast %mul3A_16 : vector<1x1024xf32> to vector<32x1024xf32>
    %add3A_21 = arith.addf %add3A_20, %mul3A_19 : vector<32x1024xf32>
    %iota3A_22 = tpu.iota {dimensions = array<i32: 1>} : vector<32x1024xi32>
    %jit3A = arith.constant 2 : i32
    %eq3A = arith.constant 0 : i32
    %eq3A_23 = arith.cmpi eq, %jit3A, %eq3A : i32
    %jit3A_24 = arith.constant 1 : i32
    %select_n3A = arith.select %eq3A_23, %jit3A_24, %jit3A : i32
    %rem3A = vector.broadcast %select_n3A : i32 to vector<32x1024xi32>
    %rem3A_25 = arith.remsi %iota3A_22, %rem3A : vector<32x1024xi32>
    %ne3A = arith.constant 0 : i32
    %ne3A_26 = vector.broadcast %ne3A : i32 to vector<32x1024xi32>
    %ne3A_27 = arith.cmpi ne, %rem3A_25, %ne3A_26 : vector<32x1024xi32>
    %lt3A = arith.constant 0 : i32
    %lt3A_28 = vector.broadcast %lt3A : i32 to vector<32x1024xi32>
    %lt3A_29 = arith.cmpi slt, %rem3A_25, %lt3A_28 : vector<32x1024xi32>
    %lt3A_30 = arith.constant 0 : i32
    %lt3A_31 = arith.cmpi slt, %select_n3A, %lt3A_30 : i32
    %ne3A_32 = vector.broadcast %lt3A_31 : i1 to vector<32x1024xi1>
    %ne3A_33 = vector.broadcast %ne3A_32 : vector<32x1024xi1> to vector<32x1024xi1>
    %ne3A_34 = arith.xori %lt3A_29, %ne3A_33 : vector<32x1024xi1>
    %and3A = arith.andi %ne3A_34, %ne3A_27 : vector<32x1024xi1>
    %add3A_35 = vector.broadcast %select_n3A : i32 to vector<32x1024xi32>
    %add3A_36 = arith.addi %rem3A_25, %add3A_35 : vector<32x1024xi32>
    %select_n3A_37 = arith.select %and3A, %add3A_36, %rem3A_25 : vector<32x1024xi1>, vector<32x1024xi32>
    %eq3A_38 = arith.constant 1 : i32
    %eq3A_39 = vector.broadcast %eq3A_38 : i32 to vector<32x1024xi32>
    %eq3A_40 = arith.cmpi eq, %select_n3A_37, %eq3A_39 : vector<32x1024xi32>
    %cos3A = math.cos %add3A_21 : vector<32x1024xf32>
    %sin3A = math.sin %add3A_21 : vector<32x1024xf32>
    %cos3A_41 = math.cos %mul3A_14 : vector<32x1024xf32>
    %jit3A_42 = arith.constant 0.000000e+00 : f32
    %broadcast_in_dim3A = vector.broadcast %jit3A_42 : f32 to vector<32x1024xf32>
    %select_n3A_43 = arith.select %eq3A_40, %cos3A_41, %broadcast_in_dim3A : vector<32x1024xi1>, vector<32x1024xf32>
    %sin3A_44 = math.sin %mul3A_14 : vector<32x1024xf32>
    %jit3A_45 = arith.constant 0.000000e+00 : f32
    %broadcast_in_dim3A_46 = vector.broadcast %jit3A_45 : f32 to vector<32x1024xf32>
    %select_n3A_47 = arith.select %eq3A_40, %sin3A_44, %broadcast_in_dim3A_46 : vector<32x1024xi1>, vector<32x1024xf32>
    %broadcast_in_dim3A_48 = vector.shape_cast %cos3A : vector<32x1024xf32> to vector<32x1x1024xf32>
    %broadcast_in_dim3A_49 = vector.shape_cast %broadcast_in_dim3A_48 : vector<32x1x1024xf32> to vector<32x1x1024xf32>
    %broadcast_in_dim3A_50 = vector.broadcast %broadcast_in_dim3A_49 : vector<32x1x1024xf32> to vector<32x32x1024xf32>
    %reshape3A = vector.shape_cast %broadcast_in_dim3A_50 : vector<32x32x1024xf32> to vector<1024x1024xf32>
    %broadcast_in_dim3A_51 = vector.shape_cast %select_n3A_43 : vector<32x1024xf32> to vector<1x32x1024xf32>
    %broadcast_in_dim3A_52 = vector.shape_cast %broadcast_in_dim3A_51 : vector<1x32x1024xf32> to vector<1x32x1024xf32>
    %broadcast_in_dim3A_53 = vector.broadcast %broadcast_in_dim3A_52 : vector<1x32x1024xf32> to vector<32x32x1024xf32>
    %reshape3A_54 = vector.shape_cast %broadcast_in_dim3A_53 : vector<32x32x1024xf32> to vector<1024x1024xf32>
    %mul3A_55 = arith.mulf %reshape3A, %reshape3A_54 : vector<1024x1024xf32>
    %broadcast_in_dim3A_56 = vector.shape_cast %sin3A : vector<32x1024xf32> to vector<32x1x1024xf32>
    %broadcast_in_dim3A_57 = vector.shape_cast %broadcast_in_dim3A_56 : vector<32x1x1024xf32> to vector<32x1x1024xf32>
    %broadcast_in_dim3A_58 = vector.broadcast %broadcast_in_dim3A_57 : vector<32x1x1024xf32> to vector<32x32x1024xf32>
    %reshape3A_59 = vector.shape_cast %broadcast_in_dim3A_58 : vector<32x32x1024xf32> to vector<1024x1024xf32>
    %broadcast_in_dim3A_60 = vector.shape_cast %select_n3A_47 : vector<32x1024xf32> to vector<1x32x1024xf32>
    %broadcast_in_dim3A_61 = vector.shape_cast %broadcast_in_dim3A_60 : vector<1x32x1024xf32> to vector<1x32x1024xf32>
    %broadcast_in_dim3A_62 = vector.broadcast %broadcast_in_dim3A_61 : vector<1x32x1024xf32> to vector<32x32x1024xf32>
    %reshape3A_63 = vector.shape_cast %broadcast_in_dim3A_62 : vector<32x32x1024xf32> to vector<1024x1024xf32>
    %mul3A_64 = arith.mulf %reshape3A_59, %reshape3A_63 : vector<1024x1024xf32>
    %sub3A = arith.subf %mul3A_55, %mul3A_64 : vector<1024x1024xf32>
    %swap3A = arith.constant 0 : index
    %swap3A_65 = arith.constant 0 : index
    %swap3A_66 = vector.load %arg4[%swap3A, %swap3A_65] : memref<1024x1024xf32, #tpu.memory_space<vmem>>, vector<1024x1024xf32>
    tpu.vector_store %arg4[%swap3A, %swap3A_65], %sub3A {strides = array<i32>} : memref<1024x1024xf32, #tpu.memory_space<vmem>>, vector<1024x1024xf32>,
    return
  }
  func.func @transform_0(%arg0: i32) -> (i32, i32) {
    %c0_i32 = arith.constant 0 : i32
    %c0_i32_0 = arith.constant 0 : i32
    %c0_i32_1 = arith.constant 0 : i32
    return %c0_i32, %c0_i32_0 : i32, i32
  }
  func.func @transform_1(%arg0: i32) -> (i32, i32) {
    %c0_i32 = arith.constant 0 : i32
    %c0_i32_0 = arith.constant 0 : i32
    %c0_i32_1 = arith.constant 0 : i32
    return %c0_i32, %c0_i32_0 : i32, i32
  }
  func.func @transform_2(%arg0: i32) -> (i32, i32) {
    %c0_i32 = arith.constant 0 : i32
    %c0_i32_0 = arith.constant 0 : i32
    %c0_i32_1 = arith.constant 0 : i32
    return %c0_i32, %c0_i32_0 : i32, i32
  }
  func.func @transform_3(%arg0: i32) -> (i32, i32) {
    %c0_i32 = arith.constant 0 : i32
    %c0_i32_0 = arith.constant 0 : i32
    return %arg0, %c0_i32 : i32, i32
  }
}

</mosaic_0001>

<sc_bundles>
// kernel: kernel.4.cloned.1.call-start
scs
__scs_entry_jumppad:
0x0: {  	(pc) =	sbr.rel $0x88, $3  }
0x1: {  	(tag) =	ssettag $0x0;
	lr =	simm.s32 $0x1  }
0x2: {  	[smem:$0x3F9E] =	sst lr;
	_ =	strace $0xD0000000  }
0x3: {  	_ = 	snop  }
0x4: {  	_ = 	snop  }
0x5: {  	_ = 	snop  }
0x6: {  	_ = 	snop  }
0x7: {  	_ = 	snop  }
__scs_overlays_trampoline_lowered:
0x8: {  	[smem:$0x3FAD] =	sst s0  }
0x9: {  	[smem:$0x3FAE] =	sst s1  }
0xa: {  	[smem:$0x3FAF] =	sst s2  }
0xb: {  	[smem:$0x3FB0] =	sst s3  }
0xc: {  	[smem:$0x3FB1] =	sst s4  }
0xd: {  	[smem:$0x3FB2] =	sst s5  }
0xe: {  	[smem:$0x3FB3] =	sst s6  }
0xf: {  	[smem:$0x3FB4] =	sst s7  }
0x10: {  	[smem:$0x3FB5] =	sst s8  }
0x11: {  	[smem:$0x3FB6] =	sst s9;
	s0 =	simm.s32 @!p0 $0x0  }
0x12: {  	s1 =	sld [smem:$0x3F9C];
	s0 =	simm.s32 @p0 $0x1  }
0x13: {  	[smem:$0x3FB7] =	sst s0;
	s0 =	simm.s32 @!p1 $0x0  }
0x14: {  	s2 =	sld [smem:$0x3F9B];
	s0 =	simm.s32 @p1 $0x1  }
0x15: {  	[smem:$0x3FB8] =	sst s0;
	s0 =	simm.s32 @!p2 $0x0  }
0x16: {  	s3 =	sld [smem:$0x3FDB];
	s0 =	simm.s32 @p2 $0x1  }
0x17: {  	s4 =	simm.s32 $0x1BF5;
	[smem:$0x3FBA] =	sst s0  }
0x18: {  	s0 =	sld [smem:$0x3F9D];
	_ =	swait.ge [sflag:s4], $0x0  }
0x19: {  	s7 =	sld [smem:$0x3F9E]  }
0x1a: {  	s8 =	sadd.s32 $0xFFFFE003, lr  }
0x1b: {  	s9 =	sadd.s32 $0xFFFFFEF7, lr;
	s5 =	simm.s32 $0xFFFFFFFF;
	p2 =	slt.u32 s8, $0xFFFFF086  }
0x1c: {  	p1 =	slt.u32 s9, $0xF7A;
	s5 =	simm.s32 @!p2 $0x0  }
0x1d: {  	s5 =	simm.s32 @p1 $0x1;
	p0 =	seq.s32 s7, s2  }
0x1e: {  	s7 =	smul.u32 @!p0 $0xF7A, s2;
	p2 =	seq.s32 @!p0 s5, $0x0  }
0x1f: {  	s9 =	smul.u32 $0xF7A, s1;
	s8 =	simm.s32 @!p0 $0x1BF5;
	p2 =	por !p2, p0  }
0x20: {  	[sflag:s8] =	ssyncset.s32 @!p0 $0xFFFFF086;
	s6 =	sadd.s32 @!p0 s3, s7;
	s7 =	simm.s32 @!p0 $0x108  }
0x21: {  	s3 =	sadd.s32 s3, s9;
	s6 =	sadd.s32 @!p0 $0x88, s6;
	s7 =	simm.s32 @p2 $0x1082  }
0x22: {  	[simem:s7], [sflag:s8] =	dma.local @!p0 [hbm:s6], $0xF7A  }
0x23: {  	s9 =	sor.u32 $0xD0000000, s2;
	s6 =	simm.s32 $0x108;
	_ =	swait.ge @!p0 [sflag:s8], $0x0  }
0x24: {  	s3 =	sadd.s32 $0x88, s3;
	s6 =	simm.s32 @!p1 $0x1082;
	[sflag:s4] =	ssyncset.s32 $0xFFFFF086  }
0x25: {  	[simem:s6], [sflag:s4] =	dma.local [hbm:s3], $0xF7A  }
0x26: {  	[smem:$0x3F9E] =	sst s1;
	(tag) =	ssettag s2;
	_ =	strace s9  }
0x27: {  	s1 =	sld [smem:$0x3FAE]  }
0x28: {  	s2 =	sld [smem:$0x3FAF]  }
0x29: {  	s4 =	sld [smem:$0x3FB1]  }
0x2a: {  	p0 =	seq.s32 s5, $0x0;
	s5 =	sld [smem:$0x3FB2]  }
0x2b: {  	s6 =	sld [smem:$0x3FB3]  }
0x2c: {  	s7 =	sld [smem:$0x3FB4]  }
0x2d: {  	s3 =	simm.s32 $0x108;
	s8 =	sld [smem:$0x3FB5]  }
0x2e: {  	s3 =	simm.s32 @!p0 $0x1082;
	s9 =	sld [smem:$0x3FB6]  }
0x2f: {  	lr =	sadd.s32 s0, s3;
	s0 =	sld [smem:$0x3FAD]  }
0x30: {  	s3 =	sld [smem:$0x3FB0]  }
0x31: {  	[smem:$0x3FB9] =	sst s10  }
0x32: {  	s10 =	sld [smem:$0x3FB7];
	_ =	sdelay $0x3  }
0x33: {  	p0 =	seq.s32 s10, $0x1;
	s10 =	sld [smem:$0x3FB9];
	_ =	sdelay $0x3  }
0x34: {  	[smem:$0x3FB9] =	sst s10  }
0x35: {  	s10 =	sld [smem:$0x3FB8];
	_ =	sdelay $0x3  }
0x36: {  	p1 =	seq.s32 s10, $0x1;
	s10 =	sld [smem:$0x3FB9];
	_ =	sdelay $0x3  }
0x37: {  	[smem:$0x3FB9] =	sst s10  }
0x38: {  	s10 =	sld [smem:$0x3FBA]  }
0x39: {  	_ = 	snop;
	(pc) =	sbr.ind lr, $3  }
0x3a: {  	_ = 	snop  }
0x3b: {  	_ = 	snop  }
0x3c: {  	p2 =	seq.s32 s10, $0x1;
	s10 =	sld [smem:$0x3FB9]  }
0x3d: {  	_ =	shalt  }
0x3e: {  	_ =	shalt  }
0x3f: {  	_ =	shalt  }
0x40: {  	_ =	shalt  }
0x41: {  	_ =	shalt  }
0x42: {  	_ =	shalt  }
0x43: {  	_ =	shalt  }
0x44: {  	_ =	shalt  }
0x45: {  	_ =	shalt  }
0x46: {  	_ =	shalt  }
0x47: {  	_ =	shalt  }
0x48: {  	_ =	shalt  }
0x49: {  	_ =	shalt  }
0x4a: {  	_ =	shalt  }
0x4b: {  	_ =	shalt  }
0x4c: {  	_ =	shalt  }
0x4d: {  	_ =	shalt  }
0x4e: {  	_ =	shalt  }
0x4f: {  	_ =	shalt  }
0x50: {  	_ =	shalt  }
0x51: {  	_ =	shalt  }
0x52: {  	_ =	shalt  }
0x53: {  	_ =	shalt  }
0x54: {  	_ =	shalt  }
0x55: {  	_ =	shalt  }
0x56: {  	_ =	shalt  }
0x57: {  	_ =	shalt  }
0x58: {  	_ =	shalt  }
0x59: {  	_ =	shalt  }
0x5a: {  	_ =	shalt  }
0x5b: {  	_ =	shalt  }
0x5c: {  	_ =	shalt  }
0x5d: {  	_ =	shalt  }
0x5e: {  	_ =	shalt  }
0x5f: {  	_ =	shalt  }
0x60: {  	_ =	shalt  }
0x61: {  	_ =	shalt  }
0x62: {  	_ =	shalt  }
0x63: {  	_ =	shalt  }
0x64: {  	_ =	shalt  }
0x65: {  	_ =	shalt  }
0x66: {  	_ =	shalt  }
0x67: {  	_ =	shalt  }
0x68: {  	_ =	shalt  }
0x69: {  	_ =	shalt  }
0x6a: {  	_ =	shalt  }
0x6b: {  	_ =	shalt  }
0x6c: {  	_ =	shalt  }
0x6d: {  	_ =	shalt  }
0x6e: {  	_ =	shalt  }
0x6f: {  	_ =	shalt  }
0x70: {  	_ =	shalt  }
0x71: {  	_ =	shalt  }
0x72: {  	_ =	shalt  }
0x73: {  	_ =	shalt  }
0x74: {  	_ =	shalt  }
0x75: {  	_ =	shalt  }
0x76: {  	_ =	shalt  }
0x77: {  	_ =	shalt  }
0x78: {  	_ =	shalt  }
0x79: {  	_ =	shalt  }
0x7a: {  	_ =	shalt  }
0x7b: {  	_ =	shalt  }
0x7c: {  	_ =	shalt  }
0x7d: {  	_ =	shalt  }
0x7e: {  	_ =	shalt  }
0x7f: {  	_ =	shalt  }
0x80: {  	_ =	shalt  }
0x81: {  	_ =	shalt  }
0x82: {  	_ =	shalt  }
0x83: {  	_ =	shalt  }
0x84: {  	_ =	shalt  }
0x85: {  	_ =	shalt  }
0x86: {  	_ =	shalt  }
0x87: {  	_ =	shalt  }
.Lfunc_end0:
.L_simem_size_0:
called_computation_lowered:
.L_overlay_start_0:
0x88: {  	s2 =	sld [smem:$0x3FD9]  }
0x89: {  	s3 =	sld [smem:$0x3FFE];
	_ =	sdelay $0x1  }
0x8a: {  	s1 =	srdreg.scid  }
0x8b: {  	s0 =	sand.u32 $0x1, s1  }
0x8c: {  	s17 =	sshll.u32 s0, $0xA;
	s2 =	sadd.s32 s3, s2  }
0x8d: {  	s2 =	sadd.s32 s2, s17  }
0x8e: {  	[smem:$0x3FC5] =	sst s2  }
0x8f: {  	_ = 	snop  }
0x90: {  	s2 =	sld [smem:$0x3FD0];
	(tm) =	ssettm $0x1  }
0x91: {  	s18 =	sld [smem:$0x3FFB];
	_ =	sdelay $0x3  }
0x92: {  	_ =	strace s18  }
0x93: {  	s3 =	sld [smem:$0x3FFC];
	_ =	sdelay $0x3  }
0x94: {  	_ =	strace s3  }
0x95: {  	s3 =	sld [smem:$0x3FFD];
	_ =	sdelay $0x3  }
0x96: {  	_ =	strace s3  }
0x97: {  	_ =	strace $0x8FFFFFFF  }
0x98: {  	s19 =	sld [smem:$0x3FDB];
	_ =	sdelay $0x1  }
0x99: {  	s4 =	simm.s32 $_scs_section_size  }
0x9a: {  	s5 =	simm.s32 $_size__tile_overlayer_lowered;
	s6 =	simm.s32 $_tile_overlayer_lowered  }
0x9b: {  	s22 =	simm.s32 $0x1BFF;
	s21 =	sshll.u32 s6, $0x1;
	s3 =	sadd.s32 s4, s19  }
0x9c: {  	s7 =	simm.s32 $0x0;
	s20 =	sshll.u32 s5, $0x1;
	s5 =	sadd.s32 s21, s3  }
0x9d: {  	[timem:s7], [sflag:s22] =	dma.local [hbm:s5], s20  }
0x9e: {  	_ =	swait.ge [sflag:s22], s20  }
0x9f: {  	s4 =	ssub.s32 $0x0, s20;
	[sflag:s22] =	ssyncset.done $0x0  }
0xa0: {  	[sflag:s22] =	ssyncadd.s32 s4;
	_ =	sdelay $0x1  }
0xa1: {  	s23 =	simm.s32 $0x1B8B  }
0xa2: {  	_ =	swait.ge [sflag:s23], $0x1  }
0xa3: {  	[sflag:s23] =	ssyncset.done $0x0  }
0xa4: {  	s25 =	simm.s32 $0x1B8E;
	s24 =	sld [smem:$0x3FFE];
	[sflag:s23] =	ssyncadd.s32 $0xFFFFFFFF  }
0xa5: {  	s26 =	simm.s32 $execute0_lowered;
	[smem:$0x3FD2] =	sst s25  }
0xa6: {  	s5 =	sshll.u32 s26, $0x1;
	_ =	strace $0x80000046;
	[dreg:$0x1] =	wrdreg $0xFFFFFFFF  }
0xa7: {  	s28 =	simm.s32 $_size_execute0_lowered;
	s3 =	sadd.s32 s3, s5;
	[dreg:$0x0] =	wrdreg $0x0  }
0xa8: {  	s5 =	sshll.u32 s28, $0x1;
	[dreg:$0x2] =	wrdreg s3  }
0xa9: {  	[dreg:$0x3] =	wrdreg s5  }
0xaa: {  	[dreg:$0x4] =	wrdreg $0xC0  }
0xab: {  	_ =	task [dreg:s7], $0x5FFFF  }
0xac: {  	[dreg:$0x1] =	wrdreg $0xFFFFFFFF  }
0xad: {  	[dreg:$0x0] =	wrdreg $0x60  }
0xae: {  	[dreg:$0x2] =	wrdreg s24  }
0xaf: {  	[dreg:$0x3] =	wrdreg s2  }
0xb0: {  	[dreg:$0x4] =	wrdreg $0x9  }
0xb1: {  	_ =	task.clear_ibuf [dreg:s7], $0x5FFFF;
	_ =	strace $0x90000046  }
0xb2: {  	s29 =	simm.s32 $0x9;
	_ =	strace $0x80000048  }
0xb3: {  	_ =	swait.ge [sflag:s29], $0x1  }
0xb4: {  	[sflag:s29] =	ssyncadd.s32 $0xFFFFFFFF  }
0xb5: {  	_ =	strace $0x90000048  }
0xb6: {  	_ =	sfence  }
0xb7: {  	s30 =	sld [smem:$0x0];
	_ =	sdelay $0x2  }
0xb8: {  	s31 =	sshll.u32 s1, $0xD;
	s1 =	sshrl.u32 s1, $0x2  }
0xb9: {  	s3 =	sand.u32 $0x4000, s31;
	s1 =	sadd.s32 s1, s30  }
0xba: {  	s0 =	sor.u32 s3, s0;
	s1 =	sshll.u32 s1, $0x11  }
0xbb: {  	s0 =	sor.u32 s1, s0  }
0xbc: {  	s0 =	sadd.s32 $0x8F2B, s0  }
0xbd: {  	[sflag:s0] =	ssyncadd.remote.s32 $0x1  }
0xbe: {  	_ =	sfence.sel $0xFFFF  }
0xbf: {  	[dreg:$0x0] =	wrdreg $0xFFFFFFFF;
	(pc) =	sbr.abs _section_cstart, $3  }
0xc0: {  	[dreg:$0x1] =	wrdreg $0xFFFFFFFF  }
0xc1: {  	_ =	task.clear_ibuf [dreg:s7], $0x2FFFF;
	_ =	strace $0x9FFFFFFF  }
0xc2: {  	(tm) =	ssettm $0x7FFFFFFF  }
0xc3: {  	_ =	shalt  }
tec
execute0_lowered:
.L_overlay_start_1:
0x0: {  	(tag) =	ssettag $0x1  }
0x1: {  	s1 =	srdreg.scid;
	s2 =	stileid.u32  }
0x2: {  	s0 =	rddreg [dreg:$0x0];
	s1 =	sand.u32 $0x1, s1;
	s2 =	sshll.u32 s2, $0x1  }
0x3: {  	s3 =	rddreg [dreg:$0x1];
	s4 =	sor.u32 s1, s2  }
0x4: {  	s2 =	simm.s32 $0x0;
	s5 =	sshll.u32 s4, $0x9;
	s4 =	sshll.u32 s4, $0x11  }
0x5: {  	[smem:$0x7FF] =	sst s2;
	s5 =	sadd.s32 s5, s0;
	s8 =	sadd.s32 s3, s4  }
0x6: {  	_ =	strace $0x80000047;
	s5 =	sadd.s32 $0x800, s5;
	[smem:$0x7FC] =	sst s8  }
0x7: {  	s3 =	sadd.s32 $0x1000, s8;
	[dreg:$0x3] =	wrdreg s5  }
0x8: {  	s26 =	sadd.s32 $0x2000, s8;
	[dreg:$0x4] =	wrdreg s3  }
0x9: {  	s28 =	sadd.s32 $0x3000, s8;
	[dreg:$0x5] =	wrdreg s26  }
0xa: {  	s29 =	sadd.s32 $0x4000, s8;
	[dreg:$0x6] =	wrdreg s28  }
0xb: {  	s30 =	sadd.s32 $0x5000, s8;
	[dreg:$0x7] =	wrdreg s29  }
0xc: {  	s31 =	sadd.s32 $0x6000, s8;
	[dreg:$0x8] =	wrdreg s30  }
0xd: {  	s4 =	sadd.s32 $0x7000, s8;
	[dreg:$0x9] =	wrdreg s31  }
0xe: {  	s6 =	sadd.s32 $0x9000, s8;
	[dreg:$0xa] =	wrdreg s4  }
0xf: {  	s7 =	sadd.s32 $0xA000, s8;
	[dreg:$0xc] =	wrdreg s6  }
0x10: {  	s9 =	sadd.s32 $0xB000, s8;
	[dreg:$0xd] =	wrdreg s7  }
0x11: {  	s10 =	sadd.s32 $0xC000, s8;
	[dreg:$0xe] =	wrdreg s9  }
0x12: {  	s11 =	sadd.s32 $0xD000, s8;
	[dreg:$0xf] =	wrdreg s10  }
0x13: {  	s12 =	sadd.s32 $0xE000, s8;
	[dreg:$0x10] =	wrdreg s11  }
0x14: {  	s13 =	sadd.s32 $0xF000, s8;
	[dreg:$0x11] =	wrdreg s12  }
0x15: {  	s14 =	sadd.s32 $0x10000, s8;
	[dreg:$0x12] =	wrdreg s13  }
0x16: {  	s15 =	sadd.s32 $0x11000, s8;
	[dreg:$0x13] =	wrdreg s14  }
0x17: {  	s16 =	sadd.s32 $0x12000, s8;
	[dreg:$0x14] =	wrdreg s15  }
0x18: {  	s17 =	sadd.s32 $0x13000, s8;
	[dreg:$0x15] =	wrdreg s16  }
0x19: {  	s18 =	sadd.s32 $0x14000, s8;
	[dreg:$0x16] =	wrdreg s17  }
0x1a: {  	s19 =	sadd.s32 $0x15000, s8;
	[dreg:$0x17] =	wrdreg s18  }
0x1b: {  	s20 =	sadd.s32 $0x16000, s8;
	[dreg:$0x18] =	wrdreg s19  }
0x1c: {  	s21 =	sadd.s32 $0x17000, s8;
	[dreg:$0x19] =	wrdreg s20  }
0x1d: {  	s1 =	ssub.s32 $0x2, s1;
	s22 =	sadd.s32 $0x18000, s8;
	[dreg:$0x1a] =	wrdreg s21  }
0x1e: {  	s25 =	sshrl.u32 s1, $0x1;
	s23 =	sadd.s32 $0x19000, s8;
	[dreg:$0x1b] =	wrdreg s22  }
0x1f: {  	s1 =	ssub.s32 s1, s25;
	s24 =	sadd.s32 $0x1A000, s8;
	[dreg:$0x1c] =	wrdreg s23  }
0x20: {  	s5 =	sadd.s32 $0x8000, s8;
	s4 =	sadd.s32 $0x4800, s0;
	[dreg:$0x1d] =	wrdreg s24  }
0x21: {  	s26 =	sadd.s32 $0x1B000, s8;
	s28 =	sadd.s32 $0x1C000, s8;
	s29 =	sadd.s32 $0x1D000, s8  }
0x22: {  	s6 =	sadd.s32 $0x4A00, s0;
	s30 =	sadd.s32 $0x1E000, s8;
	[dreg:$0xb] =	wrdreg s5  }
0x23: {  	s7 =	sadd.s32 $0x4B00, s0;
	s31 =	sadd.s32 $0x1F000, s8;
	[dreg:$0x1e] =	wrdreg s26  }
0x24: {  	s19 =	simm.s32 $0x1;
	s20 =	simm.s32 $0x4;
	[dreg:$0x1f] =	wrdreg s28  }
0x25: {  	v2 =	vlaneseq.u32;
	s21 =	simm.s32 $0x2;
	s22 =	simm.s32 $0x5;
	[smem:$0x7FA] =	sst s29  }
0x26: {  	vm0 =	vmmov $0xffff;
	v1 =	vshrl.u32 v2, $0x3;
	s23 =	simm.s32 $0x3;
	s24 =	simm.s32 $0x6;
	[smem:$0x7FB] =	sst s30  }
0x27: {  	v0 =	vand.u32 $0x7, v2;
	v2 =	vor.u32 $0x8, v2;
	v1 =	vmul.u32 $0x8, v1;
	s5 =	sadd.s32 $0x4900, s0;
	[smem:$0x7FD] =	sst s31;
	s0 =	smax.u32 s1, $0x1  }
.LBB2_1:
0x28: {  	[smem:$0x7F9] =	sst s0  }
0x29: {  	s25 =	rddreg [dreg:$0x3];
	s30 =	simm.s32 $0x7  }
0x2a: {  	[tilespmem:s2], [sflag:$0x7] =	stream.linear.gather [hbm4b:s25+s2], $0x1000, $0x38;
	[tilespmem:$0x19000] =	vst v63  }
0x2b: {  	_ =	swait.ge [sflag:s30], $0x1000  }
0x2c: {  	[sflag:s30] =	ssyncset.done $0x0  }
0x2d: {  	[sflag:s30] =	ssyncadd.s32 $0xFFFFF000  }
0x2e: {  	v3 =	vld [tilespmem:$0x0];
	_ =	sdelay $0x4  }
0x2f: {  	v4 =	vshll.u32 v3, $0x3  }
0x30: {  	v3 =	vand.u32 $0x7, v3;
	v4 =	vand.u32 $0xFFFFFFC0, v4  }
0x31: {  	v3 =	vor.u32 v3, v4  }
0x32: {  	v4 =	vperm.xlane v3, v0;
	_ =	sdelay $0x1  }
0x33: {  	v4 =	vadd.s32 v1, v4;
	_ =	sdelay $0x3  }
0x34: {  	s31 =	simm.s32 $0x1000  }
0x35: {  	[tilespmem:s31], [sflag:$0x1] =	stream.indirect_vreg.gather [hbm4b:s4+s2], $0x80, v4, vm0, $0xb8;
	[tilespmem:$0x19000] =	vst v63  }
0x36: {  	s1 =	simm.s32 $0x1800;
	v3 =	vperm.xlane v3, v2  }
0x37: {  	[tilespmem:s1], [sflag:$0x1] =	stream.indirect_vreg.gather [hbm4b:s5+s2], $0x80, v4, vm0, $0xb8;
	[tilespmem:$0x19000] =	vst v63  }
0x38: {  	s3 =	simm.s32 $0x2000;
	v3 =	vadd.s32 v1, v3  }
0x39: {  	[tilespmem:s3], [sflag:$0x1] =	stream.indirect_vreg.gather [hbm4b:s6+s2], $0x80, v4, vm0, $0xb8;
	[tilespmem:$0x19000] =	vst v63  }
0x3a: {  	s8 =	simm.s32 $0x2800  }
0x3b: {  	[tilespmem:s8], [sflag:$0x1] =	stream.indirect_vreg.gather [hbm4b:s7+s2], $0x80, v4, vm0, $0xb8;
	[tilespmem:$0x19000] =	vst v63  }
0x3c: {  	s9 =	simm.s32 $0x3000  }
0x3d: {  	[tilespmem:s9], [sflag:$0x1] =	stream.indirect_vreg.gather [hbm4b:s4+s2], $0x80, v3, vm0, $0xb8;
	[tilespmem:$0x19000] =	vst v63  }
0x3e: {  	s10 =	simm.s32 $0x3800  }
0x3f: {  	[tilespmem:s10], [sflag:$0x1] =	stream.indirect_vreg.gather [hbm4b:s5+s2], $0x80, v3, vm0, $0xb8;
	[tilespmem:$0x19000] =	vst v63  }
0x40: {  	s11 =	simm.s32 $0x4000  }
0x41: {  	[tilespmem:s11], [sflag:$0x1] =	stream.indirect_vreg.gather [hbm4b:s6+s2], $0x80, v3, vm0, $0xb8;
	[tilespmem:$0x19000] =	vst v63  }
0x42: {  	s12 =	simm.s32 $0x4800  }
0x43: {  	[tilespmem:s12], [sflag:$0x1] =	stream.indirect_vreg.gather [hbm4b:s7+s2], $0x80, v3, vm0, $0xb8;
	[tilespmem:$0x19000] =	vst v63  }
0x44: {  	v3 =	vld [tilespmem:$0x10];
	_ =	sdelay $0x4  }
0x45: {  	v57 =	vshll.u32 v3, $0x3  }
0x46: {  	v3 =	vand.u32 $0x7, v3;
	v4 =	vand.u32 $0xFFFFFFC0, v57  }
0x47: {  	v3 =	vor.u32 v3, v4  }
0x48: {  	v4 =	vperm.xlane v3, v0;
	_ =	sdelay $0x1  }
0x49: {  	v4 =	vadd.s32 v1, v4;
	_ =	sdelay $0x3  }
0x4a: {  	s13 =	simm.s32 $0x5000  }
0x4b: {  	[tilespmem:s13], [sflag:$0x1] =	stream.indirect_vreg.gather [hbm4b:s4+s2], $0x80, v4, vm0, $0xb8;
	[tilespmem:$0x19000] =	vst v63  }
0x4c: {  	s14 =	simm.s32 $0x5800;
	v3 =	vperm.xlane v3, v2  }
0x4d: {  	[tilespmem:s14], [sflag:$0x1] =	stream.indirect_vreg.gather [hbm4b:s5+s2], $0x80, v4, vm0, $0xb8;
	[tilespmem:$0x19000] =	vst v63  }
0x4e: {  	s15 =	simm.s32 $0x6000;
	v3 =	vadd.s32 v1, v3  }
0x4f: {  	[tilespmem:s15], [sflag:$0x1] =	stream.indirect_vreg.gather [hbm4b:s6+s2], $0x80, v4, vm0, $0xb8;
	[tilespmem:$0x19000] =	vst v63  }
0x50: {  	s16 =	simm.s32 $0x6800  }
0x51: {  	[tilespmem:s16], [sflag:$0x1] =	stream.indirect_vreg.gather [hbm4b:s7+s2], $0x80, v4, vm0, $0xb8;
	[tilespmem:$0x19000] =	vst v63  }
0x52: {  	s17 =	simm.s32 $0x7000  }
0x53: {  	[tilespmem:s17], [sflag:$0x1] =	stream.indirect_vreg.gather [hbm4b:s4+s2], $0x80, v3, vm0, $0xb8;
	[tilespmem:$0x19000] =	vst v63  }
0x54: {  	s18 =	simm.s32 $0x7800  }
0x55: {  	[tilespmem:s18], [sflag:$0x1] =	stream.indirect_vreg.gather [hbm4b:s5+s2], $0x80, v3, vm0, $0xb8;
	[tilespmem:$0x19000] =	vst v63  }
0x56: {  	s25 =	simm.s32 $0x8000  }
0x57: {  	[tilespmem:s25], [sflag:$0x1] =	stream.indirect_vreg.gather [hbm4b:s6+s2], $0x80, v3, vm0, $0xb8;
	[tilespmem:$0x19000] =	vst v63  }
0x58: {  	s26 =	simm.s32 $0x8800  }
0x59: {  	[tilespmem:s26], [sflag:$0x1] =	stream.indirect_vreg.gather [hbm4b:s7+s2], $0x80, v3, vm0, $0xb8;
	[tilespmem:$0x19000] =	vst v63  }
0x5a: {  	v3 =	vld [tilespmem:$0x80];
	_ =	sdelay $0x4  }
0x5b: {  	v58 =	vshll.u32 v3, $0x3  }
0x5c: {  	v3 =	vand.u32 $0x7, v3;
	v4 =	vand.u32 $0xFFFFFFC0, v58  }
0x5d: {  	v3 =	vor.u32 v3, v4  }
0x5e: {  	v4 =	vperm.xlane v3, v0;
	_ =	sdelay $0x1  }
0x5f: {  	v4 =	vadd.s32 v1, v4;
	_ =	sdelay $0x3  }
0x60: {  	s28 =	simm.s32 $0x9000  }
0x61: {  	[tilespmem:s28], [sflag:$0x2] =	stream.indirect_vreg.gather [hbm4b:s4+s2], $0x80, v4, vm0, $0xb8;
	[tilespmem:$0x19000] =	vst v63  }
0x62: {  	s29 =	simm.s32 $0x9800;
	v3 =	vperm.xlane v3, v2  }
0x63: {  	[tilespmem:s29], [sflag:$0x2] =	stream.indirect_vreg.gather [hbm4b:s5+s2], $0x80, v4, vm0, $0xb8;
	[tilespmem:$0x19000] =	vst v63  }
0x64: {  	s30 =	simm.s32 $0xA000;
	v3 =	vadd.s32 v1, v3  }
0x65: {  	[tilespmem:s30], [sflag:$0x2] =	stream.indirect_vreg.gather [hbm4b:s6+s2], $0x80, v4, vm0, $0xb8;
	[tilespmem:$0x19000] =	vst v63  }
0x66: {  	s3 =	simm.s32 $0xA800  }
0x67: {  	[tilespmem:s3], [sflag:$0x2] =	stream.indirect_vreg.gather [hbm4b:s7+s2], $0x80, v4, vm0, $0xb8;
	[tilespmem:$0x19000] =	vst v63  }
0x68: {  	s8 =	simm.s32 $0xB000  }
0x69: {  	[tilespmem:s8], [sflag:$0x2] =	stream.indirect_vreg.gather [hbm4b:s4+s2], $0x80, v3, vm0, $0xb8;
	[tilespmem:$0x19000] =	vst v63  }
0x6a: {  	s13 =	simm.s32 $0xB800  }
0x6b: {  	[tilespmem:s13], [sflag:$0x2] =	stream.indirect_vreg.gather [hbm4b:s5+s2], $0x80, v3, vm0, $0xb8;
	[tilespmem:$0x19000] =	vst v63  }
0x6c: {  	s14 =	simm.s32 $0xC000  }
0x6d: {  	[tilespmem:s14], [sflag:$0x2] =	stream.indirect_vreg.gather [hbm4b:s6+s2], $0x80, v3, vm0, $0xb8;
	[tilespmem:$0x19000] =	vst v63  }
0x6e: {  	s16 =	simm.s32 $0xC800  }
0x6f: {  	[tilespmem:s16], [sflag:$0x2] =	stream.indirect_vreg.gather [hbm4b:s7+s2], $0x80, v3, vm0, $0xb8;
	[tilespmem:$0x19000] =	vst v63  }
0x70: {  	v3 =	vld [tilespmem:$0x90];
	_ =	sdelay $0x4  }
0x71: {  	v59 =	vshll.u32 v3, $0x3  }
0x72: {  	v3 =	vand.u32 $0x7, v3;
	v4 =	vand.u32 $0xFFFFFFC0, v59  }
0x73: {  	v3 =	vor.u32 v3, v4  }
0x74: {  	v4 =	vperm.xlane v3, v0;
	_ =	sdelay $0x1  }
0x75: {  	v4 =	vadd.s32 v1, v4;
	_ =	sdelay $0x3  }
0x76: {  	s17 =	simm.s32 $0xD000  }
0x77: {  	[tilespmem:s17], [sflag:$0x2] =	stream.indirect_vreg.gather [hbm4b:s4+s2], $0x80, v4, vm0, $0xb8;
	[tilespmem:$0x19000] =	vst v63  }
0x78: {  	s18 =	simm.s32 $0xD800;
	v3 =	vperm.xlane v3, v2  }
0x79: {  	[tilespmem:s18], [sflag:$0x2] =	stream.indirect_vreg.gather [hbm4b:s5+s2], $0x80, v4, vm0, $0xb8;
	[tilespmem:$0x19000] =	vst v63  }
0x7a: {  	s25 =	simm.s32 $0xE000;
	v3 =	vadd.s32 v1, v3  }
0x7b: {  	[tilespmem:s25], [sflag:$0x2] =	stream.indirect_vreg.gather [hbm4b:s6+s2], $0x80, v4, vm0, $0xb8;
	[tilespmem:$0x19000] =	vst v63  }
0x7c: {  	s26 =	simm.s32 $0xE800  }
0x7d: {  	[tilespmem:s26], [sflag:$0x2] =	stream.indirect_vreg.gather [hbm4b:s7+s2], $0x80, v4, vm0, $0xb8;
	[tilespmem:$0x19000] =	vst v63  }
0x7e: {  	s29 =	simm.s32 $0xF000  }
0x7f: {  	[tilespmem:s29], [sflag:$0x2] =	stream.indirect_vreg.gather [hbm4b:s4+s2], $0x80, v3, vm0, $0xb8;
	[tilespmem:$0x19000] =	vst v63  }
0x80: {  	s30 =	simm.s32 $0xF800  }
0x81: {  	[tilespmem:s30], [sflag:$0x2] =	stream.indirect_vreg.gather [hbm4b:s5+s2], $0x80, v3, vm0, $0xb8;
	[tilespmem:$0x19000] =	vst v63  }
0x82: {  	s3 =	simm.s32 $0x10000  }
0x83: {  	[tilespmem:s3], [sflag:$0x2] =	stream.indirect_vreg.gather [hbm4b:s6+s2], $0x80, v3, vm0, $0xb8;
	[tilespmem:$0x19000] =	vst v63  }
0x84: {  	s8 =	simm.s32 $0x10800  }
0x85: {  	[tilespmem:s8], [sflag:$0x2] =	stream.indirect_vreg.gather [hbm4b:s7+s2], $0x80, v3, vm0, $0xb8;
	[tilespmem:$0x19000] =	vst v63  }
0x86: {  	v3 =	vld [tilespmem:$0x100];
	_ =	sdelay $0x4  }
0x87: {  	v60 =	vshll.u32 v3, $0x3  }
0x88: {  	v3 =	vand.u32 $0x7, v3;
	v4 =	vand.u32 $0xFFFFFFC0, v60  }
0x89: {  	v3 =	vor.u32 v3, v4  }
0x8a: {  	v4 =	vperm.xlane v3, v0;
	_ =	sdelay $0x1  }
0x8b: {  	v4 =	vadd.s32 v1, v4;
	_ =	sdelay $0x3  }
0x8c: {  	s13 =	simm.s32 $0x11000  }
0x8d: {  	[tilespmem:s13], [sflag:$0x3] =	stream.indirect_vreg.gather [hbm4b:s4+s2], $0x80, v4, vm0, $0xb8;
	[tilespmem:$0x19000] =	vst v63  }
0x8e: {  	s14 =	simm.s32 $0x11800;
	v3 =	vperm.xlane v3, v2  }
0x8f: {  	[tilespmem:s14], [sflag:$0x3] =	stream.indirect_vreg.gather [hbm4b:s5+s2], $0x80, v4, vm0, $0xb8;
	[tilespmem:$0x19000] =	vst v63  }
0x90: {  	s18 =	simm.s32 $0x12000;
	v3 =	vadd.s32 v1, v3  }
0x91: {  	[tilespmem:s18], [sflag:$0x3] =	stream.indirect_vreg.gather [hbm4b:s6+s2], $0x80, v4, vm0, $0xb8;
	[tilespmem:$0x19000] =	vst v63  }
0x92: {  	s25 =	simm.s32 $0x12800  }
0x93: {  	[tilespmem:s25], [sflag:$0x3] =	stream.indirect_vreg.gather [hbm4b:s7+s2], $0x80, v4, vm0, $0xb8;
	[tilespmem:$0x19000] =	vst v63  }
0x94: {  	s26 =	simm.s32 $0x13000  }
0x95: {  	[tilespmem:s26], [sflag:$0x3] =	stream.indirect_vreg.gather [hbm4b:s4+s2], $0x80, v3, vm0, $0xb8;
	[tilespmem:$0x19000] =	vst v63  }
0x96: {  	s3 =	simm.s32 $0x13800  }
0x97: {  	[tilespmem:s3], [sflag:$0x3] =	stream.indirect_vreg.gather [hbm4b:s5+s2], $0x80, v3, vm0, $0xb8;
	[tilespmem:$0x19000] =	vst v63  }
0x98: {  	s8 =	simm.s32 $0x14000  }
0x99: {  	[tilespmem:s8], [sflag:$0x3] =	stream.indirect_vreg.gather [hbm4b:s6+s2], $0x80, v3, vm0, $0xb8;
	[tilespmem:$0x19000] =	vst v63  }
0x9a: {  	s13 =	simm.s32 $0x14800  }
0x9b: {  	[tilespmem:s13], [sflag:$0x3] =	stream.indirect_vreg.gather [hbm4b:s7+s2], $0x80, v3, vm0, $0xb8;
	[tilespmem:$0x19000] =	vst v63  }
0x9c: {  	v3 =	vld [tilespmem:$0x110];
	_ =	sdelay $0x4  }
0x9d: {  	v61 =	vshll.u32 v3, $0x3  }
0x9e: {  	v3 =	vand.u32 $0x7, v3;
	v4 =	vand.u32 $0xFFFFFFC0, v61  }
0x9f: {  	v3 =	vor.u32 v3, v4  }
0xa0: {  	v4 =	vperm.xlane v3, v0;
	_ =	sdelay $0x1  }
0xa1: {  	v4 =	vadd.s32 v1, v4;
	_ =	sdelay $0x3  }
0xa2: {  	s14 =	simm.s32 $0x15000  }
0xa3: {  	[tilespmem:s14], [sflag:$0x3] =	stream.indirect_vreg.gather [hbm4b:s4+s2], $0x80, v4, vm0, $0xb8;
	[tilespmem:$0x19000] =	vst v63  }
0xa4: {  	s18 =	simm.s32 $0x15800;
	v3 =	vperm.xlane v3, v2  }
0xa5: {  	[tilespmem:s18], [sflag:$0x3] =	stream.indirect_vreg.gather [hbm4b:s5+s2], $0x80, v4, vm0, $0xb8;
	[tilespmem:$0x19000] =	vst v63  }
0xa6: {  	s25 =	simm.s32 $0x16000;
	v3 =	vadd.s32 v1, v3  }
0xa7: {  	[tilespmem:s25], [sflag:$0x3] =	stream.indirect_vreg.gather [hbm4b:s6+s2], $0x80, v4, vm0, $0xb8;
	[tilespmem:$0x19000] =	vst v63  }
0xa8: {  	s26 =	simm.s32 $0x16800  }
0xa9: {  	[tilespmem:s26], [sflag:$0x3] =	stream.indirect_vreg.gather [hbm4b:s7+s2], $0x80, v4, vm0, $0xb8;
	[tilespmem:$0x19000] =	vst v63  }
0xaa: {  	s3 =	simm.s32 $0x17000  }
0xab: {  	[tilespmem:s3], [sflag:$0x3] =	stream.indirect_vreg.gather [hbm4b:s4+s2], $0x80, v3, vm0, $0xb8;
	[tilespmem:$0x19000] =	vst v63  }
0xac: {  	s8 =	simm.s32 $0x17800  }
0xad: {  	[tilespmem:s8], [sflag:$0x3] =	stream.indirect_vreg.gather [hbm4b:s5+s2], $0x80, v3, vm0, $0xb8;
	[tilespmem:$0x19000] =	vst v63  }
0xae: {  	s13 =	simm.s32 $0x18000  }
0xaf: {  	[tilespmem:s13], [sflag:$0x3] =	stream.indirect_vreg.gather [hbm4b:s6+s2], $0x80, v3, vm0, $0xb8;
	[tilespmem:$0x19000] =	vst v63  }
0xb0: {  	s14 =	simm.s32 $0x18800  }
0xb1: {  	[tilespmem:s14], [sflag:$0x3] =	stream.indirect_vreg.gather [hbm4b:s7+s2], $0x80, v3, vm0, $0xb8;
	[tilespmem:$0x19000] =	vst v63  }
0xb2: {  	_ =	swait.ge [sflag:s19], $0x8000  }
0xb3: {  	s18 =	sld [smem:$0x7FC]  }
0xb4: {  	[sflag:s19] =	ssyncset.done $0x0  }
0xb5: {  	s26 =	simm.s32 $0x1000;
	[sflag:s19] =	ssyncadd.s32 $0xFFFF8000  }
0xb6: {  	[hbm4b:s18+s2] =	stream.linear.scatter [tilespmem:s26], [sflag:$0x4], $0x8000, $0x38;
	[tilespmem:$0x19000] =	vst v63  }
0xb7: {  	_ =	swait.ge [sflag:s20], $0x8000  }
0xb8: {  	[sflag:s20] =	ssyncset.done $0x0  }
0xb9: {  	[sflag:s20] =	ssyncadd.s32 $0xFFFF8000  }
0xba: {  	v3 =	vld [tilespmem:$0x180];
	_ =	sdelay $0x4  }
0xbb: {  	v62 =	vshll.u32 v3, $0x3  }
0xbc: {  	v3 =	vand.u32 $0x7, v3;
	v4 =	vand.u32 $0xFFFFFFC0, v62  }
0xbd: {  	v3 =	vor.u32 v3, v4  }
0xbe: {  	v4 =	vperm.xlane v3, v0;
	_ =	sdelay $0x1  }
0xbf: {  	v4 =	vadd.s32 v1, v4;
	_ =	sdelay $0x4  }
0xc0: {  	[tilespmem:s26], [sflag:$0x1] =	stream.indirect_vreg.gather [hbm4b:s4+s2], $0x80, v4, vm0, $0xb8;
	[tilespmem:$0x19000] =	vst v63  }
0xc1: {  	s1 =	simm.s32 $0x1800;
	v3 =	vperm.xlane v3, v2  }
0xc2: {  	[tilespmem:s1], [sflag:$0x1] =	stream.indirect_vreg.gather [hbm4b:s5+s2], $0x80, v4, vm0, $0xb8;
	[tilespmem:$0x19000] =	vst v63  }
0xc3: {  	s31 =	simm.s32 $0x2000;
	v3 =	vadd.s32 v1, v3  }
0xc4: {  	[tilespmem:s31], [sflag:$0x1] =	stream.indirect_vreg.gather [hbm4b:s6+s2], $0x80, v4, vm0, $0xb8;
	[tilespmem:$0x19000] =	vst v63  }
0xc5: {  	s31 =	simm.s32 $0x2800  }
0xc6: {  	[tilespmem:s31], [sflag:$0x1] =	stream.indirect_vreg.gather [hbm4b:s7+s2], $0x80, v4, vm0, $0xb8;
	[tilespmem:$0x19000] =	vst v63  }
0xc7: {  	s1 =	simm.s32 $0x3000  }
0xc8: {  	[tilespmem:s1], [sflag:$0x1] =	stream.indirect_vreg.gather [hbm4b:s4+s2], $0x80, v3, vm0, $0xb8;
	[tilespmem:$0x19000] =	vst v63  }
0xc9: {  	s3 =	simm.s32 $0x3800  }
0xca: {  	[tilespmem:s3], [sflag:$0x1] =	stream.indirect_vreg.gather [hbm4b:s5+s2], $0x80, v3, vm0, $0xb8;
	[tilespmem:$0x19000] =	vst v63  }
0xcb: {  	s8 =	simm.s32 $0x4000  }
0xcc: {  	[tilespmem:s8], [sflag:$0x1] =	stream.indirect_vreg.gather [hbm4b:s6+s2], $0x80, v3, vm0, $0xb8;
	[tilespmem:$0x19000] =	vst v63  }
0xcd: {  	s9 =	simm.s32 $0x4800  }
0xce: {  	[tilespmem:s9], [sflag:$0x1] =	stream.indirect_vreg.gather [hbm4b:s7+s2], $0x80, v3, vm0, $0xb8;
	[tilespmem:$0x19000] =	vst v63  }
0xcf: {  	v3 =	vld [tilespmem:$0x190];
	_ =	sdelay $0x4  }
0xd0: {  	v63 =	vshll.u32 v3, $0x3  }
0xd1: {  	v3 =	vand.u32 $0x7, v3;
	v4 =	vand.u32 $0xFFFFFFC0, v63  }
0xd2: {  	v3 =	vor.u32 v3, v4  }
0xd3: {  	v4 =	vperm.xlane v3, v0;
	_ =	sdelay $0x1  }
0xd4: {  	v4 =	vadd.s32 v1, v4;
	_ =	sdelay $0x3  }
0xd5: {  	s11 =	simm.s32 $0x5000  }
0xd6: {  	[tilespmem:s11], [sflag:$0x1] =	stream.indirect_vreg.gather [hbm4b:s4+s2], $0x80, v4, vm0, $0xb8;
	[tilespmem:$0x19000] =	vst v63  }
0xd7: {  	s12 =	simm.s32 $0x5800;
	v3 =	vperm.xlane v3, v2  }
0xd8: {  	[tilespmem:s12], [sflag:$0x1] =	stream.indirect_vreg.gather [hbm4b:s5+s2], $0x80, v4, vm0, $0xb8;
	[tilespmem:$0x19000] =	vst v63  }
0xd9: {  	s9 =	simm.s32 $0x6000;
	v3 =	vadd.s32 v1, v3  }
0xda: {  	[tilespmem:s9], [sflag:$0x1] =	stream.indirect_vreg.gather [hbm4b:s6+s2], $0x80, v4, vm0, $0xb8;
	[tilespmem:$0x19000] =	vst v63  }
0xdb: {  	s18 =	simm.s32 $0x6800  }
0xdc: {  	[tilespmem:s18], [sflag:$0x1] =	stream.indirect_vreg.gather [hbm4b:s7+s2], $0x80, v4, vm0, $0xb8;
	[tilespmem:$0x19000] =	vst v63  }
0xdd: {  	s11 =	simm.s32 $0x7000  }
0xde: {  	[tilespmem:s11], [sflag:$0x1] =	stream.indirect_vreg.gather [hbm4b:s4+s2], $0x80, v3, vm0, $0xb8;
	[tilespmem:$0x19000] =	vst v63  }
0xdf: {  	s12 =	simm.s32 $0x7800  }
0xe0: {  	[tilespmem:s12], [sflag:$0x1] =	stream.indirect_vreg.gather [hbm4b:s5+s2], $0x80, v3, vm0, $0xb8;
	[tilespmem:$0x19000] =	vst v63  }
0xe1: {  	s13 =	simm.s32 $0x8000  }
0xe2: {  	[tilespmem:s13], [sflag:$0x1] =	stream.indirect_vreg.gather [hbm4b:s6+s2], $0x80, v3, vm0, $0xb8;
	[tilespmem:$0x19000] =	vst v63  }
0xe3: {  	s14 =	simm.s32 $0x8800  }
0xe4: {  	[tilespmem:s14], [sflag:$0x1] =	stream.indirect_vreg.gather [hbm4b:s7+s2], $0x80, v3, vm0, $0xb8;
	[tilespmem:$0x19000] =	vst v63  }
0xe5: {  	_ =	swait.ge [sflag:s21], $0x8000  }
0xe6: {  	[sflag:s21] =	ssyncset.done $0x0  }
0xe7: {  	s10 =	simm.s32 $0x9000;
	s0 =	rddreg [dreg:$0x4];
	[sflag:s21] =	ssyncadd.s32 $0xFFFF8000  }
0xe8: {  	[hbm4b:s0+s2] =	stream.linear.scatter [tilespmem:s10], [sflag:$0x5], $0x8000, $0x38;
	[tilespmem:$0x19000] =	vst v63  }
0xe9: {  	_ =	swait.ge [sflag:s22], $0x8000  }
0xea: {  	[sflag:s22] =	ssyncset.done $0x0  }
0xeb: {  	[sflag:s22] =	ssyncadd.s32 $0xFFFF8000  }
0xec: {  	v3 =	vld [tilespmem:$0x200];
	_ =	sdelay $0x4  }
0xed: {  	v8 =	vshll.u32 v3, $0x3  }
0xee: {  	v3 =	vand.u32 $0x7, v3;
	v4 =	vand.u32 $0xFFFFFFC0, v8  }
0xef: {  	v3 =	vor.u32 v3, v4  }
0xf0: {  	v4 =	vperm.xlane v3, v0;
	_ =	sdelay $0x1  }
0xf1: {  	v4 =	vadd.s32 v1, v4;
	_ =	sdelay $0x4  }
0xf2: {  	[tilespmem:s10], [sflag:$0x2] =	stream.indirect_vreg.gather [hbm4b:s4+s2], $0x80, v4, vm0, $0xb8;
	[tilespmem:$0x19000] =	vst v63  }
0xf3: {  	s15 =	simm.s32 $0x9800;
	v3 =	vperm.xlane v3, v2  }
0xf4: {  	[tilespmem:s15], [sflag:$0x2] =	stream.indirect_vreg.gather [hbm4b:s5+s2], $0x80, v4, vm0, $0xb8;
	[tilespmem:$0x19000] =	vst v63  }
0xf5: {  	s26 =	simm.s32 $0xA000;
	v3 =	vadd.s32 v1, v3  }
0xf6: {  	[tilespmem:s26], [sflag:$0x2] =	stream.indirect_vreg.gather [hbm4b:s6+s2], $0x80, v4, vm0, $0xb8;
	[tilespmem:$0x19000] =	vst v63  }
0xf7: {  	s15 =	simm.s32 $0xA800  }
0xf8: {  	[tilespmem:s15], [sflag:$0x2] =	stream.indirect_vreg.gather [hbm4b:s7+s2], $0x80, v4, vm0, $0xb8;
	[tilespmem:$0x19000] =	vst v63  }
0xf9: {  	s25 =	simm.s32 $0xB000  }
0xfa: {  	[tilespmem:s25], [sflag:$0x2] =	stream.indirect_vreg.gather [hbm4b:s4+s2], $0x80, v3, vm0, $0xb8;
	[tilespmem:$0x19000] =	vst v63  }
0xfb: {  	s10 =	simm.s32 $0xB800  }
0xfc: {  	[tilespmem:s10], [sflag:$0x2] =	stream.indirect_vreg.gather [hbm4b:s5+s2], $0x80, v3, vm0, $0xb8;
	[tilespmem:$0x19000] =	vst v63  }
0xfd: {  	s15 =	simm.s32 $0xC000  }
0xfe: {  	[tilespmem:s15], [sflag:$0x2] =	stream.indirect_vreg.gather [hbm4b:s6+s2], $0x80, v3, vm0, $0xb8;
	[tilespmem:$0x19000] =	vst v63  }
0xff: {  	s16 =	simm.s32 $0xC800  }
0x100: {  	[tilespmem:s16], [sflag:$0x2] =	stream.indirect_vreg.gather [hbm4b:s7+s2], $0x80, v3, vm0, $0xb8;
	[tilespmem:$0x19000] =	vst v63  }
0x101: {  	v3 =	vld [tilespmem:$0x210];
	_ =	sdelay $0x4  }
0x102: {  	v9 =	vshll.u32 v3, $0x3  }
0x103: {  	v3 =	vand.u32 $0x7, v3;
	v4 =	vand.u32 $0xFFFFFFC0, v9  }
0x104: {  	v3 =	vor.u32 v3, v4  }
0x105: {  	v4 =	vperm.xlane v3, v0;
	_ =	sdelay $0x1  }
0x106: {  	v4 =	vadd.s32 v1, v4;
	_ =	sdelay $0x3  }
0x107: {  	s17 =	simm.s32 $0xD000  }
0x108: {  	[tilespmem:s17], [sflag:$0x2] =	stream.indirect_vreg.gather [hbm4b:s4+s2], $0x80, v4, vm0, $0xb8;
	[tilespmem:$0x19000] =	vst v63  }
0x109: {  	s28 =	simm.s32 $0xD800;
	v3 =	vperm.xlane v3, v2  }
0x10a: {  	[tilespmem:s28], [sflag:$0x2] =	stream.indirect_vreg.gather [hbm4b:s5+s2], $0x80, v4, vm0, $0xb8;
	[tilespmem:$0x19000] =	vst v63  }
0x10b: {  	v3 =	vadd.s32 v1, v3;
	s17 =	simm.s32 $0xE000  }
0x10c: {  	[tilespmem:s17], [sflag:$0x2] =	stream.indirect_vreg.gather [hbm4b:s6+s2], $0x80, v4, vm0, $0xb8;
	[tilespmem:$0x19000] =	vst v63  }
0x10d: {  	s25 =	simm.s32 $0xE800  }
0x10e: {  	[tilespmem:s25], [sflag:$0x2] =	stream.indirect_vreg.gather [hbm4b:s7+s2], $0x80, v4, vm0, $0xb8;
	[tilespmem:$0x19000] =	vst v63  }
0x10f: {  	s28 =	simm.s32 $0xF000  }
0x110: {  	[tilespmem:s28], [sflag:$0x2] =	stream.indirect_vreg.gather [hbm4b:s4+s2], $0x80, v3, vm0, $0xb8;
	[tilespmem:$0x19000] =	vst v63  }
0x111: {  	s10 =	simm.s32 $0xF800  }
0x112: {  	[tilespmem:s10], [sflag:$0x2] =	stream.indirect_vreg.gather [hbm4b:s5+s2], $0x80, v3, vm0, $0xb8;
	[tilespmem:$0x19000] =	vst v63  }
0x113: {  	s15 =	simm.s32 $0x10000  }
0x114: {  	[tilespmem:s15], [sflag:$0x2] =	stream.indirect_vreg.gather [hbm4b:s6+s2], $0x80, v3, vm0, $0xb8;
	[tilespmem:$0x19000] =	vst v63  }
0x115: {  	s29 =	simm.s32 $0x10800  }
0x116: {  	[tilespmem:s29], [sflag:$0x2] =	stream.indirect_vreg.gather [hbm4b:s7+s2], $0x80, v3, vm0, $0xb8;
	[tilespmem:$0x19000] =	vst v63  }
0x117: {  	_ =	swait.ge [sflag:s23], $0x8000  }
0x118: {  	[sflag:s23] =	ssyncset.done $0x0  }
0x119: {  	s17 =	simm.s32 $0x11000;
	s16 =	rddreg [dreg:$0x5];
	[sflag:s23] =	ssyncadd.s32 $0xFFFF8000  }
0x11a: {  	[hbm4b:s16+s2] =	stream.linear.scatter [tilespmem:s17], [sflag:$0x6], $0x8000, $0x38;
	[tilespmem:$0x19000] =	vst v63  }
0x11b: {  	_ =	swait.ge [sflag:s24], $0x8000  }
0x11c: {  	[sflag:s24] =	ssyncset.done $0x0  }
0x11d: {  	[sflag:s24] =	ssyncadd.s32 $0xFFFF8000  }
0x11e: {  	v3 =	vld [tilespmem:$0x280];
	_ =	sdelay $0x4  }
0x11f: {  	v10 =	vshll.u32 v3, $0x3  }
0x120: {  	v3 =	vand.u32 $0x7, v3;
	v4 =	vand.u32 $0xFFFFFFC0, v10  }
0x121: {  	v3 =	vor.u32 v3, v4  }
0x122: {  	v4 =	vperm.xlane v3, v0;
	_ =	sdelay $0x1  }
0x123: {  	v4 =	vadd.s32 v1, v4;
	_ =	sdelay $0x4  }
0x124: {  	[tilespmem:s17], [sflag:$0x3] =	stream.indirect_vreg.gather [hbm4b:s4+s2], $0x80, v4, vm0, $0xb8;
	[tilespmem:$0x19000] =	vst v63  }
0x125: {  	s30 =	simm.s32 $0x11800;
	v3 =	vperm.xlane v3, v2  }
0x126: {  	[tilespmem:s30], [sflag:$0x3] =	stream.indirect_vreg.gather [hbm4b:s5+s2], $0x80, v4, vm0, $0xb8;
	[tilespmem:$0x19000] =	vst v63  }
0x127: {  	s15 =	simm.s32 $0x12000;
	v3 =	vadd.s32 v1, v3  }
0x128: {  	[tilespmem:s15], [sflag:$0x3] =	stream.indirect_vreg.gather [hbm4b:s6+s2], $0x80, v4, vm0, $0xb8;
	[tilespmem:$0x19000] =	vst v63  }
0x129: {  	s16 =	simm.s32 $0x12800  }
0x12a: {  	[tilespmem:s16], [sflag:$0x3] =	stream.indirect_vreg.gather [hbm4b:s7+s2], $0x80, v4, vm0, $0xb8;
	[tilespmem:$0x19000] =	vst v63  }
0x12b: {  	s17 =	simm.s32 $0x13000  }
0x12c: {  	[tilespmem:s17], [sflag:$0x3] =	stream.indirect_vreg.gather [hbm4b:s4+s2], $0x80, v3, vm0, $0xb8;
	[tilespmem:$0x19000] =	vst v63  }
0x12d: {  	s28 =	simm.s32 $0x13800  }
0x12e: {  	[tilespmem:s28], [sflag:$0x3] =	stream.indirect_vreg.gather [hbm4b:s5+s2], $0x80, v3, vm0, $0xb8;
	[tilespmem:$0x19000] =	vst v63  }
0x12f: {  	s29 =	simm.s32 $0x14000  }
0x130: {  	[tilespmem:s29], [sflag:$0x3] =	stream.indirect_vreg.gather [hbm4b:s6+s2], $0x80, v3, vm0, $0xb8;
	[tilespmem:$0x19000] =	vst v63  }
0x131: {  	s25 =	simm.s32 $0x14800  }
0x132: {  	[tilespmem:s25], [sflag:$0x3] =	stream.indirect_vreg.gather [hbm4b:s7+s2], $0x80, v3, vm0, $0xb8;
	[tilespmem:$0x19000] =	vst v63  }
0x133: {  	v3 =	vld [tilespmem:$0x290];
	_ =	sdelay $0x4  }
0x134: {  	v11 =	vshll.u32 v3, $0x3  }
0x135: {  	v3 =	vand.u32 $0x7, v3;
	v4 =	vand.u32 $0xFFFFFFC0, v11  }
0x136: {  	v3 =	vor.u32 v3, v4  }
0x137: {  	v4 =	vperm.xlane v3, v0;
	_ =	sdelay $0x1  }
0x138: {  	v4 =	vadd.s32 v1, v4;
	_ =	sdelay $0x3  }
0x139: {  	s30 =	simm.s32 $0x15000  }
0x13a: {  	[tilespmem:s30], [sflag:$0x3] =	stream.indirect_vreg.gather [hbm4b:s4+s2], $0x80, v4, vm0, $0xb8;
	[tilespmem:$0x19000] =	vst v63  }
0x13b: {  	s10 =	simm.s32 $0x15800;
	v3 =	vperm.xlane v3, v2  }
0x13c: {  	[tilespmem:s10], [sflag:$0x3] =	stream.indirect_vreg.gather [hbm4b:s5+s2], $0x80, v4, vm0, $0xb8;
	[tilespmem:$0x19000] =	vst v63  }
0x13d: {  	v3 =	vadd.s32 v1, v3;
	s30 =	simm.s32 $0x16000  }
0x13e: {  	[tilespmem:s30], [sflag:$0x3] =	stream.indirect_vreg.gather [hbm4b:s6+s2], $0x80, v4, vm0, $0xb8;
	[tilespmem:$0x19000] =	vst v63  }
0x13f: {  	s10 =	simm.s32 $0x16800  }
0x140: {  	[tilespmem:s10], [sflag:$0x3] =	stream.indirect_vreg.gather [hbm4b:s7+s2], $0x80, v4, vm0, $0xb8;
	[tilespmem:$0x19000] =	vst v63  }
0x141: {  	s25 =	simm.s32 $0x17000  }
0x142: {  	[tilespmem:s25], [sflag:$0x3] =	stream.indirect_vreg.gather [hbm4b:s4+s2], $0x80, v3, vm0, $0xb8;
	[tilespmem:$0x19000] =	vst v63  }
0x143: {  	s25 =	simm.s32 $0x17800  }
0x144: {  	[tilespmem:s25], [sflag:$0x3] =	stream.indirect_vreg.gather [hbm4b:s5+s2], $0x80, v3, vm0, $0xb8;
	[tilespmem:$0x19000] =	vst v63  }
0x145: {  	s25 =	simm.s32 $0x18000  }
0x146: {  	[tilespmem:s25], [sflag:$0x3] =	stream.indirect_vreg.gather [hbm4b:s6+s2], $0x80, v3, vm0, $0xb8;
	[tilespmem:$0x19000] =	vst v63  }
0x147: {  	s25 =	simm.s32 $0x18800  }
0x148: {  	[tilespmem:s25], [sflag:$0x3] =	stream.indirect_vreg.gather [hbm4b:s7+s2], $0x80, v3, vm0, $0xb8;
	[tilespmem:$0x19000] =	vst v63  }
0x149: {  	_ =	swait.ge [sflag:s19], $0x8000  }
0x14a: {  	[sflag:s19] =	ssyncset.done $0x0  }
0x14b: {  	s0 =	simm.s32 $0x1000;
	s25 =	rddreg [dreg:$0x6];
	[sflag:s19] =	ssyncadd.s32 $0xFFFF8000  }
0x14c: {  	[hbm4b:s25+s2] =	stream.linear.scatter [tilespmem:s0], [sflag:$0x4], $0x8000, $0x38;
	[tilespmem:$0x19000] =	vst v63  }
0x14d: {  	_ =	swait.ge [sflag:s20], $0x8000  }
0x14e: {  	[sflag:s20] =	ssyncset.done $0x0  }
0x14f: {  	[sflag:s20] =	ssyncadd.s32 $0xFFFF8000  }
0x150: {  	v3 =	vld [tilespmem:$0x300];
	_ =	sdelay $0x4  }
0x151: {  	v12 =	vshll.u32 v3, $0x3  }
0x152: {  	v3 =	vand.u32 $0x7, v3;
	v4 =	vand.u32 $0xFFFFFFC0, v12  }
0x153: {  	v3 =	vor.u32 v3, v4  }
0x154: {  	v4 =	vperm.xlane v3, v0;
	_ =	sdelay $0x1  }
0x155: {  	v4 =	vadd.s32 v1, v4;
	_ =	sdelay $0x4  }
0x156: {  	[tilespmem:s0], [sflag:$0x1] =	stream.indirect_vreg.gather [hbm4b:s4+s2], $0x80, v4, vm0, $0xb8;
	[tilespmem:$0x19000] =	vst v63  }
0x157: {  	s25 =	simm.s32 $0x1800;
	v3 =	vperm.xlane v3, v2  }
0x158: {  	[tilespmem:s25], [sflag:$0x1] =	stream.indirect_vreg.gather [hbm4b:s5+s2], $0x80, v4, vm0, $0xb8;
	[tilespmem:$0x19000] =	vst v63  }
0x159: {  	v3 =	vadd.s32 v1, v3;
	s25 =	simm.s32 $0x2000  }
0x15a: {  	[tilespmem:s25], [sflag:$0x1] =	stream.indirect_vreg.gather [hbm4b:s6+s2], $0x80, v4, vm0, $0xb8;
	[tilespmem:$0x19000] =	vst v63  }
0x15b: {  	_ = 	snop  }
0x15c: {  	[tilespmem:s31], [sflag:$0x1] =	stream.indirect_vreg.gather [hbm4b:s7+s2], $0x80, v4, vm0, $0xb8;
	[tilespmem:$0x19000] =	vst v63  }
0x15d: {  	_ = 	snop  }
0x15e: {  	[tilespmem:s1], [sflag:$0x1] =	stream.indirect_vreg.gather [hbm4b:s4+s2], $0x80, v3, vm0, $0xb8;
	[tilespmem:$0x19000] =	vst v63  }
0x15f: {  	_ = 	snop  }
0x160: {  	[tilespmem:s3], [sflag:$0x1] =	stream.indirect_vreg.gather [hbm4b:s5+s2], $0x80, v3, vm0, $0xb8;
	[tilespmem:$0x19000] =	vst v63  }
0x161: {  	_ = 	snop  }
0x162: {  	[tilespmem:s8], [sflag:$0x1] =	stream.indirect_vreg.gather [hbm4b:s6+s2], $0x80, v3, vm0, $0xb8;
	[tilespmem:$0x19000] =	vst v63  }
0x163: {  	s31 =	simm.s32 $0x4800  }
0x164: {  	[tilespmem:s31], [sflag:$0x1] =	stream.indirect_vreg.gather [hbm4b:s7+s2], $0x80, v3, vm0, $0xb8;
	[tilespmem:$0x19000] =	vst v63  }
0x165: {  	v3 =	vld [tilespmem:$0x310];
	_ =	sdelay $0x4  }
0x166: {  	v13 =	vshll.u32 v3, $0x3  }
0x167: {  	v3 =	vand.u32 $0x7, v3;
	v4 =	vand.u32 $0xFFFFFFC0, v13  }
0x168: {  	v3 =	vor.u32 v3, v4  }
0x169: {  	v4 =	vperm.xlane v3, v0;
	_ =	sdelay $0x1  }
0x16a: {  	v4 =	vadd.s32 v1, v4;
	_ =	sdelay $0x3  }
0x16b: {  	s1 =	simm.s32 $0x5000  }
0x16c: {  	[tilespmem:s1], [sflag:$0x1] =	stream.indirect_vreg.gather [hbm4b:s4+s2], $0x80, v4, vm0, $0xb8;
	[tilespmem:$0x19000] =	vst v63  }
0x16d: {  	s3 =	simm.s32 $0x5800;
	v3 =	vperm.xlane v3, v2  }
0x16e: {  	[tilespmem:s3], [sflag:$0x1] =	stream.indirect_vreg.gather [hbm4b:s5+s2], $0x80, v4, vm0, $0xb8;
	[tilespmem:$0x19000] =	vst v63  }
0x16f: {  	v3 =	vadd.s32 v1, v3  }
0x170: {  	[tilespmem:s9], [sflag:$0x1] =	stream.indirect_vreg.gather [hbm4b:s6+s2], $0x80, v4, vm0, $0xb8;
	[tilespmem:$0x19000] =	vst v63  }
0x171: {  	_ = 	snop  }
0x172: {  	[tilespmem:s18], [sflag:$0x1] =	stream.indirect_vreg.gather [hbm4b:s7+s2], $0x80, v4, vm0, $0xb8;
	[tilespmem:$0x19000] =	vst v63  }
0x173: {  	_ = 	snop  }
0x174: {  	[tilespmem:s11], [sflag:$0x1] =	stream.indirect_vreg.gather [hbm4b:s4+s2], $0x80, v3, vm0, $0xb8;
	[tilespmem:$0x19000] =	vst v63  }
0x175: {  	_ = 	snop  }
0x176: {  	[tilespmem:s12], [sflag:$0x1] =	stream.indirect_vreg.gather [hbm4b:s5+s2], $0x80, v3, vm0, $0xb8;
	[tilespmem:$0x19000] =	vst v63  }
0x177: {  	_ = 	snop  }
0x178: {  	[tilespmem:s13], [sflag:$0x1] =	stream.indirect_vreg.gather [hbm4b:s6+s2], $0x80, v3, vm0, $0xb8;
	[tilespmem:$0x19000] =	vst v63  }
0x179: {  	_ = 	snop  }
0x17a: {  	[tilespmem:s14], [sflag:$0x1] =	stream.indirect_vreg.gather [hbm4b:s7+s2], $0x80, v3, vm0, $0xb8;
	[tilespmem:$0x19000] =	vst v63  }
0x17b: {  	_ =	swait.ge [sflag:s21], $0x8000  }
0x17c: {  	[sflag:s21] =	ssyncset.done $0x0  }
0x17d: {  	s18 =	simm.s32 $0x9000;
	s14 =	rddreg [dreg:$0x7];
	[sflag:s21] =	ssyncadd.s32 $0xFFFF8000  }
0x17e: {  	[hbm4b:s14+s2] =	stream.linear.scatter [tilespmem:s18], [sflag:$0x5], $0x8000, $0x38;
	[tilespmem:$0x19000] =	vst v63  }
0x17f: {  	_ =	swait.ge [sflag:s22], $0x8000  }
0x180: {  	[sflag:s22] =	ssyncset.done $0x0  }
0x181: {  	[sflag:s22] =	ssyncadd.s32 $0xFFFF8000  }
0x182: {  	v3 =	vld [tilespmem:$0x380];
	_ =	sdelay $0x4  }
0x183: {  	v14 =	vshll.u32 v3, $0x3  }
0x184: {  	v3 =	vand.u32 $0x7, v3;
	v4 =	vand.u32 $0xFFFFFFC0, v14  }
0x185: {  	v3 =	vor.u32 v3, v4  }
0x186: {  	v4 =	vperm.xlane v3, v0;
	_ =	sdelay $0x1  }
0x187: {  	v4 =	vadd.s32 v1, v4;
	_ =	sdelay $0x4  }
0x188: {  	[tilespmem:s18], [sflag:$0x2] =	stream.indirect_vreg.gather [hbm4b:s4+s2], $0x80, v4, vm0, $0xb8;
	[tilespmem:$0x19000] =	vst v63  }
0x189: {  	s25 =	simm.s32 $0x9800;
	v3 =	vperm.xlane v3, v2  }
0x18a: {  	[tilespmem:s25], [sflag:$0x2] =	stream.indirect_vreg.gather [hbm4b:s5+s2], $0x80, v4, vm0, $0xb8;
	[tilespmem:$0x19000] =	vst v63  }
0x18b: {  	v3 =	vadd.s32 v1, v3  }
0x18c: {  	[tilespmem:s26], [sflag:$0x2] =	stream.indirect_vreg.gather [hbm4b:s6+s2], $0x80, v4, vm0, $0xb8;
	[tilespmem:$0x19000] =	vst v63  }
0x18d: {  	s31 =	simm.s32 $0xA800  }
0x18e: {  	[tilespmem:s31], [sflag:$0x2] =	stream.indirect_vreg.gather [hbm4b:s7+s2], $0x80, v4, vm0, $0xb8;
	[tilespmem:$0x19000] =	vst v63  }
0x18f: {  	s1 =	simm.s32 $0xB000  }
0x190: {  	[tilespmem:s1], [sflag:$0x2] =	stream.indirect_vreg.gather [hbm4b:s4+s2], $0x80, v3, vm0, $0xb8;
	[tilespmem:$0x19000] =	vst v63  }
0x191: {  	s9 =	simm.s32 $0xB800  }
0x192: {  	[tilespmem:s9], [sflag:$0x2] =	stream.indirect_vreg.gather [hbm4b:s5+s2], $0x80, v3, vm0, $0xb8;
	[tilespmem:$0x19000] =	vst v63  }
0x193: {  	s11 =	simm.s32 $0xC000  }
0x194: {  	[tilespmem:s11], [sflag:$0x2] =	stream.indirect_vreg.gather [hbm4b:s6+s2], $0x80, v3, vm0, $0xb8;
	[tilespmem:$0x19000] =	vst v63  }
0x195: {  	s12 =	simm.s32 $0xC800  }
0x196: {  	[tilespmem:s12], [sflag:$0x2] =	stream.indirect_vreg.gather [hbm4b:s7+s2], $0x80, v3, vm0, $0xb8;
	[tilespmem:$0x19000] =	vst v63  }
0x197: {  	v3 =	vld [tilespmem:$0x390];
	_ =	sdelay $0x4  }
0x198: {  	v15 =	vshll.u32 v3, $0x3  }
0x199: {  	v3 =	vand.u32 $0x7, v3;
	v4 =	vand.u32 $0xFFFFFFC0, v15  }
0x19a: {  	v3 =	vor.u32 v3, v4  }
0x19b: {  	v4 =	vperm.xlane v3, v0;
	_ =	sdelay $0x1  }
0x19c: {  	v4 =	vadd.s32 v1, v4;
	_ =	sdelay $0x3  }
0x19d: {  	s13 =	simm.s32 $0xD000  }
0x19e: {  	[tilespmem:s13], [sflag:$0x2] =	stream.indirect_vreg.gather [hbm4b:s4+s2], $0x80, v4, vm0, $0xb8;
	[tilespmem:$0x19000] =	vst v63  }
0x19f: {  	s18 =	simm.s32 $0xD800;
	v3 =	vperm.xlane v3, v2  }
0x1a0: {  	[tilespmem:s18], [sflag:$0x2] =	stream.indirect_vreg.gather [hbm4b:s5+s2], $0x80, v4, vm0, $0xb8;
	[tilespmem:$0x19000] =	vst v63  }
0x1a1: {  	s25 =	simm.s32 $0xE000;
	v3 =	vadd.s32 v1, v3  }
0x1a2: {  	[tilespmem:s25], [sflag:$0x2] =	stream.indirect_vreg.gather [hbm4b:s6+s2], $0x80, v4, vm0, $0xb8;
	[tilespmem:$0x19000] =	vst v63  }
0x1a3: {  	s26 =	simm.s32 $0xE800  }
0x1a4: {  	[tilespmem:s26], [sflag:$0x2] =	stream.indirect_vreg.gather [hbm4b:s7+s2], $0x80, v4, vm0, $0xb8;
	[tilespmem:$0x19000] =	vst v63  }
0x1a5: {  	s1 =	simm.s32 $0xF000  }
0x1a6: {  	[tilespmem:s1], [sflag:$0x2] =	stream.indirect_vreg.gather [hbm4b:s4+s2], $0x80, v3, vm0, $0xb8;
	[tilespmem:$0x19000] =	vst v63  }
0x1a7: {  	s9 =	simm.s32 $0xF800  }
0x1a8: {  	[tilespmem:s9], [sflag:$0x2] =	stream.indirect_vreg.gather [hbm4b:s5+s2], $0x80, v3, vm0, $0xb8;
	[tilespmem:$0x19000] =	vst v63  }
0x1a9: {  	s11 =	simm.s32 $0x10000  }
0x1aa: {  	[tilespmem:s11], [sflag:$0x2] =	stream.indirect_vreg.gather [hbm4b:s6+s2], $0x80, v3, vm0, $0xb8;
	[tilespmem:$0x19000] =	vst v63  }
0x1ab: {  	s12 =	simm.s32 $0x10800  }
0x1ac: {  	[tilespmem:s12], [sflag:$0x2] =	stream.indirect_vreg.gather [hbm4b:s7+s2], $0x80, v3, vm0, $0xb8;
	[tilespmem:$0x19000] =	vst v63  }
0x1ad: {  	_ =	swait.ge [sflag:s23], $0x8000  }
0x1ae: {  	[sflag:s23] =	ssyncset.done $0x0  }
0x1af: {  	s18 =	simm.s32 $0x11000;
	s13 =	rddreg [dreg:$0x8];
	[sflag:s23] =	ssyncadd.s32 $0xFFFF8000  }
0x1b0: {  	[hbm4b:s13+s2] =	stream.linear.scatter [tilespmem:s18], [sflag:$0x6], $0x8000, $0x38;
	[tilespmem:$0x19000] =	vst v63  }
0x1b1: {  	_ =	swait.ge [sflag:s24], $0x8000  }
0x1b2: {  	[sflag:s24] =	ssyncset.done $0x0  }
0x1b3: {  	[sflag:s24] =	ssyncadd.s32 $0xFFFF8000  }
0x1b4: {  	v3 =	vld [tilespmem:$0x400];
	_ =	sdelay $0x4  }
0x1b5: {  	v16 =	vshll.u32 v3, $0x3  }
0x1b6: {  	v3 =	vand.u32 $0x7, v3;
	v4 =	vand.u32 $0xFFFFFFC0, v16  }
0x1b7: {  	v3 =	vor.u32 v3, v4  }
0x1b8: {  	v4 =	vperm.xlane v3, v0;
	_ =	sdelay $0x1  }
0x1b9: {  	v4 =	vadd.s32 v1, v4;
	_ =	sdelay $0x4  }
0x1ba: {  	[tilespmem:s18], [sflag:$0x3] =	stream.indirect_vreg.gather [hbm4b:s4+s2], $0x80, v4, vm0, $0xb8;
	[tilespmem:$0x19000] =	vst v63  }
0x1bb: {  	s26 =	simm.s32 $0x11800;
	v3 =	vperm.xlane v3, v2  }
0x1bc: {  	[tilespmem:s26], [sflag:$0x3] =	stream.indirect_vreg.gather [hbm4b:s5+s2], $0x80, v4, vm0, $0xb8;
	[tilespmem:$0x19000] =	vst v63  }
0x1bd: {  	v3 =	vadd.s32 v1, v3  }
0x1be: {  	[tilespmem:s15], [sflag:$0x3] =	stream.indirect_vreg.gather [hbm4b:s6+s2], $0x80, v4, vm0, $0xb8;
	[tilespmem:$0x19000] =	vst v63  }
0x1bf: {  	_ = 	snop  }
0x1c0: {  	[tilespmem:s16], [sflag:$0x3] =	stream.indirect_vreg.gather [hbm4b:s7+s2], $0x80, v4, vm0, $0xb8;
	[tilespmem:$0x19000] =	vst v63  }
0x1c1: {  	_ = 	snop  }
0x1c2: {  	[tilespmem:s17], [sflag:$0x3] =	stream.indirect_vreg.gather [hbm4b:s4+s2], $0x80, v3, vm0, $0xb8;
	[tilespmem:$0x19000] =	vst v63  }
0x1c3: {  	_ = 	snop  }
0x1c4: {  	[tilespmem:s28], [sflag:$0x3] =	stream.indirect_vreg.gather [hbm4b:s5+s2], $0x80, v3, vm0, $0xb8;
	[tilespmem:$0x19000] =	vst v63  }
0x1c5: {  	_ = 	snop  }
0x1c6: {  	[tilespmem:s29], [sflag:$0x3] =	stream.indirect_vreg.gather [hbm4b:s6+s2], $0x80, v3, vm0, $0xb8;
	[tilespmem:$0x19000] =	vst v63  }
0x1c7: {  	s29 =	simm.s32 $0x14800  }
0x1c8: {  	[tilespmem:s29], [sflag:$0x3] =	stream.indirect_vreg.gather [hbm4b:s7+s2], $0x80, v3, vm0, $0xb8;
	[tilespmem:$0x19000] =	vst v63  }
0x1c9: {  	v3 =	vld [tilespmem:$0x410];
	_ =	sdelay $0x4  }
0x1ca: {  	v17 =	vshll.u32 v3, $0x3  }
0x1cb: {  	v3 =	vand.u32 $0x7, v3;
	v4 =	vand.u32 $0xFFFFFFC0, v17  }
0x1cc: {  	v3 =	vor.u32 v3, v4  }
0x1cd: {  	v4 =	vperm.xlane v3, v0;
	_ =	sdelay $0x1  }
0x1ce: {  	v4 =	vadd.s32 v1, v4;
	_ =	sdelay $0x3  }
0x1cf: {  	s1 =	simm.s32 $0x15000  }
0x1d0: {  	[tilespmem:s1], [sflag:$0x3] =	stream.indirect_vreg.gather [hbm4b:s4+s2], $0x80, v4, vm0, $0xb8;
	[tilespmem:$0x19000] =	vst v63  }
0x1d1: {  	s9 =	simm.s32 $0x15800;
	v3 =	vperm.xlane v3, v2  }
0x1d2: {  	[tilespmem:s9], [sflag:$0x3] =	stream.indirect_vreg.gather [hbm4b:s5+s2], $0x80, v4, vm0, $0xb8;
	[tilespmem:$0x19000] =	vst v63  }
0x1d3: {  	v3 =	vadd.s32 v1, v3  }
0x1d4: {  	[tilespmem:s30], [sflag:$0x3] =	stream.indirect_vreg.gather [hbm4b:s6+s2], $0x80, v4, vm0, $0xb8;
	[tilespmem:$0x19000] =	vst v63  }
0x1d5: {  	_ = 	snop  }
0x1d6: {  	[tilespmem:s10], [sflag:$0x3] =	stream.indirect_vreg.gather [hbm4b:s7+s2], $0x80, v4, vm0, $0xb8;
	[tilespmem:$0x19000] =	vst v63  }
0x1d7: {  	s11 =	simm.s32 $0x17000  }
0x1d8: {  	[tilespmem:s11], [sflag:$0x3] =	stream.indirect_vreg.gather [hbm4b:s4+s2], $0x80, v3, vm0, $0xb8;
	[tilespmem:$0x19000] =	vst v63  }
0x1d9: {  	s12 =	simm.s32 $0x17800  }
0x1da: {  	[tilespmem:s12], [sflag:$0x3] =	stream.indirect_vreg.gather [hbm4b:s5+s2], $0x80, v3, vm0, $0xb8;
	[tilespmem:$0x19000] =	vst v63  }
0x1db: {  	s13 =	simm.s32 $0x18000  }
0x1dc: {  	[tilespmem:s13], [sflag:$0x3] =	stream.indirect_vreg.gather [hbm4b:s6+s2], $0x80, v3, vm0, $0xb8;
	[tilespmem:$0x19000] =	vst v63  }
0x1dd: {  	s15 =	simm.s32 $0x18800  }
0x1de: {  	[tilespmem:s15], [sflag:$0x3] =	stream.indirect_vreg.gather [hbm4b:s7+s2], $0x80, v3, vm0, $0xb8;
	[tilespmem:$0x19000] =	vst v63  }
0x1df: {  	_ =	swait.ge [sflag:s19], $0x8000  }
0x1e0: {  	[sflag:s19] =	ssyncset.done $0x0  }
0x1e1: {  	s17 =	simm.s32 $0x1000;
	s16 =	rddreg [dreg:$0x9];
	[sflag:s19] =	ssyncadd.s32 $0xFFFF8000  }
0x1e2: {  	[hbm4b:s16+s2] =	stream.linear.scatter [tilespmem:s17], [sflag:$0x4], $0x8000, $0x38;
	[tilespmem:$0x19000] =	vst v63  }
0x1e3: {  	_ =	swait.ge [sflag:s20], $0x8000  }
0x1e4: {  	[sflag:s20] =	ssyncset.done $0x0  }
0x1e5: {  	[sflag:s20] =	ssyncadd.s32 $0xFFFF8000  }
0x1e6: {  	v3 =	vld [tilespmem:$0x480];
	_ =	sdelay $0x4  }
0x1e7: {  	v18 =	vshll.u32 v3, $0x3  }
0x1e8: {  	v3 =	vand.u32 $0x7, v3;
	v4 =	vand.u32 $0xFFFFFFC0, v18  }
0x1e9: {  	v3 =	vor.u32 v3, v4  }
0x1ea: {  	v4 =	vperm.xlane v3, v0;
	_ =	sdelay $0x1  }
0x1eb: {  	v4 =	vadd.s32 v1, v4;
	_ =	sdelay $0x4  }
0x1ec: {  	[tilespmem:s17], [sflag:$0x1] =	stream.indirect_vreg.gather [hbm4b:s4+s2], $0x80, v4, vm0, $0xb8;
	[tilespmem:$0x19000] =	vst v63  }
0x1ed: {  	s18 =	simm.s32 $0x1800;
	v3 =	vperm.xlane v3, v2  }
0x1ee: {  	[tilespmem:s18], [sflag:$0x1] =	stream.indirect_vreg.gather [hbm4b:s5+s2], $0x80, v4, vm0, $0xb8;
	[tilespmem:$0x19000] =	vst v63  }
0x1ef: {  	s25 =	simm.s32 $0x2000;
	v3 =	vadd.s32 v1, v3  }
0x1f0: {  	[tilespmem:s25], [sflag:$0x1] =	stream.indirect_vreg.gather [hbm4b:s6+s2], $0x80, v4, vm0, $0xb8;
	[tilespmem:$0x19000] =	vst v63  }
0x1f1: {  	s9 =	simm.s32 $0x2800  }
0x1f2: {  	[tilespmem:s9], [sflag:$0x1] =	stream.indirect_vreg.gather [hbm4b:s7+s2], $0x80, v4, vm0, $0xb8;
	[tilespmem:$0x19000] =	vst v63  }
0x1f3: {  	s10 =	simm.s32 $0x3000  }
0x1f4: {  	[tilespmem:s10], [sflag:$0x1] =	stream.indirect_vreg.gather [hbm4b:s4+s2], $0x80, v3, vm0, $0xb8;
	[tilespmem:$0x19000] =	vst v63  }
0x1f5: {  	s11 =	simm.s32 $0x3800  }
0x1f6: {  	[tilespmem:s11], [sflag:$0x1] =	stream.indirect_vreg.gather [hbm4b:s5+s2], $0x80, v3, vm0, $0xb8;
	[tilespmem:$0x19000] =	vst v63  }
0x1f7: {  	s8 =	simm.s32 $0x4000  }
0x1f8: {  	[tilespmem:s8], [sflag:$0x1] =	stream.indirect_vreg.gather [hbm4b:s6+s2], $0x80, v3, vm0, $0xb8;
	[tilespmem:$0x19000] =	vst v63  }
0x1f9: {  	s1 =	simm.s32 $0x4800  }
0x1fa: {  	[tilespmem:s1], [sflag:$0x1] =	stream.indirect_vreg.gather [hbm4b:s7+s2], $0x80, v3, vm0, $0xb8;
	[tilespmem:$0x19000] =	vst v63  }
0x1fb: {  	v3 =	vld [tilespmem:$0x490];
	_ =	sdelay $0x4  }
0x1fc: {  	v19 =	vshll.u32 v3, $0x3  }
0x1fd: {  	v3 =	vand.u32 $0x7, v3;
	v4 =	vand.u32 $0xFFFFFFC0, v19  }
0x1fe: {  	v3 =	vor.u32 v3, v4  }
0x1ff: {  	v4 =	vperm.xlane v3, v0;
	_ =	sdelay $0x1  }
0x200: {  	v4 =	vadd.s32 v1, v4;
	_ =	sdelay $0x3  }
0x201: {  	s26 =	simm.s32 $0x5000  }
0x202: {  	[tilespmem:s26], [sflag:$0x1] =	stream.indirect_vreg.gather [hbm4b:s4+s2], $0x80, v4, vm0, $0xb8;
	[tilespmem:$0x19000] =	vst v63  }
0x203: {  	s28 =	simm.s32 $0x5800;
	v3 =	vperm.xlane v3, v2  }
0x204: {  	[tilespmem:s28], [sflag:$0x1] =	stream.indirect_vreg.gather [hbm4b:s5+s2], $0x80, v4, vm0, $0xb8;
	[tilespmem:$0x19000] =	vst v63  }
0x205: {  	s12 =	simm.s32 $0x6000;
	v3 =	vadd.s32 v1, v3  }
0x206: {  	[tilespmem:s12], [sflag:$0x1] =	stream.indirect_vreg.gather [hbm4b:s6+s2], $0x80, v4, vm0, $0xb8;
	[tilespmem:$0x19000] =	vst v63  }
0x207: {  	s13 =	simm.s32 $0x6800  }
0x208: {  	[tilespmem:s13], [sflag:$0x1] =	stream.indirect_vreg.gather [hbm4b:s7+s2], $0x80, v4, vm0, $0xb8;
	[tilespmem:$0x19000] =	vst v63  }
0x209: {  	s15 =	simm.s32 $0x7000  }
0x20a: {  	[tilespmem:s15], [sflag:$0x1] =	stream.indirect_vreg.gather [hbm4b:s4+s2], $0x80, v3, vm0, $0xb8;
	[tilespmem:$0x19000] =	vst v63  }
0x20b: {  	s16 =	simm.s32 $0x7800  }
0x20c: {  	[tilespmem:s16], [sflag:$0x1] =	stream.indirect_vreg.gather [hbm4b:s5+s2], $0x80, v3, vm0, $0xb8;
	[tilespmem:$0x19000] =	vst v63  }
0x20d: {  	s17 =	simm.s32 $0x8000  }
0x20e: {  	[tilespmem:s17], [sflag:$0x1] =	stream.indirect_vreg.gather [hbm4b:s6+s2], $0x80, v3, vm0, $0xb8;
	[tilespmem:$0x19000] =	vst v63  }
0x20f: {  	s18 =	simm.s32 $0x8800  }
0x210: {  	[tilespmem:s18], [sflag:$0x1] =	stream.indirect_vreg.gather [hbm4b:s7+s2], $0x80, v3, vm0, $0xb8;
	[tilespmem:$0x19000] =	vst v63  }
0x211: {  	_ =	swait.ge [sflag:s21], $0x8000  }
0x212: {  	[sflag:s21] =	ssyncset.done $0x0  }
0x213: {  	s30 =	simm.s32 $0x9000;
	s29 =	rddreg [dreg:$0xa];
	[sflag:s21] =	ssyncadd.s32 $0xFFFF8000  }
0x214: {  	[hbm4b:s29+s2] =	stream.linear.scatter [tilespmem:s30], [sflag:$0x5], $0x8000, $0x38;
	[tilespmem:$0x19000] =	vst v63  }
0x215: {  	_ =	swait.ge [sflag:s22], $0x8000  }
0x216: {  	[sflag:s22] =	ssyncset.done $0x0  }
0x217: {  	[sflag:s22] =	ssyncadd.s32 $0xFFFF8000  }
0x218: {  	v3 =	vld [tilespmem:$0x500];
	_ =	sdelay $0x4  }
0x219: {  	v20 =	vshll.u32 v3, $0x3  }
0x21a: {  	v3 =	vand.u32 $0x7, v3;
	v4 =	vand.u32 $0xFFFFFFC0, v20  }
0x21b: {  	v3 =	vor.u32 v3, v4  }
0x21c: {  	v4 =	vperm.xlane v3, v0;
	_ =	sdelay $0x1  }
0x21d: {  	v4 =	vadd.s32 v1, v4;
	_ =	sdelay $0x4  }
0x21e: {  	[tilespmem:s30], [sflag:$0x2] =	stream.indirect_vreg.gather [hbm4b:s4+s2], $0x80, v4, vm0, $0xb8;
	[tilespmem:$0x19000] =	vst v63  }
0x21f: {  	s3 =	simm.s32 $0x9800;
	v3 =	vperm.xlane v3, v2  }
0x220: {  	[tilespmem:s3], [sflag:$0x2] =	stream.indirect_vreg.gather [hbm4b:s5+s2], $0x80, v4, vm0, $0xb8;
	[tilespmem:$0x19000] =	vst v63  }
0x221: {  	s8 =	simm.s32 $0xA000;
	v3 =	vadd.s32 v1, v3  }
0x222: {  	[tilespmem:s8], [sflag:$0x2] =	stream.indirect_vreg.gather [hbm4b:s6+s2], $0x80, v4, vm0, $0xb8;
	[tilespmem:$0x19000] =	vst v63  }
0x223: {  	s26 =	simm.s32 $0xA800  }
0x224: {  	[tilespmem:s26], [sflag:$0x2] =	stream.indirect_vreg.gather [hbm4b:s7+s2], $0x80, v4, vm0, $0xb8;
	[tilespmem:$0x19000] =	vst v63  }
0x225: {  	s28 =	simm.s32 $0xB000  }
0x226: {  	[tilespmem:s28], [sflag:$0x2] =	stream.indirect_vreg.gather [hbm4b:s4+s2], $0x80, v3, vm0, $0xb8;
	[tilespmem:$0x19000] =	vst v63  }
0x227: {  	s29 =	simm.s32 $0xB800  }
0x228: {  	[tilespmem:s29], [sflag:$0x2] =	stream.indirect_vreg.gather [hbm4b:s5+s2], $0x80, v3, vm0, $0xb8;
	[tilespmem:$0x19000] =	vst v63  }
0x229: {  	s30 =	simm.s32 $0xC000  }
0x22a: {  	[tilespmem:s30], [sflag:$0x2] =	stream.indirect_vreg.gather [hbm4b:s6+s2], $0x80, v3, vm0, $0xb8;
	[tilespmem:$0x19000] =	vst v63  }
0x22b: {  	s14 =	simm.s32 $0xC800  }
0x22c: {  	[tilespmem:s14], [sflag:$0x2] =	stream.indirect_vreg.gather [hbm4b:s7+s2], $0x80, v3, vm0, $0xb8;
	[tilespmem:$0x19000] =	vst v63  }
0x22d: {  	v3 =	vld [tilespmem:$0x510];
	_ =	sdelay $0x4  }
0x22e: {  	v21 =	vshll.u32 v3, $0x3  }
0x22f: {  	v3 =	vand.u32 $0x7, v3;
	v4 =	vand.u32 $0xFFFFFFC0, v21  }
0x230: {  	v3 =	vor.u32 v3, v4  }
0x231: {  	v4 =	vperm.xlane v3, v0;
	_ =	sdelay $0x1  }
0x232: {  	v4 =	vadd.s32 v1, v4;
	_ =	sdelay $0x3  }
0x233: {  	s31 =	simm.s32 $0xD000  }
0x234: {  	[tilespmem:s31], [sflag:$0x2] =	stream.indirect_vreg.gather [hbm4b:s4+s2], $0x80, v4, vm0, $0xb8;
	[tilespmem:$0x19000] =	vst v63  }
0x235: {  	v3 =	vperm.xlane v3, v2;
	s31 =	simm.s32 $0xD800  }
0x236: {  	[tilespmem:s31], [sflag:$0x2] =	stream.indirect_vreg.gather [hbm4b:s5+s2], $0x80, v4, vm0, $0xb8;
	[tilespmem:$0x19000] =	vst v63  }
0x237: {  	v3 =	vadd.s32 v1, v3;
	s31 =	simm.s32 $0xE000  }
0x238: {  	[tilespmem:s31], [sflag:$0x2] =	stream.indirect_vreg.gather [hbm4b:s6+s2], $0x80, v4, vm0, $0xb8;
	[tilespmem:$0x19000] =	vst v63  }
0x239: {  	s3 =	simm.s32 $0xE800  }
0x23a: {  	[tilespmem:s3], [sflag:$0x2] =	stream.indirect_vreg.gather [hbm4b:s7+s2], $0x80, v4, vm0, $0xb8;
	[tilespmem:$0x19000] =	vst v63  }
0x23b: {  	s14 =	simm.s32 $0xF000  }
0x23c: {  	[tilespmem:s14], [sflag:$0x2] =	stream.indirect_vreg.gather [hbm4b:s4+s2], $0x80, v3, vm0, $0xb8;
	[tilespmem:$0x19000] =	vst v63  }
0x23d: {  	s3 =	simm.s32 $0xF800  }
0x23e: {  	[tilespmem:s3], [sflag:$0x2] =	stream.indirect_vreg.gather [hbm4b:s5+s2], $0x80, v3, vm0, $0xb8;
	[tilespmem:$0x19000] =	vst v63  }
0x23f: {  	s14 =	simm.s32 $0x10000  }
0x240: {  	[tilespmem:s14], [sflag:$0x2] =	stream.indirect_vreg.gather [hbm4b:s6+s2], $0x80, v3, vm0, $0xb8;
	[tilespmem:$0x19000] =	vst v63  }
0x241: {  	s25 =	simm.s32 $0x10800  }
0x242: {  	[tilespmem:s25], [sflag:$0x2] =	stream.indirect_vreg.gather [hbm4b:s7+s2], $0x80, v3, vm0, $0xb8;
	[tilespmem:$0x19000] =	vst v63  }
0x243: {  	_ =	swait.ge [sflag:s23], $0x8000  }
0x244: {  	[sflag:s23] =	ssyncset.done $0x0  }
0x245: {  	s0 =	simm.s32 $0x11000;
	s25 =	rddreg [dreg:$0xb];
	[sflag:s23] =	ssyncadd.s32 $0xFFFF8000  }
0x246: {  	[hbm4b:s25+s2] =	stream.linear.scatter [tilespmem:s0], [sflag:$0x6], $0x8000, $0x38;
	[tilespmem:$0x19000] =	vst v63  }
0x247: {  	_ =	swait.ge [sflag:s24], $0x8000  }
0x248: {  	[sflag:s24] =	ssyncset.done $0x0  }
0x249: {  	[sflag:s24] =	ssyncadd.s32 $0xFFFF8000  }
0x24a: {  	v3 =	vld [tilespmem:$0x580];
	_ =	sdelay $0x4  }
0x24b: {  	v22 =	vshll.u32 v3, $0x3  }
0x24c: {  	v3 =	vand.u32 $0x7, v3;
	v4 =	vand.u32 $0xFFFFFFC0, v22  }
0x24d: {  	v3 =	vor.u32 v3, v4  }
0x24e: {  	v4 =	vperm.xlane v3, v0;
	_ =	sdelay $0x1  }
0x24f: {  	v4 =	vadd.s32 v1, v4;
	_ =	sdelay $0x4  }
0x250: {  	[tilespmem:s0], [sflag:$0x3] =	stream.indirect_vreg.gather [hbm4b:s4+s2], $0x80, v4, vm0, $0xb8;
	[tilespmem:$0x19000] =	vst v63  }
0x251: {  	s25 =	simm.s32 $0x11800;
	v3 =	vperm.xlane v3, v2  }
0x252: {  	[tilespmem:s25], [sflag:$0x3] =	stream.indirect_vreg.gather [hbm4b:s5+s2], $0x80, v4, vm0, $0xb8;
	[tilespmem:$0x19000] =	vst v63  }
0x253: {  	v3 =	vadd.s32 v1, v3;
	s25 =	simm.s32 $0x12000  }
0x254: {  	[tilespmem:s25], [sflag:$0x3] =	stream.indirect_vreg.gather [hbm4b:s6+s2], $0x80, v4, vm0, $0xb8;
	[tilespmem:$0x19000] =	vst v63  }
0x255: {  	s25 =	simm.s32 $0x12800  }
0x256: {  	[tilespmem:s25], [sflag:$0x3] =	stream.indirect_vreg.gather [hbm4b:s7+s2], $0x80, v4, vm0, $0xb8;
	[tilespmem:$0x19000] =	vst v63  }
0x257: {  	s25 =	simm.s32 $0x13000  }
0x258: {  	[tilespmem:s25], [sflag:$0x3] =	stream.indirect_vreg.gather [hbm4b:s4+s2], $0x80, v3, vm0, $0xb8;
	[tilespmem:$0x19000] =	vst v63  }
0x259: {  	s25 =	simm.s32 $0x13800  }
0x25a: {  	[tilespmem:s25], [sflag:$0x3] =	stream.indirect_vreg.gather [hbm4b:s5+s2], $0x80, v3, vm0, $0xb8;
	[tilespmem:$0x19000] =	vst v63  }
0x25b: {  	s25 =	simm.s32 $0x14000  }
0x25c: {  	[tilespmem:s25], [sflag:$0x3] =	stream.indirect_vreg.gather [hbm4b:s6+s2], $0x80, v3, vm0, $0xb8;
	[tilespmem:$0x19000] =	vst v63  }
0x25d: {  	s25 =	simm.s32 $0x14800  }
0x25e: {  	[tilespmem:s25], [sflag:$0x3] =	stream.indirect_vreg.gather [hbm4b:s7+s2], $0x80, v3, vm0, $0xb8;
	[tilespmem:$0x19000] =	vst v63  }
0x25f: {  	v3 =	vld [tilespmem:$0x590];
	_ =	sdelay $0x4  }
0x260: {  	v23 =	vshll.u32 v3, $0x3  }
0x261: {  	v3 =	vand.u32 $0x7, v3;
	v4 =	vand.u32 $0xFFFFFFC0, v23  }
0x262: {  	v3 =	vor.u32 v3, v4  }
0x263: {  	v4 =	vperm.xlane v3, v0;
	_ =	sdelay $0x1  }
0x264: {  	v4 =	vadd.s32 v1, v4;
	_ =	sdelay $0x3  }
0x265: {  	s25 =	simm.s32 $0x15000  }
0x266: {  	[tilespmem:s25], [sflag:$0x3] =	stream.indirect_vreg.gather [hbm4b:s4+s2], $0x80, v4, vm0, $0xb8;
	[tilespmem:$0x19000] =	vst v63  }
0x267: {  	v3 =	vperm.xlane v3, v2;
	s25 =	simm.s32 $0x15800  }
0x268: {  	[tilespmem:s25], [sflag:$0x3] =	stream.indirect_vreg.gather [hbm4b:s5+s2], $0x80, v4, vm0, $0xb8;
	[tilespmem:$0x19000] =	vst v63  }
0x269: {  	v3 =	vadd.s32 v1, v3;
	s25 =	simm.s32 $0x16000  }
0x26a: {  	[tilespmem:s25], [sflag:$0x3] =	stream.indirect_vreg.gather [hbm4b:s6+s2], $0x80, v4, vm0, $0xb8;
	[tilespmem:$0x19000] =	vst v63  }
0x26b: {  	s25 =	simm.s32 $0x16800  }
0x26c: {  	[tilespmem:s25], [sflag:$0x3] =	stream.indirect_vreg.gather [hbm4b:s7+s2], $0x80, v4, vm0, $0xb8;
	[tilespmem:$0x19000] =	vst v63  }
0x26d: {  	s25 =	simm.s32 $0x17000  }
0x26e: {  	[tilespmem:s25], [sflag:$0x3] =	stream.indirect_vreg.gather [hbm4b:s4+s2], $0x80, v3, vm0, $0xb8;
	[tilespmem:$0x19000] =	vst v63  }
0x26f: {  	s25 =	simm.s32 $0x17800  }
0x270: {  	[tilespmem:s25], [sflag:$0x3] =	stream.indirect_vreg.gather [hbm4b:s5+s2], $0x80, v3, vm0, $0xb8;
	[tilespmem:$0x19000] =	vst v63  }
0x271: {  	s25 =	simm.s32 $0x18000  }
0x272: {  	[tilespmem:s25], [sflag:$0x3] =	stream.indirect_vreg.gather [hbm4b:s6+s2], $0x80, v3, vm0, $0xb8;
	[tilespmem:$0x19000] =	vst v63  }
0x273: {  	s25 =	simm.s32 $0x18800  }
0x274: {  	[tilespmem:s25], [sflag:$0x3] =	stream.indirect_vreg.gather [hbm4b:s7+s2], $0x80, v3, vm0, $0xb8;
	[tilespmem:$0x19000] =	vst v63  }
0x275: {  	_ =	swait.ge [sflag:s19], $0x8000  }
0x276: {  	[sflag:s19] =	ssyncset.done $0x0  }
0x277: {  	s0 =	simm.s32 $0x1000;
	s25 =	rddreg [dreg:$0xc];
	[sflag:s19] =	ssyncadd.s32 $0xFFFF8000  }
0x278: {  	[hbm4b:s25+s2] =	stream.linear.scatter [tilespmem:s0], [sflag:$0x4], $0x8000, $0x38;
	[tilespmem:$0x19000] =	vst v63  }
0x279: {  	_ =	swait.ge [sflag:s20], $0x8000  }
0x27a: {  	[sflag:s20] =	ssyncset.done $0x0  }
0x27b: {  	[sflag:s20] =	ssyncadd.s32 $0xFFFF8000  }
0x27c: {  	v3 =	vld [tilespmem:$0x600];
	_ =	sdelay $0x4  }
0x27d: {  	v24 =	vshll.u32 v3, $0x3  }
0x27e: {  	v3 =	vand.u32 $0x7, v3;
	v4 =	vand.u32 $0xFFFFFFC0, v24  }
0x27f: {  	v3 =	vor.u32 v3, v4  }
0x280: {  	v4 =	vperm.xlane v3, v0;
	_ =	sdelay $0x1  }
0x281: {  	v4 =	vadd.s32 v1, v4;
	_ =	sdelay $0x4  }
0x282: {  	[tilespmem:s0], [sflag:$0x1] =	stream.indirect_vreg.gather [hbm4b:s4+s2], $0x80, v4, vm0, $0xb8;
	[tilespmem:$0x19000] =	vst v63  }
0x283: {  	s25 =	simm.s32 $0x1800;
	v3 =	vperm.xlane v3, v2  }
0x284: {  	[tilespmem:s25], [sflag:$0x1] =	stream.indirect_vreg.gather [hbm4b:s5+s2], $0x80, v4, vm0, $0xb8;
	[tilespmem:$0x19000] =	vst v63  }
0x285: {  	v3 =	vadd.s32 v1, v3;
	s25 =	simm.s32 $0x2000  }
0x286: {  	[tilespmem:s25], [sflag:$0x1] =	stream.indirect_vreg.gather [hbm4b:s6+s2], $0x80, v4, vm0, $0xb8;
	[tilespmem:$0x19000] =	vst v63  }
0x287: {  	_ = 	snop  }
0x288: {  	[tilespmem:s9], [sflag:$0x1] =	stream.indirect_vreg.gather [hbm4b:s7+s2], $0x80, v4, vm0, $0xb8;
	[tilespmem:$0x19000] =	vst v63  }
0x289: {  	_ = 	snop  }
0x28a: {  	[tilespmem:s10], [sflag:$0x1] =	stream.indirect_vreg.gather [hbm4b:s4+s2], $0x80, v3, vm0, $0xb8;
	[tilespmem:$0x19000] =	vst v63  }
0x28b: {  	_ = 	snop  }
0x28c: {  	[tilespmem:s11], [sflag:$0x1] =	stream.indirect_vreg.gather [hbm4b:s5+s2], $0x80, v3, vm0, $0xb8;
	[tilespmem:$0x19000] =	vst v63  }
0x28d: {  	s9 =	simm.s32 $0x4000  }
0x28e: {  	[tilespmem:s9], [sflag:$0x1] =	stream.indirect_vreg.gather [hbm4b:s6+s2], $0x80, v3, vm0, $0xb8;
	[tilespmem:$0x19000] =	vst v63  }
0x28f: {  	_ = 	snop  }
0x290: {  	[tilespmem:s1], [sflag:$0x1] =	stream.indirect_vreg.gather [hbm4b:s7+s2], $0x80, v3, vm0, $0xb8;
	[tilespmem:$0x19000] =	vst v63  }
0x291: {  	v3 =	vld [tilespmem:$0x610];
	_ =	sdelay $0x4  }
0x292: {  	v25 =	vshll.u32 v3, $0x3  }
0x293: {  	v3 =	vand.u32 $0x7, v3;
	v4 =	vand.u32 $0xFFFFFFC0, v25  }
0x294: {  	v3 =	vor.u32 v3, v4  }
0x295: {  	v4 =	vperm.xlane v3, v0;
	_ =	sdelay $0x1  }
0x296: {  	v4 =	vadd.s32 v1, v4;
	_ =	sdelay $0x3  }
0x297: {  	s10 =	simm.s32 $0x5000  }
0x298: {  	[tilespmem:s10], [sflag:$0x1] =	stream.indirect_vreg.gather [hbm4b:s4+s2], $0x80, v4, vm0, $0xb8;
	[tilespmem:$0x19000] =	vst v63  }
0x299: {  	s11 =	simm.s32 $0x5800;
	v3 =	vperm.xlane v3, v2  }
0x29a: {  	[tilespmem:s11], [sflag:$0x1] =	stream.indirect_vreg.gather [hbm4b:s5+s2], $0x80, v4, vm0, $0xb8;
	[tilespmem:$0x19000] =	vst v63  }
0x29b: {  	v3 =	vadd.s32 v1, v3  }
0x29c: {  	[tilespmem:s12], [sflag:$0x1] =	stream.indirect_vreg.gather [hbm4b:s6+s2], $0x80, v4, vm0, $0xb8;
	[tilespmem:$0x19000] =	vst v63  }
0x29d: {  	_ = 	snop  }
0x29e: {  	[tilespmem:s13], [sflag:$0x1] =	stream.indirect_vreg.gather [hbm4b:s7+s2], $0x80, v4, vm0, $0xb8;
	[tilespmem:$0x19000] =	vst v63  }
0x29f: {  	_ = 	snop  }
0x2a0: {  	[tilespmem:s15], [sflag:$0x1] =	stream.indirect_vreg.gather [hbm4b:s4+s2], $0x80, v3, vm0, $0xb8;
	[tilespmem:$0x19000] =	vst v63  }
0x2a1: {  	_ = 	snop  }
0x2a2: {  	[tilespmem:s16], [sflag:$0x1] =	stream.indirect_vreg.gather [hbm4b:s5+s2], $0x80, v3, vm0, $0xb8;
	[tilespmem:$0x19000] =	vst v63  }
0x2a3: {  	_ = 	snop  }
0x2a4: {  	[tilespmem:s17], [sflag:$0x1] =	stream.indirect_vreg.gather [hbm4b:s6+s2], $0x80, v3, vm0, $0xb8;
	[tilespmem:$0x19000] =	vst v63  }
0x2a5: {  	_ = 	snop  }
0x2a6: {  	[tilespmem:s18], [sflag:$0x1] =	stream.indirect_vreg.gather [hbm4b:s7+s2], $0x80, v3, vm0, $0xb8;
	[tilespmem:$0x19000] =	vst v63  }
0x2a7: {  	_ =	swait.ge [sflag:s21], $0x8000  }
0x2a8: {  	[sflag:s21] =	ssyncset.done $0x0  }
0x2a9: {  	s13 =	simm.s32 $0x9000;
	s12 =	rddreg [dreg:$0xd];
	[sflag:s21] =	ssyncadd.s32 $0xFFFF8000  }
0x2aa: {  	[hbm4b:s12+s2] =	stream.linear.scatter [tilespmem:s13], [sflag:$0x5], $0x8000, $0x38;
	[tilespmem:$0x19000] =	vst v63  }
0x2ab: {  	_ =	swait.ge [sflag:s22], $0x8000  }
0x2ac: {  	[sflag:s22] =	ssyncset.done $0x0  }
0x2ad: {  	[sflag:s22] =	ssyncadd.s32 $0xFFFF8000  }
0x2ae: {  	v3 =	vld [tilespmem:$0x680];
	_ =	sdelay $0x4  }
0x2af: {  	v26 =	vshll.u32 v3, $0x3  }
0x2b0: {  	v3 =	vand.u32 $0x7, v3;
	v4 =	vand.u32 $0xFFFFFFC0, v26  }
0x2b1: {  	v3 =	vor.u32 v3, v4  }
0x2b2: {  	v4 =	vperm.xlane v3, v0;
	_ =	sdelay $0x1  }
0x2b3: {  	v4 =	vadd.s32 v1, v4;
	_ =	sdelay $0x4  }
0x2b4: {  	[tilespmem:s13], [sflag:$0x2] =	stream.indirect_vreg.gather [hbm4b:s4+s2], $0x80, v4, vm0, $0xb8;
	[tilespmem:$0x19000] =	vst v63  }
0x2b5: {  	s15 =	simm.s32 $0x9800;
	v3 =	vperm.xlane v3, v2  }
0x2b6: {  	[tilespmem:s15], [sflag:$0x2] =	stream.indirect_vreg.gather [hbm4b:s5+s2], $0x80, v4, vm0, $0xb8;
	[tilespmem:$0x19000] =	vst v63  }
0x2b7: {  	v3 =	vadd.s32 v1, v3  }
0x2b8: {  	[tilespmem:s8], [sflag:$0x2] =	stream.indirect_vreg.gather [hbm4b:s6+s2], $0x80, v4, vm0, $0xb8;
	[tilespmem:$0x19000] =	vst v63  }
0x2b9: {  	_ = 	snop  }
0x2ba: {  	[tilespmem:s26], [sflag:$0x2] =	stream.indirect_vreg.gather [hbm4b:s7+s2], $0x80, v4, vm0, $0xb8;
	[tilespmem:$0x19000] =	vst v63  }
0x2bb: {  	_ = 	snop  }
0x2bc: {  	[tilespmem:s28], [sflag:$0x2] =	stream.indirect_vreg.gather [hbm4b:s4+s2], $0x80, v3, vm0, $0xb8;
	[tilespmem:$0x19000] =	vst v63  }
0x2bd: {  	_ = 	snop  }
0x2be: {  	[tilespmem:s29], [sflag:$0x2] =	stream.indirect_vreg.gather [hbm4b:s5+s2], $0x80, v3, vm0, $0xb8;
	[tilespmem:$0x19000] =	vst v63  }
0x2bf: {  	_ = 	snop  }
0x2c0: {  	[tilespmem:s30], [sflag:$0x2] =	stream.indirect_vreg.gather [hbm4b:s6+s2], $0x80, v3, vm0, $0xb8;
	[tilespmem:$0x19000] =	vst v63  }
0x2c1: {  	s0 =	simm.s32 $0xC800  }
0x2c2: {  	[tilespmem:s0], [sflag:$0x2] =	stream.indirect_vreg.gather [hbm4b:s7+s2], $0x80, v3, vm0, $0xb8;
	[tilespmem:$0x19000] =	vst v63  }
0x2c3: {  	v3 =	vld [tilespmem:$0x690];
	_ =	sdelay $0x4  }
0x2c4: {  	v27 =	vshll.u32 v3, $0x3  }
0x2c5: {  	v3 =	vand.u32 $0x7, v3;
	v4 =	vand.u32 $0xFFFFFFC0, v27  }
0x2c6: {  	v3 =	vor.u32 v3, v4  }
0x2c7: {  	v4 =	vperm.xlane v3, v0;
	_ =	sdelay $0x1  }
0x2c8: {  	v4 =	vadd.s32 v1, v4;
	_ =	sdelay $0x3  }
0x2c9: {  	s29 =	simm.s32 $0xD000  }
0x2ca: {  	[tilespmem:s29], [sflag:$0x2] =	stream.indirect_vreg.gather [hbm4b:s4+s2], $0x80, v4, vm0, $0xb8;
	[tilespmem:$0x19000] =	vst v63  }
0x2cb: {  	s16 =	simm.s32 $0xD800;
	v3 =	vperm.xlane v3, v2  }
0x2cc: {  	[tilespmem:s16], [sflag:$0x2] =	stream.indirect_vreg.gather [hbm4b:s5+s2], $0x80, v4, vm0, $0xb8;
	[tilespmem:$0x19000] =	vst v63  }
0x2cd: {  	v3 =	vadd.s32 v1, v3  }
0x2ce: {  	[tilespmem:s31], [sflag:$0x2] =	stream.indirect_vreg.gather [hbm4b:s6+s2], $0x80, v4, vm0, $0xb8;
	[tilespmem:$0x19000] =	vst v63  }
0x2cf: {  	s17 =	simm.s32 $0xE800  }
0x2d0: {  	[tilespmem:s17], [sflag:$0x2] =	stream.indirect_vreg.gather [hbm4b:s7+s2], $0x80, v4, vm0, $0xb8;
	[tilespmem:$0x19000] =	vst v63  }
0x2d1: {  	s18 =	simm.s32 $0xF000  }
0x2d2: {  	[tilespmem:s18], [sflag:$0x2] =	stream.indirect_vreg.gather [hbm4b:s4+s2], $0x80, v3, vm0, $0xb8;
	[tilespmem:$0x19000] =	vst v63  }
0x2d3: {  	_ = 	snop  }
0x2d4: {  	[tilespmem:s3], [sflag:$0x2] =	stream.indirect_vreg.gather [hbm4b:s5+s2], $0x80, v3, vm0, $0xb8;
	[tilespmem:$0x19000] =	vst v63  }
0x2d5: {  	_ = 	snop  }
0x2d6: {  	[tilespmem:s14], [sflag:$0x2] =	stream.indirect_vreg.gather [hbm4b:s6+s2], $0x80, v3, vm0, $0xb8;
	[tilespmem:$0x19000] =	vst v63  }
0x2d7: {  	s25 =	simm.s32 $0x10800  }
0x2d8: {  	[tilespmem:s25], [sflag:$0x2] =	stream.indirect_vreg.gather [hbm4b:s7+s2], $0x80, v3, vm0, $0xb8;
	[tilespmem:$0x19000] =	vst v63  }
0x2d9: {  	_ =	swait.ge [sflag:s23], $0x8000  }
0x2da: {  	[sflag:s23] =	ssyncset.done $0x0  }
0x2db: {  	s28 =	simm.s32 $0x11000;
	s26 =	rddreg [dreg:$0xe];
	[sflag:s23] =	ssyncadd.s32 $0xFFFF8000  }
0x2dc: {  	[hbm4b:s26+s2] =	stream.linear.scatter [tilespmem:s28], [sflag:$0x6], $0x8000, $0x38;
	[tilespmem:$0x19000] =	vst v63  }
0x2dd: {  	_ =	swait.ge [sflag:s24], $0x8000  }
0x2de: {  	[sflag:s24] =	ssyncset.done $0x0  }
0x2df: {  	[sflag:s24] =	ssyncadd.s32 $0xFFFF8000  }
0x2e0: {  	v3 =	vld [tilespmem:$0x700];
	_ =	sdelay $0x4  }
0x2e1: {  	v28 =	vshll.u32 v3, $0x3  }
0x2e2: {  	v3 =	vand.u32 $0x7, v3;
	v4 =	vand.u32 $0xFFFFFFC0, v28  }
0x2e3: {  	v3 =	vor.u32 v3, v4  }
0x2e4: {  	v4 =	vperm.xlane v3, v0;
	_ =	sdelay $0x1  }
0x2e5: {  	v4 =	vadd.s32 v1, v4;
	_ =	sdelay $0x4  }
0x2e6: {  	[tilespmem:s28], [sflag:$0x3] =	stream.indirect_vreg.gather [hbm4b:s4+s2], $0x80, v4, vm0, $0xb8;
	[tilespmem:$0x19000] =	vst v63  }
0x2e7: {  	s30 =	simm.s32 $0x11800;
	v3 =	vperm.xlane v3, v2  }
0x2e8: {  	[tilespmem:s30], [sflag:$0x3] =	stream.indirect_vreg.gather [hbm4b:s5+s2], $0x80, v4, vm0, $0xb8;
	[tilespmem:$0x19000] =	vst v63  }
0x2e9: {  	s1 =	simm.s32 $0x12000;
	v3 =	vadd.s32 v1, v3  }
0x2ea: {  	[tilespmem:s1], [sflag:$0x3] =	stream.indirect_vreg.gather [hbm4b:s6+s2], $0x80, v4, vm0, $0xb8;
	[tilespmem:$0x19000] =	vst v63  }
0x2eb: {  	s3 =	simm.s32 $0x12800  }
0x2ec: {  	[tilespmem:s3], [sflag:$0x3] =	stream.indirect_vreg.gather [hbm4b:s7+s2], $0x80, v4, vm0, $0xb8;
	[tilespmem:$0x19000] =	vst v63  }
0x2ed: {  	s8 =	simm.s32 $0x13000  }
0x2ee: {  	[tilespmem:s8], [sflag:$0x3] =	stream.indirect_vreg.gather [hbm4b:s4+s2], $0x80, v3, vm0, $0xb8;
	[tilespmem:$0x19000] =	vst v63  }
0x2ef: {  	s9 =	simm.s32 $0x13800  }
0x2f0: {  	[tilespmem:s9], [sflag:$0x3] =	stream.indirect_vreg.gather [hbm4b:s5+s2], $0x80, v3, vm0, $0xb8;
	[tilespmem:$0x19000] =	vst v63  }
0x2f1: {  	s10 =	simm.s32 $0x14000  }
0x2f2: {  	[tilespmem:s10], [sflag:$0x3] =	stream.indirect_vreg.gather [hbm4b:s6+s2], $0x80, v3, vm0, $0xb8;
	[tilespmem:$0x19000] =	vst v63  }
0x2f3: {  	s16 =	simm.s32 $0x14800  }
0x2f4: {  	[tilespmem:s16], [sflag:$0x3] =	stream.indirect_vreg.gather [hbm4b:s7+s2], $0x80, v3, vm0, $0xb8;
	[tilespmem:$0x19000] =	vst v63  }
0x2f5: {  	v3 =	vld [tilespmem:$0x710];
	_ =	sdelay $0x4  }
0x2f6: {  	v29 =	vshll.u32 v3, $0x3  }
0x2f7: {  	v3 =	vand.u32 $0x7, v3;
	v4 =	vand.u32 $0xFFFFFFC0, v29  }
0x2f8: {  	v3 =	vor.u32 v3, v4  }
0x2f9: {  	v4 =	vperm.xlane v3, v0;
	_ =	sdelay $0x1  }
0x2fa: {  	v4 =	vadd.s32 v1, v4;
	_ =	sdelay $0x3  }
0x2fb: {  	s17 =	simm.s32 $0x15000  }
0x2fc: {  	[tilespmem:s17], [sflag:$0x3] =	stream.indirect_vreg.gather [hbm4b:s4+s2], $0x80, v4, vm0, $0xb8;
	[tilespmem:$0x19000] =	vst v63  }
0x2fd: {  	s18 =	simm.s32 $0x15800;
	v3 =	vperm.xlane v3, v2  }
0x2fe: {  	[tilespmem:s18], [sflag:$0x3] =	stream.indirect_vreg.gather [hbm4b:s5+s2], $0x80, v4, vm0, $0xb8;
	[tilespmem:$0x19000] =	vst v63  }
0x2ff: {  	s11 =	simm.s32 $0x16000;
	v3 =	vadd.s32 v1, v3  }
0x300: {  	[tilespmem:s11], [sflag:$0x3] =	stream.indirect_vreg.gather [hbm4b:s6+s2], $0x80, v4, vm0, $0xb8;
	[tilespmem:$0x19000] =	vst v63  }
0x301: {  	s12 =	simm.s32 $0x16800  }
0x302: {  	[tilespmem:s12], [sflag:$0x3] =	stream.indirect_vreg.gather [hbm4b:s7+s2], $0x80, v4, vm0, $0xb8;
	[tilespmem:$0x19000] =	vst v63  }
0x303: {  	s13 =	simm.s32 $0x17000  }
0x304: {  	[tilespmem:s13], [sflag:$0x3] =	stream.indirect_vreg.gather [hbm4b:s4+s2], $0x80, v3, vm0, $0xb8;
	[tilespmem:$0x19000] =	vst v63  }
0x305: {  	s14 =	simm.s32 $0x17800  }
0x306: {  	[tilespmem:s14], [sflag:$0x3] =	stream.indirect_vreg.gather [hbm4b:s5+s2], $0x80, v3, vm0, $0xb8;
	[tilespmem:$0x19000] =	vst v63  }
0x307: {  	s15 =	simm.s32 $0x18000  }
0x308: {  	[tilespmem:s15], [sflag:$0x3] =	stream.indirect_vreg.gather [hbm4b:s6+s2], $0x80, v3, vm0, $0xb8;
	[tilespmem:$0x19000] =	vst v63  }
0x309: {  	s26 =	simm.s32 $0x18800  }
0x30a: {  	[tilespmem:s26], [sflag:$0x3] =	stream.indirect_vreg.gather [hbm4b:s7+s2], $0x80, v3, vm0, $0xb8;
	[tilespmem:$0x19000] =	vst v63  }
0x30b: {  	_ =	swait.ge [sflag:s19], $0x8000  }
0x30c: {  	[sflag:s19] =	ssyncset.done $0x0  }
0x30d: {  	s30 =	simm.s32 $0x1000;
	s31 =	rddreg [dreg:$0xf];
	[sflag:s19] =	ssyncadd.s32 $0xFFFF8000  }
0x30e: {  	[hbm4b:s31+s2] =	stream.linear.scatter [tilespmem:s30], [sflag:$0x4], $0x8000, $0x38;
	[tilespmem:$0x19000] =	vst v63  }
0x30f: {  	_ =	swait.ge [sflag:s20], $0x8000  }
0x310: {  	[sflag:s20] =	ssyncset.done $0x0  }
0x311: {  	[sflag:s20] =	ssyncadd.s32 $0xFFFF8000  }
0x312: {  	v3 =	vld [tilespmem:$0x780];
	_ =	sdelay $0x4  }
0x313: {  	v30 =	vshll.u32 v3, $0x3  }
0x314: {  	v3 =	vand.u32 $0x7, v3;
	v4 =	vand.u32 $0xFFFFFFC0, v30  }
0x315: {  	v3 =	vor.u32 v3, v4  }
0x316: {  	v4 =	vperm.xlane v3, v0;
	_ =	sdelay $0x1  }
0x317: {  	v4 =	vadd.s32 v1, v4;
	_ =	sdelay $0x4  }
0x318: {  	[tilespmem:s30], [sflag:$0x1] =	stream.indirect_vreg.gather [hbm4b:s4+s2], $0x80, v4, vm0, $0xb8;
	[tilespmem:$0x19000] =	vst v63  }
0x319: {  	s31 =	simm.s32 $0x1800;
	v3 =	vperm.xlane v3, v2  }
0x31a: {  	[tilespmem:s31], [sflag:$0x1] =	stream.indirect_vreg.gather [hbm4b:s5+s2], $0x80, v4, vm0, $0xb8;
	[tilespmem:$0x19000] =	vst v63  }
0x31b: {  	s28 =	simm.s32 $0x2000;
	v3 =	vadd.s32 v1, v3  }
0x31c: {  	[tilespmem:s28], [sflag:$0x1] =	stream.indirect_vreg.gather [hbm4b:s6+s2], $0x80, v4, vm0, $0xb8;
	[tilespmem:$0x19000] =	vst v63  }
0x31d: {  	s30 =	simm.s32 $0x2800  }
0x31e: {  	[tilespmem:s30], [sflag:$0x1] =	stream.indirect_vreg.gather [hbm4b:s7+s2], $0x80, v4, vm0, $0xb8;
	[tilespmem:$0x19000] =	vst v63  }
0x31f: {  	s31 =	simm.s32 $0x3000  }
0x320: {  	[tilespmem:s31], [sflag:$0x1] =	stream.indirect_vreg.gather [hbm4b:s4+s2], $0x80, v3, vm0, $0xb8;
	[tilespmem:$0x19000] =	vst v63  }
0x321: {  	s28 =	simm.s32 $0x3800  }
0x322: {  	[tilespmem:s28], [sflag:$0x1] =	stream.indirect_vreg.gather [hbm4b:s5+s2], $0x80, v3, vm0, $0xb8;
	[tilespmem:$0x19000] =	vst v63  }
0x323: {  	s28 =	simm.s32 $0x4000  }
0x324: {  	[tilespmem:s28], [sflag:$0x1] =	stream.indirect_vreg.gather [hbm4b:s6+s2], $0x80, v3, vm0, $0xb8;
	[tilespmem:$0x19000] =	vst v63  }
0x325: {  	s30 =	simm.s32 $0x4800  }
0x326: {  	[tilespmem:s30], [sflag:$0x1] =	stream.indirect_vreg.gather [hbm4b:s7+s2], $0x80, v3, vm0, $0xb8;
	[tilespmem:$0x19000] =	vst v63  }
0x327: {  	v3 =	vld [tilespmem:$0x790];
	_ =	sdelay $0x4  }
0x328: {  	v31 =	vshll.u32 v3, $0x3  }
0x329: {  	v3 =	vand.u32 $0x7, v3;
	v4 =	vand.u32 $0xFFFFFFC0, v31  }
0x32a: {  	v3 =	vor.u32 v3, v4  }
0x32b: {  	v4 =	vperm.xlane v3, v0;
	_ =	sdelay $0x1  }
0x32c: {  	v4 =	vadd.s32 v1, v4;
	_ =	sdelay $0x3  }
0x32d: {  	s31 =	simm.s32 $0x5000  }
0x32e: {  	[tilespmem:s31], [sflag:$0x1] =	stream.indirect_vreg.gather [hbm4b:s4+s2], $0x80, v4, vm0, $0xb8;
	[tilespmem:$0x19000] =	vst v63  }
0x32f: {  	s30 =	simm.s32 $0x5800;
	v3 =	vperm.xlane v3, v2  }
0x330: {  	[tilespmem:s30], [sflag:$0x1] =	stream.indirect_vreg.gather [hbm4b:s5+s2], $0x80, v4, vm0, $0xb8;
	[tilespmem:$0x19000] =	vst v63  }
0x331: {  	v3 =	vadd.s32 v1, v3;
	s31 =	simm.s32 $0x6000  }
0x332: {  	[tilespmem:s31], [sflag:$0x1] =	stream.indirect_vreg.gather [hbm4b:s6+s2], $0x80, v4, vm0, $0xb8;
	[tilespmem:$0x19000] =	vst v63  }
0x333: {  	s30 =	simm.s32 $0x6800  }
0x334: {  	[tilespmem:s30], [sflag:$0x1] =	stream.indirect_vreg.gather [hbm4b:s7+s2], $0x80, v4, vm0, $0xb8;
	[tilespmem:$0x19000] =	vst v63  }
0x335: {  	s31 =	simm.s32 $0x7000  }
0x336: {  	[tilespmem:s31], [sflag:$0x1] =	stream.indirect_vreg.gather [hbm4b:s4+s2], $0x80, v3, vm0, $0xb8;
	[tilespmem:$0x19000] =	vst v63  }
0x337: {  	s30 =	simm.s32 $0x7800  }
0x338: {  	[tilespmem:s30], [sflag:$0x1] =	stream.indirect_vreg.gather [hbm4b:s5+s2], $0x80, v3, vm0, $0xb8;
	[tilespmem:$0x19000] =	vst v63  }
0x339: {  	s31 =	simm.s32 $0x8000  }
0x33a: {  	[tilespmem:s31], [sflag:$0x1] =	stream.indirect_vreg.gather [hbm4b:s6+s2], $0x80, v3, vm0, $0xb8;
	[tilespmem:$0x19000] =	vst v63  }
0x33b: {  	s30 =	simm.s32 $0x8800  }
0x33c: {  	[tilespmem:s30], [sflag:$0x1] =	stream.indirect_vreg.gather [hbm4b:s7+s2], $0x80, v3, vm0, $0xb8;
	[tilespmem:$0x19000] =	vst v63  }
0x33d: {  	_ =	swait.ge [sflag:s21], $0x8000  }
0x33e: {  	[sflag:s21] =	ssyncset.done $0x0  }
0x33f: {  	s31 =	simm.s32 $0x9000;
	s25 =	rddreg [dreg:$0x10];
	[sflag:s21] =	ssyncadd.s32 $0xFFFF8000  }
0x340: {  	[hbm4b:s25+s2] =	stream.linear.scatter [tilespmem:s31], [sflag:$0x5], $0x8000, $0x38;
	[tilespmem:$0x19000] =	vst v63  }
0x341: {  	_ =	swait.ge [sflag:s22], $0x8000  }
0x342: {  	[sflag:s22] =	ssyncset.done $0x0  }
0x343: {  	[sflag:s22] =	ssyncadd.s32 $0xFFFF8000  }
0x344: {  	v3 =	vld [tilespmem:$0x800];
	_ =	sdelay $0x4  }
0x345: {  	v32 =	vshll.u32 v3, $0x3  }
0x346: {  	v3 =	vand.u32 $0x7, v3;
	v4 =	vand.u32 $0xFFFFFFC0, v32  }
0x347: {  	v3 =	vor.u32 v3, v4  }
0x348: {  	v4 =	vperm.xlane v3, v0;
	_ =	sdelay $0x1  }
0x349: {  	v4 =	vadd.s32 v1, v4;
	_ =	sdelay $0x4  }
0x34a: {  	[tilespmem:s31], [sflag:$0x2] =	stream.indirect_vreg.gather [hbm4b:s4+s2], $0x80, v4, vm0, $0xb8;
	[tilespmem:$0x19000] =	vst v63  }
0x34b: {  	v3 =	vperm.xlane v3, v2;
	s31 =	simm.s32 $0x9800  }
0x34c: {  	[tilespmem:s31], [sflag:$0x2] =	stream.indirect_vreg.gather [hbm4b:s5+s2], $0x80, v4, vm0, $0xb8;
	[tilespmem:$0x19000] =	vst v63  }
0x34d: {  	s30 =	simm.s32 $0xA000;
	v3 =	vadd.s32 v1, v3  }
0x34e: {  	[tilespmem:s30], [sflag:$0x2] =	stream.indirect_vreg.gather [hbm4b:s6+s2], $0x80, v4, vm0, $0xb8;
	[tilespmem:$0x19000] =	vst v63  }
0x34f: {  	s31 =	simm.s32 $0xA800  }
0x350: {  	[tilespmem:s31], [sflag:$0x2] =	stream.indirect_vreg.gather [hbm4b:s7+s2], $0x80, v4, vm0, $0xb8;
	[tilespmem:$0x19000] =	vst v63  }
0x351: {  	s25 =	simm.s32 $0xB000  }
0x352: {  	[tilespmem:s25], [sflag:$0x2] =	stream.indirect_vreg.gather [hbm4b:s4+s2], $0x80, v3, vm0, $0xb8;
	[tilespmem:$0x19000] =	vst v63  }
0x353: {  	s25 =	simm.s32 $0xB800  }
0x354: {  	[tilespmem:s25], [sflag:$0x2] =	stream.indirect_vreg.gather [hbm4b:s5+s2], $0x80, v3, vm0, $0xb8;
	[tilespmem:$0x19000] =	vst v63  }
0x355: {  	s25 =	simm.s32 $0xC000  }
0x356: {  	[tilespmem:s25], [sflag:$0x2] =	stream.indirect_vreg.gather [hbm4b:s6+s2], $0x80, v3, vm0, $0xb8;
	[tilespmem:$0x19000] =	vst v63  }
0x357: {  	_ = 	snop  }
0x358: {  	[tilespmem:s0], [sflag:$0x2] =	stream.indirect_vreg.gather [hbm4b:s7+s2], $0x80, v3, vm0, $0xb8;
	[tilespmem:$0x19000] =	vst v63  }
0x359: {  	v3 =	vld [tilespmem:$0x810];
	_ =	sdelay $0x4  }
0x35a: {  	v33 =	vshll.u32 v3, $0x3  }
0x35b: {  	v3 =	vand.u32 $0x7, v3;
	v4 =	vand.u32 $0xFFFFFFC0, v33  }
0x35c: {  	v3 =	vor.u32 v3, v4  }
0x35d: {  	v4 =	vperm.xlane v3, v0;
	_ =	sdelay $0x1  }
0x35e: {  	v4 =	vadd.s32 v1, v4;
	_ =	sdelay $0x4  }
0x35f: {  	[tilespmem:s29], [sflag:$0x2] =	stream.indirect_vreg.gather [hbm4b:s4+s2], $0x80, v4, vm0, $0xb8;
	[tilespmem:$0x19000] =	vst v63  }
0x360: {  	v3 =	vperm.xlane v3, v2;
	s29 =	simm.s32 $0xD800  }
0x361: {  	[tilespmem:s29], [sflag:$0x2] =	stream.indirect_vreg.gather [hbm4b:s5+s2], $0x80, v4, vm0, $0xb8;
	[tilespmem:$0x19000] =	vst v63  }
0x362: {  	v3 =	vadd.s32 v1, v3;
	s29 =	simm.s32 $0xE000  }
0x363: {  	[tilespmem:s29], [sflag:$0x2] =	stream.indirect_vreg.gather [hbm4b:s6+s2], $0x80, v4, vm0, $0xb8;
	[tilespmem:$0x19000] =	vst v63  }
0x364: {  	s25 =	simm.s32 $0xE800  }
0x365: {  	[tilespmem:s25], [sflag:$0x2] =	stream.indirect_vreg.gather [hbm4b:s7+s2], $0x80, v4, vm0, $0xb8;
	[tilespmem:$0x19000] =	vst v63  }
0x366: {  	s25 =	simm.s32 $0xF000  }
0x367: {  	[tilespmem:s25], [sflag:$0x2] =	stream.indirect_vreg.gather [hbm4b:s4+s2], $0x80, v3, vm0, $0xb8;
	[tilespmem:$0x19000] =	vst v63  }
0x368: {  	s25 =	simm.s32 $0xF800  }
0x369: {  	[tilespmem:s25], [sflag:$0x2] =	stream.indirect_vreg.gather [hbm4b:s5+s2], $0x80, v3, vm0, $0xb8;
	[tilespmem:$0x19000] =	vst v63  }
0x36a: {  	s25 =	simm.s32 $0x10000  }
0x36b: {  	[tilespmem:s25], [sflag:$0x2] =	stream.indirect_vreg.gather [hbm4b:s6+s2], $0x80, v3, vm0, $0xb8;
	[tilespmem:$0x19000] =	vst v63  }
0x36c: {  	s25 =	simm.s32 $0x10800  }
0x36d: {  	[tilespmem:s25], [sflag:$0x2] =	stream.indirect_vreg.gather [hbm4b:s7+s2], $0x80, v3, vm0, $0xb8;
	[tilespmem:$0x19000] =	vst v63  }
0x36e: {  	_ =	swait.ge [sflag:s23], $0x8000  }
0x36f: {  	[sflag:s23] =	ssyncset.done $0x0  }
0x370: {  	s0 =	simm.s32 $0x11000;
	s25 =	rddreg [dreg:$0x11];
	[sflag:s23] =	ssyncadd.s32 $0xFFFF8000  }
0x371: {  	[hbm4b:s25+s2] =	stream.linear.scatter [tilespmem:s0], [sflag:$0x6], $0x8000, $0x38;
	[tilespmem:$0x19000] =	vst v63  }
0x372: {  	_ =	swait.ge [sflag:s24], $0x8000  }
0x373: {  	[sflag:s24] =	ssyncset.done $0x0  }
0x374: {  	[sflag:s24] =	ssyncadd.s32 $0xFFFF8000  }
0x375: {  	v3 =	vld [tilespmem:$0x880];
	_ =	sdelay $0x4  }
0x376: {  	v34 =	vshll.u32 v3, $0x3  }
0x377: {  	v3 =	vand.u32 $0x7, v3;
	v4 =	vand.u32 $0xFFFFFFC0, v34  }
0x378: {  	v3 =	vor.u32 v3, v4  }
0x379: {  	v4 =	vperm.xlane v3, v0;
	_ =	sdelay $0x1  }
0x37a: {  	v4 =	vadd.s32 v1, v4;
	_ =	sdelay $0x4  }
0x37b: {  	[tilespmem:s0], [sflag:$0x3] =	stream.indirect_vreg.gather [hbm4b:s4+s2], $0x80, v4, vm0, $0xb8;
	[tilespmem:$0x19000] =	vst v63  }
0x37c: {  	s25 =	simm.s32 $0x11800;
	v3 =	vperm.xlane v3, v2  }
0x37d: {  	[tilespmem:s25], [sflag:$0x3] =	stream.indirect_vreg.gather [hbm4b:s5+s2], $0x80, v4, vm0, $0xb8;
	[tilespmem:$0x19000] =	vst v63  }
0x37e: {  	v3 =	vadd.s32 v1, v3  }
0x37f: {  	[tilespmem:s1], [sflag:$0x3] =	stream.indirect_vreg.gather [hbm4b:s6+s2], $0x80, v4, vm0, $0xb8;
	[tilespmem:$0x19000] =	vst v63  }
0x380: {  	_ = 	snop  }
0x381: {  	[tilespmem:s3], [sflag:$0x3] =	stream.indirect_vreg.gather [hbm4b:s7+s2], $0x80, v4, vm0, $0xb8;
	[tilespmem:$0x19000] =	vst v63  }
0x382: {  	_ = 	snop  }
0x383: {  	[tilespmem:s8], [sflag:$0x3] =	stream.indirect_vreg.gather [hbm4b:s4+s2], $0x80, v3, vm0, $0xb8;
	[tilespmem:$0x19000] =	vst v63  }
0x384: {  	_ = 	snop  }
0x385: {  	[tilespmem:s9], [sflag:$0x3] =	stream.indirect_vreg.gather [hbm4b:s5+s2], $0x80, v3, vm0, $0xb8;
	[tilespmem:$0x19000] =	vst v63  }
0x386: {  	_ = 	snop  }
0x387: {  	[tilespmem:s10], [sflag:$0x3] =	stream.indirect_vreg.gather [hbm4b:s6+s2], $0x80, v3, vm0, $0xb8;
	[tilespmem:$0x19000] =	vst v63  }
0x388: {  	_ = 	snop  }
0x389: {  	[tilespmem:s16], [sflag:$0x3] =	stream.indirect_vreg.gather [hbm4b:s7+s2], $0x80, v3, vm0, $0xb8;
	[tilespmem:$0x19000] =	vst v63  }
0x38a: {  	v3 =	vld [tilespmem:$0x890];
	_ =	sdelay $0x4  }
0x38b: {  	v35 =	vshll.u32 v3, $0x3  }
0x38c: {  	v3 =	vand.u32 $0x7, v3;
	v4 =	vand.u32 $0xFFFFFFC0, v35  }
0x38d: {  	v3 =	vor.u32 v3, v4  }
0x38e: {  	v4 =	vperm.xlane v3, v0;
	_ =	sdelay $0x1  }
0x38f: {  	v4 =	vadd.s32 v1, v4;
	_ =	sdelay $0x4  }
0x390: {  	[tilespmem:s17], [sflag:$0x3] =	stream.indirect_vreg.gather [hbm4b:s4+s2], $0x80, v4, vm0, $0xb8;
	[tilespmem:$0x19000] =	vst v63  }
0x391: {  	v3 =	vperm.xlane v3, v2  }
0x392: {  	[tilespmem:s18], [sflag:$0x3] =	stream.indirect_vreg.gather [hbm4b:s5+s2], $0x80, v4, vm0, $0xb8;
	[tilespmem:$0x19000] =	vst v63  }
0x393: {  	v3 =	vadd.s32 v1, v3  }
0x394: {  	[tilespmem:s11], [sflag:$0x3] =	stream.indirect_vreg.gather [hbm4b:s6+s2], $0x80, v4, vm0, $0xb8;
	[tilespmem:$0x19000] =	vst v63  }
0x395: {  	_ = 	snop  }
0x396: {  	[tilespmem:s12], [sflag:$0x3] =	stream.indirect_vreg.gather [hbm4b:s7+s2], $0x80, v4, vm0, $0xb8;
	[tilespmem:$0x19000] =	vst v63  }
0x397: {  	_ = 	snop  }
0x398: {  	[tilespmem:s13], [sflag:$0x3] =	stream.indirect_vreg.gather [hbm4b:s4+s2], $0x80, v3, vm0, $0xb8;
	[tilespmem:$0x19000] =	vst v63  }
0x399: {  	_ = 	snop  }
0x39a: {  	[tilespmem:s14], [sflag:$0x3] =	stream.indirect_vreg.gather [hbm4b:s5+s2], $0x80, v3, vm0, $0xb8;
	[tilespmem:$0x19000] =	vst v63  }
0x39b: {  	_ = 	snop  }
0x39c: {  	[tilespmem:s15], [sflag:$0x3] =	stream.indirect_vreg.gather [hbm4b:s6+s2], $0x80, v3, vm0, $0xb8;
	[tilespmem:$0x19000] =	vst v63  }
0x39d: {  	_ = 	snop  }
0x39e: {  	[tilespmem:s26], [sflag:$0x3] =	stream.indirect_vreg.gather [hbm4b:s7+s2], $0x80, v3, vm0, $0xb8;
	[tilespmem:$0x19000] =	vst v63  }
0x39f: {  	_ =	swait.ge [sflag:s19], $0x8000  }
0x3a0: {  	[sflag:s19] =	ssyncset.done $0x0  }
0x3a1: {  	s18 =	simm.s32 $0x1000;
	s17 =	rddreg [dreg:$0x12];
	[sflag:s19] =	ssyncadd.s32 $0xFFFF8000  }
0x3a2: {  	[hbm4b:s17+s2] =	stream.linear.scatter [tilespmem:s18], [sflag:$0x4], $0x8000, $0x38;
	[tilespmem:$0x19000] =	vst v63  }
0x3a3: {  	_ =	swait.ge [sflag:s20], $0x8000  }
0x3a4: {  	[sflag:s20] =	ssyncset.done $0x0  }
0x3a5: {  	[sflag:s20] =	ssyncadd.s32 $0xFFFF8000  }
0x3a6: {  	v3 =	vld [tilespmem:$0x900];
	_ =	sdelay $0x4  }
0x3a7: {  	v36 =	vshll.u32 v3, $0x3  }
0x3a8: {  	v3 =	vand.u32 $0x7, v3;
	v4 =	vand.u32 $0xFFFFFFC0, v36  }
0x3a9: {  	v3 =	vor.u32 v3, v4  }
0x3aa: {  	v4 =	vperm.xlane v3, v0;
	_ =	sdelay $0x1  }
0x3ab: {  	v4 =	vadd.s32 v1, v4;
	_ =	sdelay $0x4  }
0x3ac: {  	[tilespmem:s18], [sflag:$0x1] =	stream.indirect_vreg.gather [hbm4b:s4+s2], $0x80, v4, vm0, $0xb8;
	[tilespmem:$0x19000] =	vst v63  }
0x3ad: {  	s15 =	simm.s32 $0x1800;
	v3 =	vperm.xlane v3, v2  }
0x3ae: {  	[tilespmem:s15], [sflag:$0x1] =	stream.indirect_vreg.gather [hbm4b:s5+s2], $0x80, v4, vm0, $0xb8;
	[tilespmem:$0x19000] =	vst v63  }
0x3af: {  	s14 =	simm.s32 $0x2000;
	v3 =	vadd.s32 v1, v3  }
0x3b0: {  	[tilespmem:s14], [sflag:$0x1] =	stream.indirect_vreg.gather [hbm4b:s6+s2], $0x80, v4, vm0, $0xb8;
	[tilespmem:$0x19000] =	vst v63  }
0x3b1: {  	s8 =	simm.s32 $0x2800  }
0x3b2: {  	[tilespmem:s8], [sflag:$0x1] =	stream.indirect_vreg.gather [hbm4b:s7+s2], $0x80, v4, vm0, $0xb8;
	[tilespmem:$0x19000] =	vst v63  }
0x3b3: {  	s1 =	simm.s32 $0x3000  }
0x3b4: {  	[tilespmem:s1], [sflag:$0x1] =	stream.indirect_vreg.gather [hbm4b:s4+s2], $0x80, v3, vm0, $0xb8;
	[tilespmem:$0x19000] =	vst v63  }
0x3b5: {  	s3 =	simm.s32 $0x3800  }
0x3b6: {  	[tilespmem:s3], [sflag:$0x1] =	stream.indirect_vreg.gather [hbm4b:s5+s2], $0x80, v3, vm0, $0xb8;
	[tilespmem:$0x19000] =	vst v63  }
0x3b7: {  	_ = 	snop  }
0x3b8: {  	[tilespmem:s28], [sflag:$0x1] =	stream.indirect_vreg.gather [hbm4b:s6+s2], $0x80, v3, vm0, $0xb8;
	[tilespmem:$0x19000] =	vst v63  }
0x3b9: {  	s16 =	simm.s32 $0x4800  }
0x3ba: {  	[tilespmem:s16], [sflag:$0x1] =	stream.indirect_vreg.gather [hbm4b:s7+s2], $0x80, v3, vm0, $0xb8;
	[tilespmem:$0x19000] =	vst v63  }
0x3bb: {  	v3 =	vld [tilespmem:$0x910];
	_ =	sdelay $0x4  }
0x3bc: {  	v37 =	vshll.u32 v3, $0x3  }
0x3bd: {  	v3 =	vand.u32 $0x7, v3;
	v4 =	vand.u32 $0xFFFFFFC0, v37  }
0x3be: {  	v3 =	vor.u32 v3, v4  }
0x3bf: {  	v4 =	vperm.xlane v3, v0;
	_ =	sdelay $0x1  }
0x3c0: {  	v4 =	vadd.s32 v1, v4;
	_ =	sdelay $0x3  }
0x3c1: {  	s17 =	simm.s32 $0x5000  }
0x3c2: {  	[tilespmem:s17], [sflag:$0x1] =	stream.indirect_vreg.gather [hbm4b:s4+s2], $0x80, v4, vm0, $0xb8;
	[tilespmem:$0x19000] =	vst v63  }
0x3c3: {  	s18 =	simm.s32 $0x5800;
	v3 =	vperm.xlane v3, v2  }
0x3c4: {  	[tilespmem:s18], [sflag:$0x1] =	stream.indirect_vreg.gather [hbm4b:s5+s2], $0x80, v4, vm0, $0xb8;
	[tilespmem:$0x19000] =	vst v63  }
0x3c5: {  	s25 =	simm.s32 $0x6000;
	v3 =	vadd.s32 v1, v3  }
0x3c6: {  	[tilespmem:s25], [sflag:$0x1] =	stream.indirect_vreg.gather [hbm4b:s6+s2], $0x80, v4, vm0, $0xb8;
	[tilespmem:$0x19000] =	vst v63  }
0x3c7: {  	s9 =	simm.s32 $0x6800  }
0x3c8: {  	[tilespmem:s9], [sflag:$0x1] =	stream.indirect_vreg.gather [hbm4b:s7+s2], $0x80, v4, vm0, $0xb8;
	[tilespmem:$0x19000] =	vst v63  }
0x3c9: {  	s10 =	simm.s32 $0x7000  }
0x3ca: {  	[tilespmem:s10], [sflag:$0x1] =	stream.indirect_vreg.gather [hbm4b:s4+s2], $0x80, v3, vm0, $0xb8;
	[tilespmem:$0x19000] =	vst v63  }
0x3cb: {  	s11 =	simm.s32 $0x7800  }
0x3cc: {  	[tilespmem:s11], [sflag:$0x1] =	stream.indirect_vreg.gather [hbm4b:s5+s2], $0x80, v3, vm0, $0xb8;
	[tilespmem:$0x19000] =	vst v63  }
0x3cd: {  	s12 =	simm.s32 $0x8000  }
0x3ce: {  	[tilespmem:s12], [sflag:$0x1] =	stream.indirect_vreg.gather [hbm4b:s6+s2], $0x80, v3, vm0, $0xb8;
	[tilespmem:$0x19000] =	vst v63  }
0x3cf: {  	s13 =	simm.s32 $0x8800  }
0x3d0: {  	[tilespmem:s13], [sflag:$0x1] =	stream.indirect_vreg.gather [hbm4b:s7+s2], $0x80, v3, vm0, $0xb8;
	[tilespmem:$0x19000] =	vst v63  }
0x3d1: {  	_ =	swait.ge [sflag:s21], $0x8000  }
0x3d2: {  	[sflag:s21] =	ssyncset.done $0x0  }
0x3d3: {  	s28 =	simm.s32 $0x9000;
	s26 =	rddreg [dreg:$0x13];
	[sflag:s21] =	ssyncadd.s32 $0xFFFF8000  }
0x3d4: {  	[hbm4b:s26+s2] =	stream.linear.scatter [tilespmem:s28], [sflag:$0x5], $0x8000, $0x38;
	[tilespmem:$0x19000] =	vst v63  }
0x3d5: {  	_ =	swait.ge [sflag:s22], $0x8000  }
0x3d6: {  	[sflag:s22] =	ssyncset.done $0x0  }
0x3d7: {  	[sflag:s22] =	ssyncadd.s32 $0xFFFF8000  }
0x3d8: {  	v3 =	vld [tilespmem:$0x980];
	_ =	sdelay $0x4  }
0x3d9: {  	v38 =	vshll.u32 v3, $0x3  }
0x3da: {  	v3 =	vand.u32 $0x7, v3;
	v4 =	vand.u32 $0xFFFFFFC0, v38  }
0x3db: {  	v3 =	vor.u32 v3, v4  }
0x3dc: {  	v4 =	vperm.xlane v3, v0;
	_ =	sdelay $0x1  }
0x3dd: {  	v4 =	vadd.s32 v1, v4;
	_ =	sdelay $0x4  }
0x3de: {  	[tilespmem:s28], [sflag:$0x2] =	stream.indirect_vreg.gather [hbm4b:s4+s2], $0x80, v4, vm0, $0xb8;
	[tilespmem:$0x19000] =	vst v63  }
0x3df: {  	v3 =	vperm.xlane v3, v2;
	s28 =	simm.s32 $0x9800  }
0x3e0: {  	[tilespmem:s28], [sflag:$0x2] =	stream.indirect_vreg.gather [hbm4b:s5+s2], $0x80, v4, vm0, $0xb8;
	[tilespmem:$0x19000] =	vst v63  }
0x3e1: {  	v3 =	vadd.s32 v1, v3  }
0x3e2: {  	[tilespmem:s30], [sflag:$0x2] =	stream.indirect_vreg.gather [hbm4b:s6+s2], $0x80, v4, vm0, $0xb8;
	[tilespmem:$0x19000] =	vst v63  }
0x3e3: {  	_ = 	snop  }
0x3e4: {  	[tilespmem:s31], [sflag:$0x2] =	stream.indirect_vreg.gather [hbm4b:s7+s2], $0x80, v4, vm0, $0xb8;
	[tilespmem:$0x19000] =	vst v63  }
0x3e5: {  	s30 =	simm.s32 $0xB000  }
0x3e6: {  	[tilespmem:s30], [sflag:$0x2] =	stream.indirect_vreg.gather [hbm4b:s4+s2], $0x80, v3, vm0, $0xb8;
	[tilespmem:$0x19000] =	vst v63  }
0x3e7: {  	s31 =	simm.s32 $0xB800  }
0x3e8: {  	[tilespmem:s31], [sflag:$0x2] =	stream.indirect_vreg.gather [hbm4b:s5+s2], $0x80, v3, vm0, $0xb8;
	[tilespmem:$0x19000] =	vst v63  }
0x3e9: {  	s25 =	simm.s32 $0xC000  }
0x3ea: {  	[tilespmem:s25], [sflag:$0x2] =	stream.indirect_vreg.gather [hbm4b:s6+s2], $0x80, v3, vm0, $0xb8;
	[tilespmem:$0x19000] =	vst v63  }
0x3eb: {  	s0 =	simm.s32 $0xC800  }
0x3ec: {  	[tilespmem:s0], [sflag:$0x2] =	stream.indirect_vreg.gather [hbm4b:s7+s2], $0x80, v3, vm0, $0xb8;
	[tilespmem:$0x19000] =	vst v63  }
0x3ed: {  	v3 =	vld [tilespmem:$0x990];
	_ =	sdelay $0x4  }
0x3ee: {  	v39 =	vshll.u32 v3, $0x3  }
0x3ef: {  	v3 =	vand.u32 $0x7, v3;
	v4 =	vand.u32 $0xFFFFFFC0, v39  }
0x3f0: {  	v3 =	vor.u32 v3, v4  }
0x3f1: {  	v4 =	vperm.xlane v3, v0;
	_ =	sdelay $0x1  }
0x3f2: {  	v4 =	vadd.s32 v1, v4;
	_ =	sdelay $0x3  }
0x3f3: {  	s30 =	simm.s32 $0xD000  }
0x3f4: {  	[tilespmem:s30], [sflag:$0x2] =	stream.indirect_vreg.gather [hbm4b:s4+s2], $0x80, v4, vm0, $0xb8;
	[tilespmem:$0x19000] =	vst v63  }
0x3f5: {  	s26 =	simm.s32 $0xD800;
	v3 =	vperm.xlane v3, v2  }
0x3f6: {  	[tilespmem:s26], [sflag:$0x2] =	stream.indirect_vreg.gather [hbm4b:s5+s2], $0x80, v4, vm0, $0xb8;
	[tilespmem:$0x19000] =	vst v63  }
0x3f7: {  	v3 =	vadd.s32 v1, v3  }
0x3f8: {  	[tilespmem:s29], [sflag:$0x2] =	stream.indirect_vreg.gather [hbm4b:s6+s2], $0x80, v4, vm0, $0xb8;
	[tilespmem:$0x19000] =	vst v63  }
0x3f9: {  	s29 =	simm.s32 $0xE800  }
0x3fa: {  	[tilespmem:s29], [sflag:$0x2] =	stream.indirect_vreg.gather [hbm4b:s7+s2], $0x80, v4, vm0, $0xb8;
	[tilespmem:$0x19000] =	vst v63  }
0x3fb: {  	s31 =	simm.s32 $0xF000  }
0x3fc: {  	[tilespmem:s31], [sflag:$0x2] =	stream.indirect_vreg.gather [hbm4b:s4+s2], $0x80, v3, vm0, $0xb8;
	[tilespmem:$0x19000] =	vst v63  }
0x3fd: {  	s26 =	simm.s32 $0xF800  }
0x3fe: {  	[tilespmem:s26], [sflag:$0x2] =	stream.indirect_vreg.gather [hbm4b:s5+s2], $0x80, v3, vm0, $0xb8;
	[tilespmem:$0x19000] =	vst v63  }
0x3ff: {  	s29 =	simm.s32 $0x10000  }
0x400: {  	[tilespmem:s29], [sflag:$0x2] =	stream.indirect_vreg.gather [hbm4b:s6+s2], $0x80, v3, vm0, $0xb8;
	[tilespmem:$0x19000] =	vst v63  }
0x401: {  	s31 =	simm.s32 $0x10800  }
0x402: {  	[tilespmem:s31], [sflag:$0x2] =	stream.indirect_vreg.gather [hbm4b:s7+s2], $0x80, v3, vm0, $0xb8;
	[tilespmem:$0x19000] =	vst v63  }
0x403: {  	_ =	swait.ge [sflag:s23], $0x8000  }
0x404: {  	[sflag:s23] =	ssyncset.done $0x0  }
0x405: {  	s29 =	simm.s32 $0x11000;
	s26 =	rddreg [dreg:$0x14];
	[sflag:s23] =	ssyncadd.s32 $0xFFFF8000  }
0x406: {  	[hbm4b:s26+s2] =	stream.linear.scatter [tilespmem:s29], [sflag:$0x6], $0x8000, $0x38;
	[tilespmem:$0x19000] =	vst v63  }
0x407: {  	_ =	swait.ge [sflag:s24], $0x8000  }
0x408: {  	[sflag:s24] =	ssyncset.done $0x0  }
0x409: {  	[sflag:s24] =	ssyncadd.s32 $0xFFFF8000  }
0x40a: {  	v3 =	vld [tilespmem:$0xA00];
	_ =	sdelay $0x4  }
0x40b: {  	v40 =	vshll.u32 v3, $0x3  }
0x40c: {  	v3 =	vand.u32 $0x7, v3;
	v4 =	vand.u32 $0xFFFFFFC0, v40  }
0x40d: {  	v3 =	vor.u32 v3, v4  }
0x40e: {  	v4 =	vperm.xlane v3, v0;
	_ =	sdelay $0x1  }
0x40f: {  	v4 =	vadd.s32 v1, v4;
	_ =	sdelay $0x4  }
0x410: {  	[tilespmem:s29], [sflag:$0x3] =	stream.indirect_vreg.gather [hbm4b:s4+s2], $0x80, v4, vm0, $0xb8;
	[tilespmem:$0x19000] =	vst v63  }
0x411: {  	s26 =	simm.s32 $0x11800;
	v3 =	vperm.xlane v3, v2  }
0x412: {  	[tilespmem:s26], [sflag:$0x3] =	stream.indirect_vreg.gather [hbm4b:s5+s2], $0x80, v4, vm0, $0xb8;
	[tilespmem:$0x19000] =	vst v63  }
0x413: {  	s31 =	simm.s32 $0x12000;
	v3 =	vadd.s32 v1, v3  }
0x414: {  	[tilespmem:s31], [sflag:$0x3] =	stream.indirect_vreg.gather [hbm4b:s6+s2], $0x80, v4, vm0, $0xb8;
	[tilespmem:$0x19000] =	vst v63  }
0x415: {  	s29 =	simm.s32 $0x12800  }
0x416: {  	[tilespmem:s29], [sflag:$0x3] =	stream.indirect_vreg.gather [hbm4b:s7+s2], $0x80, v4, vm0, $0xb8;
	[tilespmem:$0x19000] =	vst v63  }
0x417: {  	s31 =	simm.s32 $0x13000  }
0x418: {  	[tilespmem:s31], [sflag:$0x3] =	stream.indirect_vreg.gather [hbm4b:s4+s2], $0x80, v3, vm0, $0xb8;
	[tilespmem:$0x19000] =	vst v63  }
0x419: {  	s29 =	simm.s32 $0x13800  }
0x41a: {  	[tilespmem:s29], [sflag:$0x3] =	stream.indirect_vreg.gather [hbm4b:s5+s2], $0x80, v3, vm0, $0xb8;
	[tilespmem:$0x19000] =	vst v63  }
0x41b: {  	s31 =	simm.s32 $0x14000  }
0x41c: {  	[tilespmem:s31], [sflag:$0x3] =	stream.indirect_vreg.gather [hbm4b:s6+s2], $0x80, v3, vm0, $0xb8;
	[tilespmem:$0x19000] =	vst v63  }
0x41d: {  	s29 =	simm.s32 $0x14800  }
0x41e: {  	[tilespmem:s29], [sflag:$0x3] =	stream.indirect_vreg.gather [hbm4b:s7+s2], $0x80, v3, vm0, $0xb8;
	[tilespmem:$0x19000] =	vst v63  }
0x41f: {  	v3 =	vld [tilespmem:$0xA10];
	_ =	sdelay $0x4  }
0x420: {  	v41 =	vshll.u32 v3, $0x3  }
0x421: {  	v3 =	vand.u32 $0x7, v3;
	v4 =	vand.u32 $0xFFFFFFC0, v41  }
0x422: {  	v3 =	vor.u32 v3, v4  }
0x423: {  	v4 =	vperm.xlane v3, v0;
	_ =	sdelay $0x1  }
0x424: {  	v4 =	vadd.s32 v1, v4;
	_ =	sdelay $0x3  }
0x425: {  	s31 =	simm.s32 $0x15000  }
0x426: {  	[tilespmem:s31], [sflag:$0x3] =	stream.indirect_vreg.gather [hbm4b:s4+s2], $0x80, v4, vm0, $0xb8;
	[tilespmem:$0x19000] =	vst v63  }
0x427: {  	s29 =	simm.s32 $0x15800;
	v3 =	vperm.xlane v3, v2  }
0x428: {  	[tilespmem:s29], [sflag:$0x3] =	stream.indirect_vreg.gather [hbm4b:s5+s2], $0x80, v4, vm0, $0xb8;
	[tilespmem:$0x19000] =	vst v63  }
0x429: {  	v3 =	vadd.s32 v1, v3;
	s31 =	simm.s32 $0x16000  }
0x42a: {  	[tilespmem:s31], [sflag:$0x3] =	stream.indirect_vreg.gather [hbm4b:s6+s2], $0x80, v4, vm0, $0xb8;
	[tilespmem:$0x19000] =	vst v63  }
0x42b: {  	s29 =	simm.s32 $0x16800  }
0x42c: {  	[tilespmem:s29], [sflag:$0x3] =	stream.indirect_vreg.gather [hbm4b:s7+s2], $0x80, v4, vm0, $0xb8;
	[tilespmem:$0x19000] =	vst v63  }
0x42d: {  	s31 =	simm.s32 $0x17000  }
0x42e: {  	[tilespmem:s31], [sflag:$0x3] =	stream.indirect_vreg.gather [hbm4b:s4+s2], $0x80, v3, vm0, $0xb8;
	[tilespmem:$0x19000] =	vst v63  }
0x42f: {  	s29 =	simm.s32 $0x17800  }
0x430: {  	[tilespmem:s29], [sflag:$0x3] =	stream.indirect_vreg.gather [hbm4b:s5+s2], $0x80, v3, vm0, $0xb8;
	[tilespmem:$0x19000] =	vst v63  }
0x431: {  	s31 =	simm.s32 $0x18000  }
0x432: {  	[tilespmem:s31], [sflag:$0x3] =	stream.indirect_vreg.gather [hbm4b:s6+s2], $0x80, v3, vm0, $0xb8;
	[tilespmem:$0x19000] =	vst v63  }
0x433: {  	s29 =	simm.s32 $0x18800  }
0x434: {  	[tilespmem:s29], [sflag:$0x3] =	stream.indirect_vreg.gather [hbm4b:s7+s2], $0x80, v3, vm0, $0xb8;
	[tilespmem:$0x19000] =	vst v63  }
0x435: {  	_ =	swait.ge [sflag:s19], $0x8000  }
0x436: {  	[sflag:s19] =	ssyncset.done $0x0  }
0x437: {  	s31 =	simm.s32 $0x1000;
	s25 =	rddreg [dreg:$0x15];
	[sflag:s19] =	ssyncadd.s32 $0xFFFF8000  }
0x438: {  	[hbm4b:s25+s2] =	stream.linear.scatter [tilespmem:s31], [sflag:$0x4], $0x8000, $0x38;
	[tilespmem:$0x19000] =	vst v63  }
0x439: {  	_ =	swait.ge [sflag:s20], $0x8000  }
0x43a: {  	[sflag:s20] =	ssyncset.done $0x0  }
0x43b: {  	[sflag:s20] =	ssyncadd.s32 $0xFFFF8000  }
0x43c: {  	v3 =	vld [tilespmem:$0xA80];
	_ =	sdelay $0x4  }
0x43d: {  	v42 =	vshll.u32 v3, $0x3  }
0x43e: {  	v3 =	vand.u32 $0x7, v3;
	v4 =	vand.u32 $0xFFFFFFC0, v42  }
0x43f: {  	v3 =	vor.u32 v3, v4  }
0x440: {  	v4 =	vperm.xlane v3, v0;
	_ =	sdelay $0x1  }
0x441: {  	v4 =	vadd.s32 v1, v4;
	_ =	sdelay $0x4  }
0x442: {  	[tilespmem:s31], [sflag:$0x1] =	stream.indirect_vreg.gather [hbm4b:s4+s2], $0x80, v4, vm0, $0xb8;
	[tilespmem:$0x19000] =	vst v63  }
0x443: {  	v3 =	vperm.xlane v3, v2  }
0x444: {  	[tilespmem:s15], [sflag:$0x1] =	stream.indirect_vreg.gather [hbm4b:s5+s2], $0x80, v4, vm0, $0xb8;
	[tilespmem:$0x19000] =	vst v63  }
0x445: {  	v3 =	vadd.s32 v1, v3  }
0x446: {  	[tilespmem:s14], [sflag:$0x1] =	stream.indirect_vreg.gather [hbm4b:s6+s2], $0x80, v4, vm0, $0xb8;
	[tilespmem:$0x19000] =	vst v63  }
0x447: {  	_ = 	snop  }
0x448: {  	[tilespmem:s8], [sflag:$0x1] =	stream.indirect_vreg.gather [hbm4b:s7+s2], $0x80, v4, vm0, $0xb8;
	[tilespmem:$0x19000] =	vst v63  }
0x449: {  	_ = 	snop  }
0x44a: {  	[tilespmem:s1], [sflag:$0x1] =	stream.indirect_vreg.gather [hbm4b:s4+s2], $0x80, v3, vm0, $0xb8;
	[tilespmem:$0x19000] =	vst v63  }
0x44b: {  	_ = 	snop  }
0x44c: {  	[tilespmem:s3], [sflag:$0x1] =	stream.indirect_vreg.gather [hbm4b:s5+s2], $0x80, v3, vm0, $0xb8;
	[tilespmem:$0x19000] =	vst v63  }
0x44d: {  	s8 =	simm.s32 $0x4000  }
0x44e: {  	[tilespmem:s8], [sflag:$0x1] =	stream.indirect_vreg.gather [hbm4b:s6+s2], $0x80, v3, vm0, $0xb8;
	[tilespmem:$0x19000] =	vst v63  }
0x44f: {  	_ = 	snop  }
0x450: {  	[tilespmem:s16], [sflag:$0x1] =	stream.indirect_vreg.gather [hbm4b:s7+s2], $0x80, v3, vm0, $0xb8;
	[tilespmem:$0x19000] =	vst v63  }
0x451: {  	v3 =	vld [tilespmem:$0xA90];
	_ =	sdelay $0x4  }
0x452: {  	v43 =	vshll.u32 v3, $0x3  }
0x453: {  	v3 =	vand.u32 $0x7, v3;
	v4 =	vand.u32 $0xFFFFFFC0, v43  }
0x454: {  	v3 =	vor.u32 v3, v4  }
0x455: {  	v4 =	vperm.xlane v3, v0;
	_ =	sdelay $0x1  }
0x456: {  	v4 =	vadd.s32 v1, v4;
	_ =	sdelay $0x4  }
0x457: {  	[tilespmem:s17], [sflag:$0x1] =	stream.indirect_vreg.gather [hbm4b:s4+s2], $0x80, v4, vm0, $0xb8;
	[tilespmem:$0x19000] =	vst v63  }
0x458: {  	v3 =	vperm.xlane v3, v2  }
0x459: {  	[tilespmem:s18], [sflag:$0x1] =	stream.indirect_vreg.gather [hbm4b:s5+s2], $0x80, v4, vm0, $0xb8;
	[tilespmem:$0x19000] =	vst v63  }
0x45a: {  	s16 =	simm.s32 $0x6000;
	v3 =	vadd.s32 v1, v3  }
0x45b: {  	[tilespmem:s16], [sflag:$0x1] =	stream.indirect_vreg.gather [hbm4b:s6+s2], $0x80, v4, vm0, $0xb8;
	[tilespmem:$0x19000] =	vst v63  }
0x45c: {  	_ = 	snop  }
0x45d: {  	[tilespmem:s9], [sflag:$0x1] =	stream.indirect_vreg.gather [hbm4b:s7+s2], $0x80, v4, vm0, $0xb8;
	[tilespmem:$0x19000] =	vst v63  }
0x45e: {  	_ = 	snop  }
0x45f: {  	[tilespmem:s10], [sflag:$0x1] =	stream.indirect_vreg.gather [hbm4b:s4+s2], $0x80, v3, vm0, $0xb8;
	[tilespmem:$0x19000] =	vst v63  }
0x460: {  	_ = 	snop  }
0x461: {  	[tilespmem:s11], [sflag:$0x1] =	stream.indirect_vreg.gather [hbm4b:s5+s2], $0x80, v3, vm0, $0xb8;
	[tilespmem:$0x19000] =	vst v63  }
0x462: {  	_ = 	snop  }
0x463: {  	[tilespmem:s12], [sflag:$0x1] =	stream.indirect_vreg.gather [hbm4b:s6+s2], $0x80, v3, vm0, $0xb8;
	[tilespmem:$0x19000] =	vst v63  }
0x464: {  	_ = 	snop  }
0x465: {  	[tilespmem:s13], [sflag:$0x1] =	stream.indirect_vreg.gather [hbm4b:s7+s2], $0x80, v3, vm0, $0xb8;
	[tilespmem:$0x19000] =	vst v63  }
0x466: {  	_ =	swait.ge [sflag:s21], $0x8000  }
0x467: {  	[sflag:s21] =	ssyncset.done $0x0  }
0x468: {  	s18 =	simm.s32 $0x9000;
	s17 =	rddreg [dreg:$0x16];
	[sflag:s21] =	ssyncadd.s32 $0xFFFF8000  }
0x469: {  	[hbm4b:s17+s2] =	stream.linear.scatter [tilespmem:s18], [sflag:$0x5], $0x8000, $0x38;
	[tilespmem:$0x19000] =	vst v63  }
0x46a: {  	_ =	swait.ge [sflag:s22], $0x8000  }
0x46b: {  	[sflag:s22] =	ssyncset.done $0x0  }
0x46c: {  	[sflag:s22] =	ssyncadd.s32 $0xFFFF8000  }
0x46d: {  	v3 =	vld [tilespmem:$0xB00];
	_ =	sdelay $0x4  }
0x46e: {  	v44 =	vshll.u32 v3, $0x3  }
0x46f: {  	v3 =	vand.u32 $0x7, v3;
	v4 =	vand.u32 $0xFFFFFFC0, v44  }
0x470: {  	v3 =	vor.u32 v3, v4  }
0x471: {  	v4 =	vperm.xlane v3, v0;
	_ =	sdelay $0x1  }
0x472: {  	v4 =	vadd.s32 v1, v4;
	_ =	sdelay $0x4  }
0x473: {  	[tilespmem:s18], [sflag:$0x2] =	stream.indirect_vreg.gather [hbm4b:s4+s2], $0x80, v4, vm0, $0xb8;
	[tilespmem:$0x19000] =	vst v63  }
0x474: {  	v3 =	vperm.xlane v3, v2  }
0x475: {  	[tilespmem:s28], [sflag:$0x2] =	stream.indirect_vreg.gather [hbm4b:s5+s2], $0x80, v4, vm0, $0xb8;
	[tilespmem:$0x19000] =	vst v63  }
0x476: {  	v3 =	vadd.s32 v1, v3;
	s18 =	simm.s32 $0xA000  }
0x477: {  	[tilespmem:s18], [sflag:$0x2] =	stream.indirect_vreg.gather [hbm4b:s6+s2], $0x80, v4, vm0, $0xb8;
	[tilespmem:$0x19000] =	vst v63  }
0x478: {  	s28 =	simm.s32 $0xA800  }
0x479: {  	[tilespmem:s28], [sflag:$0x2] =	stream.indirect_vreg.gather [hbm4b:s7+s2], $0x80, v4, vm0, $0xb8;
	[tilespmem:$0x19000] =	vst v63  }
0x47a: {  	s29 =	simm.s32 $0xB000  }
0x47b: {  	[tilespmem:s29], [sflag:$0x2] =	stream.indirect_vreg.gather [hbm4b:s4+s2], $0x80, v3, vm0, $0xb8;
	[tilespmem:$0x19000] =	vst v63  }
0x47c: {  	s31 =	simm.s32 $0xB800  }
0x47d: {  	[tilespmem:s31], [sflag:$0x2] =	stream.indirect_vreg.gather [hbm4b:s5+s2], $0x80, v3, vm0, $0xb8;
	[tilespmem:$0x19000] =	vst v63  }
0x47e: {  	s25 =	simm.s32 $0xC000  }
0x47f: {  	[tilespmem:s25], [sflag:$0x2] =	stream.indirect_vreg.gather [hbm4b:s6+s2], $0x80, v3, vm0, $0xb8;
	[tilespmem:$0x19000] =	vst v63  }
0x480: {  	_ = 	snop  }
0x481: {  	[tilespmem:s0], [sflag:$0x2] =	stream.indirect_vreg.gather [hbm4b:s7+s2], $0x80, v3, vm0, $0xb8;
	[tilespmem:$0x19000] =	vst v63  }
0x482: {  	v3 =	vld [tilespmem:$0xB10];
	_ =	sdelay $0x4  }
0x483: {  	v45 =	vshll.u32 v3, $0x3  }
0x484: {  	v3 =	vand.u32 $0x7, v3;
	v4 =	vand.u32 $0xFFFFFFC0, v45  }
0x485: {  	v3 =	vor.u32 v3, v4  }
0x486: {  	v4 =	vperm.xlane v3, v0;
	_ =	sdelay $0x1  }
0x487: {  	v4 =	vadd.s32 v1, v4;
	_ =	sdelay $0x4  }
0x488: {  	[tilespmem:s30], [sflag:$0x2] =	stream.indirect_vreg.gather [hbm4b:s4+s2], $0x80, v4, vm0, $0xb8;
	[tilespmem:$0x19000] =	vst v63  }
0x489: {  	s1 =	simm.s32 $0xD800;
	v3 =	vperm.xlane v3, v2  }
0x48a: {  	[tilespmem:s1], [sflag:$0x2] =	stream.indirect_vreg.gather [hbm4b:s5+s2], $0x80, v4, vm0, $0xb8;
	[tilespmem:$0x19000] =	vst v63  }
0x48b: {  	s3 =	simm.s32 $0xE000;
	v3 =	vadd.s32 v1, v3  }
0x48c: {  	[tilespmem:s3], [sflag:$0x2] =	stream.indirect_vreg.gather [hbm4b:s6+s2], $0x80, v4, vm0, $0xb8;
	[tilespmem:$0x19000] =	vst v63  }
0x48d: {  	s9 =	simm.s32 $0xE800  }
0x48e: {  	[tilespmem:s9], [sflag:$0x2] =	stream.indirect_vreg.gather [hbm4b:s7+s2], $0x80, v4, vm0, $0xb8;
	[tilespmem:$0x19000] =	vst v63  }
0x48f: {  	s10 =	simm.s32 $0xF000  }
0x490: {  	[tilespmem:s10], [sflag:$0x2] =	stream.indirect_vreg.gather [hbm4b:s4+s2], $0x80, v3, vm0, $0xb8;
	[tilespmem:$0x19000] =	vst v63  }
0x491: {  	s11 =	simm.s32 $0xF800  }
0x492: {  	[tilespmem:s11], [sflag:$0x2] =	stream.indirect_vreg.gather [hbm4b:s5+s2], $0x80, v3, vm0, $0xb8;
	[tilespmem:$0x19000] =	vst v63  }
0x493: {  	s12 =	simm.s32 $0x10000  }
0x494: {  	[tilespmem:s12], [sflag:$0x2] =	stream.indirect_vreg.gather [hbm4b:s6+s2], $0x80, v3, vm0, $0xb8;
	[tilespmem:$0x19000] =	vst v63  }
0x495: {  	s13 =	simm.s32 $0x10800  }
0x496: {  	[tilespmem:s13], [sflag:$0x2] =	stream.indirect_vreg.gather [hbm4b:s7+s2], $0x80, v3, vm0, $0xb8;
	[tilespmem:$0x19000] =	vst v63  }
0x497: {  	_ =	swait.ge [sflag:s23], $0x8000  }
0x498: {  	[sflag:s23] =	ssyncset.done $0x0  }
0x499: {  	s15 =	simm.s32 $0x11000;
	s14 =	rddreg [dreg:$0x17];
	[sflag:s23] =	ssyncadd.s32 $0xFFFF8000  }
0x49a: {  	[hbm4b:s14+s2] =	stream.linear.scatter [tilespmem:s15], [sflag:$0x6], $0x8000, $0x38;
	[tilespmem:$0x19000] =	vst v63  }
0x49b: {  	_ =	swait.ge [sflag:s24], $0x8000  }
0x49c: {  	[sflag:s24] =	ssyncset.done $0x0  }
0x49d: {  	[sflag:s24] =	ssyncadd.s32 $0xFFFF8000  }
0x49e: {  	v3 =	vld [tilespmem:$0xB80];
	_ =	sdelay $0x4  }
0x49f: {  	v46 =	vshll.u32 v3, $0x3  }
0x4a0: {  	v3 =	vand.u32 $0x7, v3;
	v4 =	vand.u32 $0xFFFFFFC0, v46  }
0x4a1: {  	v3 =	vor.u32 v3, v4  }
0x4a2: {  	v4 =	vperm.xlane v3, v0;
	_ =	sdelay $0x1  }
0x4a3: {  	v4 =	vadd.s32 v1, v4;
	_ =	sdelay $0x4  }
0x4a4: {  	[tilespmem:s15], [sflag:$0x3] =	stream.indirect_vreg.gather [hbm4b:s4+s2], $0x80, v4, vm0, $0xb8;
	[tilespmem:$0x19000] =	vst v63  }
0x4a5: {  	v3 =	vperm.xlane v3, v2  }
0x4a6: {  	[tilespmem:s26], [sflag:$0x3] =	stream.indirect_vreg.gather [hbm4b:s5+s2], $0x80, v4, vm0, $0xb8;
	[tilespmem:$0x19000] =	vst v63  }
0x4a7: {  	v3 =	vadd.s32 v1, v3;
	s26 =	simm.s32 $0x12000  }
0x4a8: {  	[tilespmem:s26], [sflag:$0x3] =	stream.indirect_vreg.gather [hbm4b:s6+s2], $0x80, v4, vm0, $0xb8;
	[tilespmem:$0x19000] =	vst v63  }
0x4a9: {  	s30 =	simm.s32 $0x12800  }
0x4aa: {  	[tilespmem:s30], [sflag:$0x3] =	stream.indirect_vreg.gather [hbm4b:s7+s2], $0x80, v4, vm0, $0xb8;
	[tilespmem:$0x19000] =	vst v63  }
0x4ab: {  	s16 =	simm.s32 $0x13000  }
0x4ac: {  	[tilespmem:s16], [sflag:$0x3] =	stream.indirect_vreg.gather [hbm4b:s4+s2], $0x80, v3, vm0, $0xb8;
	[tilespmem:$0x19000] =	vst v63  }
0x4ad: {  	s17 =	simm.s32 $0x13800  }
0x4ae: {  	[tilespmem:s17], [sflag:$0x3] =	stream.indirect_vreg.gather [hbm4b:s5+s2], $0x80, v3, vm0, $0xb8;
	[tilespmem:$0x19000] =	vst v63  }
0x4af: {  	s17 =	simm.s32 $0x14000  }
0x4b0: {  	[tilespmem:s17], [sflag:$0x3] =	stream.indirect_vreg.gather [hbm4b:s6+s2], $0x80, v3, vm0, $0xb8;
	[tilespmem:$0x19000] =	vst v63  }
0x4b1: {  	s13 =	simm.s32 $0x14800  }
0x4b2: {  	[tilespmem:s13], [sflag:$0x3] =	stream.indirect_vreg.gather [hbm4b:s7+s2], $0x80, v3, vm0, $0xb8;
	[tilespmem:$0x19000] =	vst v63  }
0x4b3: {  	v3 =	vld [tilespmem:$0xB90];
	_ =	sdelay $0x4  }
0x4b4: {  	v47 =	vshll.u32 v3, $0x3  }
0x4b5: {  	v3 =	vand.u32 $0x7, v3;
	v4 =	vand.u32 $0xFFFFFFC0, v47  }
0x4b6: {  	v3 =	vor.u32 v3, v4  }
0x4b7: {  	v4 =	vperm.xlane v3, v0;
	_ =	sdelay $0x1  }
0x4b8: {  	v4 =	vadd.s32 v1, v4;
	_ =	sdelay $0x3  }
0x4b9: {  	s14 =	simm.s32 $0x15000  }
0x4ba: {  	[tilespmem:s14], [sflag:$0x3] =	stream.indirect_vreg.gather [hbm4b:s4+s2], $0x80, v4, vm0, $0xb8;
	[tilespmem:$0x19000] =	vst v63  }
0x4bb: {  	s15 =	simm.s32 $0x15800;
	v3 =	vperm.xlane v3, v2  }
0x4bc: {  	[tilespmem:s15], [sflag:$0x3] =	stream.indirect_vreg.gather [hbm4b:s5+s2], $0x80, v4, vm0, $0xb8;
	[tilespmem:$0x19000] =	vst v63  }
0x4bd: {  	s25 =	simm.s32 $0x16000;
	v3 =	vadd.s32 v1, v3  }
0x4be: {  	[tilespmem:s25], [sflag:$0x3] =	stream.indirect_vreg.gather [hbm4b:s6+s2], $0x80, v4, vm0, $0xb8;
	[tilespmem:$0x19000] =	vst v63  }
0x4bf: {  	s9 =	simm.s32 $0x16800  }
0x4c0: {  	[tilespmem:s9], [sflag:$0x3] =	stream.indirect_vreg.gather [hbm4b:s7+s2], $0x80, v4, vm0, $0xb8;
	[tilespmem:$0x19000] =	vst v63  }
0x4c1: {  	s10 =	simm.s32 $0x17000  }
0x4c2: {  	[tilespmem:s10], [sflag:$0x3] =	stream.indirect_vreg.gather [hbm4b:s4+s2], $0x80, v3, vm0, $0xb8;
	[tilespmem:$0x19000] =	vst v63  }
0x4c3: {  	s11 =	simm.s32 $0x17800  }
0x4c4: {  	[tilespmem:s11], [sflag:$0x3] =	stream.indirect_vreg.gather [hbm4b:s5+s2], $0x80, v3, vm0, $0xb8;
	[tilespmem:$0x19000] =	vst v63  }
0x4c5: {  	s12 =	simm.s32 $0x18000  }
0x4c6: {  	[tilespmem:s12], [sflag:$0x3] =	stream.indirect_vreg.gather [hbm4b:s6+s2], $0x80, v3, vm0, $0xb8;
	[tilespmem:$0x19000] =	vst v63  }
0x4c7: {  	s16 =	simm.s32 $0x18800  }
0x4c8: {  	[tilespmem:s16], [sflag:$0x3] =	stream.indirect_vreg.gather [hbm4b:s7+s2], $0x80, v3, vm0, $0xb8;
	[tilespmem:$0x19000] =	vst v63  }
0x4c9: {  	_ =	swait.ge [sflag:s19], $0x8000  }
0x4ca: {  	[sflag:s19] =	ssyncset.done $0x0  }
0x4cb: {  	s3 =	simm.s32 $0x1000;
	s0 =	rddreg [dreg:$0x18];
	[sflag:s19] =	ssyncadd.s32 $0xFFFF8000  }
0x4cc: {  	[hbm4b:s0+s2] =	stream.linear.scatter [tilespmem:s3], [sflag:$0x4], $0x8000, $0x38;
	[tilespmem:$0x19000] =	vst v63  }
0x4cd: {  	_ =	swait.ge [sflag:s20], $0x8000  }
0x4ce: {  	[sflag:s20] =	ssyncset.done $0x0  }
0x4cf: {  	[sflag:s20] =	ssyncadd.s32 $0xFFFF8000  }
0x4d0: {  	v3 =	vld [tilespmem:$0xC00];
	_ =	sdelay $0x4  }
0x4d1: {  	v48 =	vshll.u32 v3, $0x3  }
0x4d2: {  	v3 =	vand.u32 $0x7, v3;
	v4 =	vand.u32 $0xFFFFFFC0, v48  }
0x4d3: {  	v3 =	vor.u32 v3, v4  }
0x4d4: {  	v4 =	vperm.xlane v3, v0;
	_ =	sdelay $0x1  }
0x4d5: {  	v4 =	vadd.s32 v1, v4;
	_ =	sdelay $0x4  }
0x4d6: {  	[tilespmem:s3], [sflag:$0x1] =	stream.indirect_vreg.gather [hbm4b:s4+s2], $0x80, v4, vm0, $0xb8;
	[tilespmem:$0x19000] =	vst v63  }
0x4d7: {  	s25 =	simm.s32 $0x1800;
	v3 =	vperm.xlane v3, v2  }
0x4d8: {  	[tilespmem:s25], [sflag:$0x1] =	stream.indirect_vreg.gather [hbm4b:s5+s2], $0x80, v4, vm0, $0xb8;
	[tilespmem:$0x19000] =	vst v63  }
0x4d9: {  	v3 =	vadd.s32 v1, v3;
	s25 =	simm.s32 $0x2000  }
0x4da: {  	[tilespmem:s25], [sflag:$0x1] =	stream.indirect_vreg.gather [hbm4b:s6+s2], $0x80, v4, vm0, $0xb8;
	[tilespmem:$0x19000] =	vst v63  }
0x4db: {  	s25 =	simm.s32 $0x2800  }
0x4dc: {  	[tilespmem:s25], [sflag:$0x1] =	stream.indirect_vreg.gather [hbm4b:s7+s2], $0x80, v4, vm0, $0xb8;
	[tilespmem:$0x19000] =	vst v63  }
0x4dd: {  	s25 =	simm.s32 $0x3000  }
0x4de: {  	[tilespmem:s25], [sflag:$0x1] =	stream.indirect_vreg.gather [hbm4b:s4+s2], $0x80, v3, vm0, $0xb8;
	[tilespmem:$0x19000] =	vst v63  }
0x4df: {  	s25 =	simm.s32 $0x3800  }
0x4e0: {  	[tilespmem:s25], [sflag:$0x1] =	stream.indirect_vreg.gather [hbm4b:s5+s2], $0x80, v3, vm0, $0xb8;
	[tilespmem:$0x19000] =	vst v63  }
0x4e1: {  	_ = 	snop  }
0x4e2: {  	[tilespmem:s8], [sflag:$0x1] =	stream.indirect_vreg.gather [hbm4b:s6+s2], $0x80, v3, vm0, $0xb8;
	[tilespmem:$0x19000] =	vst v63  }
0x4e3: {  	s8 =	simm.s32 $0x4800  }
0x4e4: {  	[tilespmem:s8], [sflag:$0x1] =	stream.indirect_vreg.gather [hbm4b:s7+s2], $0x80, v3, vm0, $0xb8;
	[tilespmem:$0x19000] =	vst v63  }
0x4e5: {  	v3 =	vld [tilespmem:$0xC10];
	_ =	sdelay $0x4  }
0x4e6: {  	v49 =	vshll.u32 v3, $0x3  }
0x4e7: {  	v3 =	vand.u32 $0x7, v3;
	v4 =	vand.u32 $0xFFFFFFC0, v49  }
0x4e8: {  	v3 =	vor.u32 v3, v4  }
0x4e9: {  	v4 =	vperm.xlane v3, v0;
	_ =	sdelay $0x1  }
0x4ea: {  	v4 =	vadd.s32 v1, v4;
	_ =	sdelay $0x3  }
0x4eb: {  	s25 =	simm.s32 $0x5000  }
0x4ec: {  	[tilespmem:s25], [sflag:$0x1] =	stream.indirect_vreg.gather [hbm4b:s4+s2], $0x80, v4, vm0, $0xb8;
	[tilespmem:$0x19000] =	vst v63  }
0x4ed: {  	v3 =	vperm.xlane v3, v2;
	s25 =	simm.s32 $0x5800  }
0x4ee: {  	[tilespmem:s25], [sflag:$0x1] =	stream.indirect_vreg.gather [hbm4b:s5+s2], $0x80, v4, vm0, $0xb8;
	[tilespmem:$0x19000] =	vst v63  }
0x4ef: {  	v3 =	vadd.s32 v1, v3;
	s25 =	simm.s32 $0x6000  }
0x4f0: {  	[tilespmem:s25], [sflag:$0x1] =	stream.indirect_vreg.gather [hbm4b:s6+s2], $0x80, v4, vm0, $0xb8;
	[tilespmem:$0x19000] =	vst v63  }
0x4f1: {  	s25 =	simm.s32 $0x6800  }
0x4f2: {  	[tilespmem:s25], [sflag:$0x1] =	stream.indirect_vreg.gather [hbm4b:s7+s2], $0x80, v4, vm0, $0xb8;
	[tilespmem:$0x19000] =	vst v63  }
0x4f3: {  	s25 =	simm.s32 $0x7000  }
0x4f4: {  	[tilespmem:s25], [sflag:$0x1] =	stream.indirect_vreg.gather [hbm4b:s4+s2], $0x80, v3, vm0, $0xb8;
	[tilespmem:$0x19000] =	vst v63  }
0x4f5: {  	s25 =	simm.s32 $0x7800  }
0x4f6: {  	[tilespmem:s25], [sflag:$0x1] =	stream.indirect_vreg.gather [hbm4b:s5+s2], $0x80, v3, vm0, $0xb8;
	[tilespmem:$0x19000] =	vst v63  }
0x4f7: {  	s25 =	simm.s32 $0x8000  }
0x4f8: {  	[tilespmem:s25], [sflag:$0x1] =	stream.indirect_vreg.gather [hbm4b:s6+s2], $0x80, v3, vm0, $0xb8;
	[tilespmem:$0x19000] =	vst v63  }
0x4f9: {  	s25 =	simm.s32 $0x8800  }
0x4fa: {  	[tilespmem:s25], [sflag:$0x1] =	stream.indirect_vreg.gather [hbm4b:s7+s2], $0x80, v3, vm0, $0xb8;
	[tilespmem:$0x19000] =	vst v63  }
0x4fb: {  	_ =	swait.ge [sflag:s21], $0x8000  }
0x4fc: {  	[sflag:s21] =	ssyncset.done $0x0  }
0x4fd: {  	s0 =	simm.s32 $0x9000;
	s25 =	rddreg [dreg:$0x19];
	[sflag:s21] =	ssyncadd.s32 $0xFFFF8000  }
0x4fe: {  	[hbm4b:s25+s2] =	stream.linear.scatter [tilespmem:s0], [sflag:$0x5], $0x8000, $0x38;
	[tilespmem:$0x19000] =	vst v63  }
0x4ff: {  	_ =	swait.ge [sflag:s22], $0x8000  }
0x500: {  	[sflag:s22] =	ssyncset.done $0x0  }
0x501: {  	[sflag:s22] =	ssyncadd.s32 $0xFFFF8000  }
0x502: {  	v3 =	vld [tilespmem:$0xC80];
	_ =	sdelay $0x4  }
0x503: {  	v50 =	vshll.u32 v3, $0x3  }
0x504: {  	v3 =	vand.u32 $0x7, v3;
	v4 =	vand.u32 $0xFFFFFFC0, v50  }
0x505: {  	v3 =	vor.u32 v3, v4  }
0x506: {  	v4 =	vperm.xlane v3, v0;
	_ =	sdelay $0x1  }
0x507: {  	v4 =	vadd.s32 v1, v4;
	_ =	sdelay $0x4  }
0x508: {  	[tilespmem:s0], [sflag:$0x2] =	stream.indirect_vreg.gather [hbm4b:s4+s2], $0x80, v4, vm0, $0xb8;
	[tilespmem:$0x19000] =	vst v63  }
0x509: {  	s25 =	simm.s32 $0x9800;
	v3 =	vperm.xlane v3, v2  }
0x50a: {  	[tilespmem:s25], [sflag:$0x2] =	stream.indirect_vreg.gather [hbm4b:s5+s2], $0x80, v4, vm0, $0xb8;
	[tilespmem:$0x19000] =	vst v63  }
0x50b: {  	v3 =	vadd.s32 v1, v3  }
0x50c: {  	[tilespmem:s18], [sflag:$0x2] =	stream.indirect_vreg.gather [hbm4b:s6+s2], $0x80, v4, vm0, $0xb8;
	[tilespmem:$0x19000] =	vst v63  }
0x50d: {  	_ = 	snop  }
0x50e: {  	[tilespmem:s28], [sflag:$0x2] =	stream.indirect_vreg.gather [hbm4b:s7+s2], $0x80, v4, vm0, $0xb8;
	[tilespmem:$0x19000] =	vst v63  }
0x50f: {  	_ = 	snop  }
0x510: {  	[tilespmem:s29], [sflag:$0x2] =	stream.indirect_vreg.gather [hbm4b:s4+s2], $0x80, v3, vm0, $0xb8;
	[tilespmem:$0x19000] =	vst v63  }
0x511: {  	_ = 	snop  }
0x512: {  	[tilespmem:s31], [sflag:$0x2] =	stream.indirect_vreg.gather [hbm4b:s5+s2], $0x80, v3, vm0, $0xb8;
	[tilespmem:$0x19000] =	vst v63  }
0x513: {  	s25 =	simm.s32 $0xC000  }
0x514: {  	[tilespmem:s25], [sflag:$0x2] =	stream.indirect_vreg.gather [hbm4b:s6+s2], $0x80, v3, vm0, $0xb8;
	[tilespmem:$0x19000] =	vst v63  }
0x515: {  	s0 =	simm.s32 $0xC800  }
0x516: {  	[tilespmem:s0], [sflag:$0x2] =	stream.indirect_vreg.gather [hbm4b:s7+s2], $0x80, v3, vm0, $0xb8;
	[tilespmem:$0x19000] =	vst v63  }
0x517: {  	v3 =	vld [tilespmem:$0xC90];
	_ =	sdelay $0x4  }
0x518: {  	v51 =	vshll.u32 v3, $0x3  }
0x519: {  	v3 =	vand.u32 $0x7, v3;
	v4 =	vand.u32 $0xFFFFFFC0, v51  }
0x51a: {  	v3 =	vor.u32 v3, v4  }
0x51b: {  	v4 =	vperm.xlane v3, v0;
	_ =	sdelay $0x1  }
0x51c: {  	v4 =	vadd.s32 v1, v4;
	_ =	sdelay $0x3  }
0x51d: {  	s18 =	simm.s32 $0xD000  }
0x51e: {  	[tilespmem:s18], [sflag:$0x2] =	stream.indirect_vreg.gather [hbm4b:s4+s2], $0x80, v4, vm0, $0xb8;
	[tilespmem:$0x19000] =	vst v63  }
0x51f: {  	s28 =	simm.s32 $0xD800;
	v3 =	vperm.xlane v3, v2  }
0x520: {  	[tilespmem:s28], [sflag:$0x2] =	stream.indirect_vreg.gather [hbm4b:s5+s2], $0x80, v4, vm0, $0xb8;
	[tilespmem:$0x19000] =	vst v63  }
0x521: {  	s29 =	simm.s32 $0xE000;
	v3 =	vadd.s32 v1, v3  }
0x522: {  	[tilespmem:s29], [sflag:$0x2] =	stream.indirect_vreg.gather [hbm4b:s6+s2], $0x80, v4, vm0, $0xb8;
	[tilespmem:$0x19000] =	vst v63  }
0x523: {  	s31 =	simm.s32 $0xE800  }
0x524: {  	[tilespmem:s31], [sflag:$0x2] =	stream.indirect_vreg.gather [hbm4b:s7+s2], $0x80, v4, vm0, $0xb8;
	[tilespmem:$0x19000] =	vst v63  }
0x525: {  	s28 =	simm.s32 $0xF000  }
0x526: {  	[tilespmem:s28], [sflag:$0x2] =	stream.indirect_vreg.gather [hbm4b:s4+s2], $0x80, v3, vm0, $0xb8;
	[tilespmem:$0x19000] =	vst v63  }
0x527: {  	s29 =	simm.s32 $0xF800  }
0x528: {  	[tilespmem:s29], [sflag:$0x2] =	stream.indirect_vreg.gather [hbm4b:s5+s2], $0x80, v3, vm0, $0xb8;
	[tilespmem:$0x19000] =	vst v63  }
0x529: {  	s31 =	simm.s32 $0x10000  }
0x52a: {  	[tilespmem:s31], [sflag:$0x2] =	stream.indirect_vreg.gather [hbm4b:s6+s2], $0x80, v3, vm0, $0xb8;
	[tilespmem:$0x19000] =	vst v63  }
0x52b: {  	s28 =	simm.s32 $0x10800  }
0x52c: {  	[tilespmem:s28], [sflag:$0x2] =	stream.indirect_vreg.gather [hbm4b:s7+s2], $0x80, v3, vm0, $0xb8;
	[tilespmem:$0x19000] =	vst v63  }
0x52d: {  	_ =	swait.ge [sflag:s23], $0x8000  }
0x52e: {  	[sflag:s23] =	ssyncset.done $0x0  }
0x52f: {  	s1 =	simm.s32 $0x11000;
	s29 =	rddreg [dreg:$0x1a];
	[sflag:s23] =	ssyncadd.s32 $0xFFFF8000  }
0x530: {  	[hbm4b:s29+s2] =	stream.linear.scatter [tilespmem:s1], [sflag:$0x6], $0x8000, $0x38;
	[tilespmem:$0x19000] =	vst v63  }
0x531: {  	_ =	swait.ge [sflag:s24], $0x8000  }
0x532: {  	[sflag:s24] =	ssyncset.done $0x0  }
0x533: {  	[sflag:s24] =	ssyncadd.s32 $0xFFFF8000  }
0x534: {  	v3 =	vld [tilespmem:$0xD00];
	_ =	sdelay $0x4  }
0x535: {  	v52 =	vshll.u32 v3, $0x3  }
0x536: {  	v3 =	vand.u32 $0x7, v3;
	v4 =	vand.u32 $0xFFFFFFC0, v52  }
0x537: {  	v3 =	vor.u32 v3, v4  }
0x538: {  	v4 =	vperm.xlane v3, v0;
	_ =	sdelay $0x1  }
0x539: {  	v4 =	vadd.s32 v1, v4;
	_ =	sdelay $0x4  }
0x53a: {  	[tilespmem:s1], [sflag:$0x3] =	stream.indirect_vreg.gather [hbm4b:s4+s2], $0x80, v4, vm0, $0xb8;
	[tilespmem:$0x19000] =	vst v63  }
0x53b: {  	s31 =	simm.s32 $0x11800;
	v3 =	vperm.xlane v3, v2  }
0x53c: {  	[tilespmem:s31], [sflag:$0x3] =	stream.indirect_vreg.gather [hbm4b:s5+s2], $0x80, v4, vm0, $0xb8;
	[tilespmem:$0x19000] =	vst v63  }
0x53d: {  	v3 =	vadd.s32 v1, v3  }
0x53e: {  	[tilespmem:s26], [sflag:$0x3] =	stream.indirect_vreg.gather [hbm4b:s6+s2], $0x80, v4, vm0, $0xb8;
	[tilespmem:$0x19000] =	vst v63  }
0x53f: {  	_ = 	snop  }
0x540: {  	[tilespmem:s30], [sflag:$0x3] =	stream.indirect_vreg.gather [hbm4b:s7+s2], $0x80, v4, vm0, $0xb8;
	[tilespmem:$0x19000] =	vst v63  }
0x541: {  	s25 =	simm.s32 $0x13000  }
0x542: {  	[tilespmem:s25], [sflag:$0x3] =	stream.indirect_vreg.gather [hbm4b:s4+s2], $0x80, v3, vm0, $0xb8;
	[tilespmem:$0x19000] =	vst v63  }
0x543: {  	s28 =	simm.s32 $0x13800  }
0x544: {  	[tilespmem:s28], [sflag:$0x3] =	stream.indirect_vreg.gather [hbm4b:s5+s2], $0x80, v3, vm0, $0xb8;
	[tilespmem:$0x19000] =	vst v63  }
0x545: {  	_ = 	snop  }
0x546: {  	[tilespmem:s17], [sflag:$0x3] =	stream.indirect_vreg.gather [hbm4b:s6+s2], $0x80, v3, vm0, $0xb8;
	[tilespmem:$0x19000] =	vst v63  }
0x547: {  	_ = 	snop  }
0x548: {  	[tilespmem:s13], [sflag:$0x3] =	stream.indirect_vreg.gather [hbm4b:s7+s2], $0x80, v3, vm0, $0xb8;
	[tilespmem:$0x19000] =	vst v63  }
0x549: {  	v3 =	vld [tilespmem:$0xD10];
	_ =	sdelay $0x4  }
0x54a: {  	v53 =	vshll.u32 v3, $0x3  }
0x54b: {  	v3 =	vand.u32 $0x7, v3;
	v4 =	vand.u32 $0xFFFFFFC0, v53  }
0x54c: {  	v3 =	vor.u32 v3, v4  }
0x54d: {  	v4 =	vperm.xlane v3, v0;
	_ =	sdelay $0x1  }
0x54e: {  	v4 =	vadd.s32 v1, v4;
	_ =	sdelay $0x4  }
0x54f: {  	[tilespmem:s14], [sflag:$0x3] =	stream.indirect_vreg.gather [hbm4b:s4+s2], $0x80, v4, vm0, $0xb8;
	[tilespmem:$0x19000] =	vst v63  }
0x550: {  	v3 =	vperm.xlane v3, v2  }
0x551: {  	[tilespmem:s15], [sflag:$0x3] =	stream.indirect_vreg.gather [hbm4b:s5+s2], $0x80, v4, vm0, $0xb8;
	[tilespmem:$0x19000] =	vst v63  }
0x552: {  	s29 =	simm.s32 $0x16000;
	v3 =	vadd.s32 v1, v3  }
0x553: {  	[tilespmem:s29], [sflag:$0x3] =	stream.indirect_vreg.gather [hbm4b:s6+s2], $0x80, v4, vm0, $0xb8;
	[tilespmem:$0x19000] =	vst v63  }
0x554: {  	_ = 	snop  }
0x555: {  	[tilespmem:s9], [sflag:$0x3] =	stream.indirect_vreg.gather [hbm4b:s7+s2], $0x80, v4, vm0, $0xb8;
	[tilespmem:$0x19000] =	vst v63  }
0x556: {  	_ = 	snop  }
0x557: {  	[tilespmem:s10], [sflag:$0x3] =	stream.indirect_vreg.gather [hbm4b:s4+s2], $0x80, v3, vm0, $0xb8;
	[tilespmem:$0x19000] =	vst v63  }
0x558: {  	_ = 	snop  }
0x559: {  	[tilespmem:s11], [sflag:$0x3] =	stream.indirect_vreg.gather [hbm4b:s5+s2], $0x80, v3, vm0, $0xb8;
	[tilespmem:$0x19000] =	vst v63  }
0x55a: {  	_ = 	snop  }
0x55b: {  	[tilespmem:s12], [sflag:$0x3] =	stream.indirect_vreg.gather [hbm4b:s6+s2], $0x80, v3, vm0, $0xb8;
	[tilespmem:$0x19000] =	vst v63  }
0x55c: {  	_ = 	snop  }
0x55d: {  	[tilespmem:s16], [sflag:$0x3] =	stream.indirect_vreg.gather [hbm4b:s7+s2], $0x80, v3, vm0, $0xb8;
	[tilespmem:$0x19000] =	vst v63  }
0x55e: {  	_ =	swait.ge [sflag:s19], $0x8000  }
0x55f: {  	[sflag:s19] =	ssyncset.done $0x0  }
0x560: {  	s3 =	simm.s32 $0x1000;
	s1 =	rddreg [dreg:$0x1b];
	[sflag:s19] =	ssyncadd.s32 $0xFFFF8000  }
0x561: {  	[hbm4b:s1+s2] =	stream.linear.scatter [tilespmem:s3], [sflag:$0x4], $0x8000, $0x38;
	[tilespmem:$0x19000] =	vst v63  }
0x562: {  	_ =	swait.ge [sflag:s20], $0x8000  }
0x563: {  	[sflag:s20] =	ssyncset.done $0x0  }
0x564: {  	[sflag:s20] =	ssyncadd.s32 $0xFFFF8000  }
0x565: {  	v3 =	vld [tilespmem:$0xD80];
	_ =	sdelay $0x4  }
0x566: {  	v54 =	vshll.u32 v3, $0x3  }
0x567: {  	v3 =	vand.u32 $0x7, v3;
	v4 =	vand.u32 $0xFFFFFFC0, v54  }
0x568: {  	v3 =	vor.u32 v3, v4  }
0x569: {  	v4 =	vperm.xlane v3, v0;
	_ =	sdelay $0x1  }
0x56a: {  	v4 =	vadd.s32 v1, v4;
	_ =	sdelay $0x4  }
0x56b: {  	[tilespmem:s3], [sflag:$0x1] =	stream.indirect_vreg.gather [hbm4b:s4+s2], $0x80, v4, vm0, $0xb8;
	[tilespmem:$0x19000] =	vst v63  }
0x56c: {  	s9 =	simm.s32 $0x1800;
	v3 =	vperm.xlane v3, v2  }
0x56d: {  	[tilespmem:s9], [sflag:$0x1] =	stream.indirect_vreg.gather [hbm4b:s5+s2], $0x80, v4, vm0, $0xb8;
	[tilespmem:$0x19000] =	vst v63  }
0x56e: {  	s25 =	simm.s32 $0x2000;
	v3 =	vadd.s32 v1, v3  }
0x56f: {  	[tilespmem:s25], [sflag:$0x1] =	stream.indirect_vreg.gather [hbm4b:s6+s2], $0x80, v4, vm0, $0xb8;
	[tilespmem:$0x19000] =	vst v63  }
0x570: {  	s28 =	simm.s32 $0x2800  }
0x571: {  	[tilespmem:s28], [sflag:$0x1] =	stream.indirect_vreg.gather [hbm4b:s7+s2], $0x80, v4, vm0, $0xb8;
	[tilespmem:$0x19000] =	vst v63  }
0x572: {  	s29 =	simm.s32 $0x3000  }
0x573: {  	[tilespmem:s29], [sflag:$0x1] =	stream.indirect_vreg.gather [hbm4b:s4+s2], $0x80, v3, vm0, $0xb8;
	[tilespmem:$0x19000] =	vst v63  }
0x574: {  	s1 =	simm.s32 $0x3800  }
0x575: {  	[tilespmem:s1], [sflag:$0x1] =	stream.indirect_vreg.gather [hbm4b:s5+s2], $0x80, v3, vm0, $0xb8;
	[tilespmem:$0x19000] =	vst v63  }
0x576: {  	s9 =	simm.s32 $0x4000  }
0x577: {  	[tilespmem:s9], [sflag:$0x1] =	stream.indirect_vreg.gather [hbm4b:s6+s2], $0x80, v3, vm0, $0xb8;
	[tilespmem:$0x19000] =	vst v63  }
0x578: {  	_ = 	snop  }
0x579: {  	[tilespmem:s8], [sflag:$0x1] =	stream.indirect_vreg.gather [hbm4b:s7+s2], $0x80, v3, vm0, $0xb8;
	[tilespmem:$0x19000] =	vst v63  }
0x57a: {  	v3 =	vld [tilespmem:$0xD90];
	_ =	sdelay $0x4  }
0x57b: {  	v55 =	vshll.u32 v3, $0x3  }
0x57c: {  	v3 =	vand.u32 $0x7, v3;
	v4 =	vand.u32 $0xFFFFFFC0, v55  }
0x57d: {  	v3 =	vor.u32 v3, v4  }
0x57e: {  	v4 =	vperm.xlane v3, v0;
	_ =	sdelay $0x1  }
0x57f: {  	v4 =	vadd.s32 v1, v4;
	_ =	sdelay $0x3  }
0x580: {  	s3 =	simm.s32 $0x5000  }
0x581: {  	[tilespmem:s3], [sflag:$0x1] =	stream.indirect_vreg.gather [hbm4b:s4+s2], $0x80, v4, vm0, $0xb8;
	[tilespmem:$0x19000] =	vst v63  }
0x582: {  	s8 =	simm.s32 $0x5800;
	v3 =	vperm.xlane v3, v2  }
0x583: {  	[tilespmem:s8], [sflag:$0x1] =	stream.indirect_vreg.gather [hbm4b:s5+s2], $0x80, v4, vm0, $0xb8;
	[tilespmem:$0x19000] =	vst v63  }
0x584: {  	s1 =	simm.s32 $0x6000;
	v3 =	vadd.s32 v1, v3  }
0x585: {  	[tilespmem:s1], [sflag:$0x1] =	stream.indirect_vreg.gather [hbm4b:s6+s2], $0x80, v4, vm0, $0xb8;
	[tilespmem:$0x19000] =	vst v63  }
0x586: {  	s3 =	simm.s32 $0x6800  }
0x587: {  	[tilespmem:s3], [sflag:$0x1] =	stream.indirect_vreg.gather [hbm4b:s7+s2], $0x80, v4, vm0, $0xb8;
	[tilespmem:$0x19000] =	vst v63  }
0x588: {  	s8 =	simm.s32 $0x7000  }
0x589: {  	[tilespmem:s8], [sflag:$0x1] =	stream.indirect_vreg.gather [hbm4b:s4+s2], $0x80, v3, vm0, $0xb8;
	[tilespmem:$0x19000] =	vst v63  }
0x58a: {  	s1 =	simm.s32 $0x7800  }
0x58b: {  	[tilespmem:s1], [sflag:$0x1] =	stream.indirect_vreg.gather [hbm4b:s5+s2], $0x80, v3, vm0, $0xb8;
	[tilespmem:$0x19000] =	vst v63  }
0x58c: {  	s3 =	simm.s32 $0x8000  }
0x58d: {  	[tilespmem:s3], [sflag:$0x1] =	stream.indirect_vreg.gather [hbm4b:s6+s2], $0x80, v3, vm0, $0xb8;
	[tilespmem:$0x19000] =	vst v63  }
0x58e: {  	s8 =	simm.s32 $0x8800  }
0x58f: {  	[tilespmem:s8], [sflag:$0x1] =	stream.indirect_vreg.gather [hbm4b:s7+s2], $0x80, v3, vm0, $0xb8;
	[tilespmem:$0x19000] =	vst v63  }
0x590: {  	_ =	swait.ge [sflag:s21], $0x8000  }
0x591: {  	[sflag:s21] =	ssyncset.done $0x0  }
0x592: {  	s3 =	simm.s32 $0x9000;
	s1 =	rddreg [dreg:$0x1c];
	[sflag:s21] =	ssyncadd.s32 $0xFFFF8000  }
0x593: {  	[hbm4b:s1+s2] =	stream.linear.scatter [tilespmem:s3], [sflag:$0x5], $0x8000, $0x38;
	[tilespmem:$0x19000] =	vst v63  }
0x594: {  	_ =	swait.ge [sflag:s22], $0x8000  }
0x595: {  	[sflag:s22] =	ssyncset.done $0x0  }
0x596: {  	[sflag:s22] =	ssyncadd.s32 $0xFFFF8000  }
0x597: {  	v3 =	vld [tilespmem:$0xE00];
	_ =	sdelay $0x4  }
0x598: {  	v56 =	vshll.u32 v3, $0x3  }
0x599: {  	v3 =	vand.u32 $0x7, v3;
	v4 =	vand.u32 $0xFFFFFFC0, v56  }
0x59a: {  	v3 =	vor.u32 v3, v4  }
0x59b: {  	v4 =	vperm.xlane v3, v0;
	_ =	sdelay $0x1  }
0x59c: {  	v4 =	vadd.s32 v1, v4;
	_ =	sdelay $0x4  }
0x59d: {  	[tilespmem:s3], [sflag:$0x2] =	stream.indirect_vreg.gather [hbm4b:s4+s2], $0x80, v4, vm0, $0xb8;
	[tilespmem:$0x19000] =	vst v63  }
0x59e: {  	s8 =	simm.s32 $0x9800;
	v3 =	vperm.xlane v3, v2  }
0x59f: {  	[tilespmem:s8], [sflag:$0x2] =	stream.indirect_vreg.gather [hbm4b:s5+s2], $0x80, v4, vm0, $0xb8;
	[tilespmem:$0x19000] =	vst v63  }
0x5a0: {  	v3 =	vadd.s32 v1, v3;
	s3 =	simm.s32 $0xA000  }
0x5a1: {  	[tilespmem:s3], [sflag:$0x2] =	stream.indirect_vreg.gather [hbm4b:s6+s2], $0x80, v4, vm0, $0xb8;
	[tilespmem:$0x19000] =	vst v63  }
0x5a2: {  	s25 =	simm.s32 $0xA800  }
0x5a3: {  	[tilespmem:s25], [sflag:$0x2] =	stream.indirect_vreg.gather [hbm4b:s7+s2], $0x80, v4, vm0, $0xb8;
	[tilespmem:$0x19000] =	vst v63  }
0x5a4: {  	s25 =	simm.s32 $0xB000  }
0x5a5: {  	[tilespmem:s25], [sflag:$0x2] =	stream.indirect_vreg.gather [hbm4b:s4+s2], $0x80, v3, vm0, $0xb8;
	[tilespmem:$0x19000] =	vst v63  }
0x5a6: {  	s25 =	simm.s32 $0xB800  }
0x5a7: {  	[tilespmem:s25], [sflag:$0x2] =	stream.indirect_vreg.gather [hbm4b:s5+s2], $0x80, v3, vm0, $0xb8;
	[tilespmem:$0x19000] =	vst v63  }
0x5a8: {  	s25 =	simm.s32 $0xC000  }
0x5a9: {  	[tilespmem:s25], [sflag:$0x2] =	stream.indirect_vreg.gather [hbm4b:s6+s2], $0x80, v3, vm0, $0xb8;
	[tilespmem:$0x19000] =	vst v63  }
0x5aa: {  	_ = 	snop  }
0x5ab: {  	[tilespmem:s0], [sflag:$0x2] =	stream.indirect_vreg.gather [hbm4b:s7+s2], $0x80, v3, vm0, $0xb8;
	[tilespmem:$0x19000] =	vst v63  }
0x5ac: {  	v3 =	vld [tilespmem:$0xE10];
	_ =	sdelay $0x4  }
0x5ad: {  	v57 =	vshll.u32 v3, $0x3  }
0x5ae: {  	v3 =	vand.u32 $0x7, v3;
	v4 =	vand.u32 $0xFFFFFFC0, v57  }
0x5af: {  	v3 =	vor.u32 v3, v4  }
0x5b0: {  	v4 =	vperm.xlane v3, v0;
	_ =	sdelay $0x1  }
0x5b1: {  	v4 =	vadd.s32 v1, v4;
	_ =	sdelay $0x4  }
0x5b2: {  	[tilespmem:s18], [sflag:$0x2] =	stream.indirect_vreg.gather [hbm4b:s4+s2], $0x80, v4, vm0, $0xb8;
	[tilespmem:$0x19000] =	vst v63  }
0x5b3: {  	s25 =	simm.s32 $0xD800;
	v3 =	vperm.xlane v3, v2  }
0x5b4: {  	[tilespmem:s25], [sflag:$0x2] =	stream.indirect_vreg.gather [hbm4b:s5+s2], $0x80, v4, vm0, $0xb8;
	[tilespmem:$0x19000] =	vst v63  }
0x5b5: {  	s8 =	simm.s32 $0xE000;
	v3 =	vadd.s32 v1, v3  }
0x5b6: {  	[tilespmem:s8], [sflag:$0x2] =	stream.indirect_vreg.gather [hbm4b:s6+s2], $0x80, v4, vm0, $0xb8;
	[tilespmem:$0x19000] =	vst v63  }
0x5b7: {  	s25 =	simm.s32 $0xE800  }
0x5b8: {  	[tilespmem:s25], [sflag:$0x2] =	stream.indirect_vreg.gather [hbm4b:s7+s2], $0x80, v4, vm0, $0xb8;
	[tilespmem:$0x19000] =	vst v63  }
0x5b9: {  	s8 =	simm.s32 $0xF000  }
0x5ba: {  	[tilespmem:s8], [sflag:$0x2] =	stream.indirect_vreg.gather [hbm4b:s4+s2], $0x80, v3, vm0, $0xb8;
	[tilespmem:$0x19000] =	vst v63  }
0x5bb: {  	s25 =	simm.s32 $0xF800  }
0x5bc: {  	[tilespmem:s25], [sflag:$0x2] =	stream.indirect_vreg.gather [hbm4b:s5+s2], $0x80, v3, vm0, $0xb8;
	[tilespmem:$0x19000] =	vst v63  }
0x5bd: {  	s8 =	simm.s32 $0x10000  }
0x5be: {  	[tilespmem:s8], [sflag:$0x2] =	stream.indirect_vreg.gather [hbm4b:s6+s2], $0x80, v3, vm0, $0xb8;
	[tilespmem:$0x19000] =	vst v63  }
0x5bf: {  	s25 =	simm.s32 $0x10800  }
0x5c0: {  	[tilespmem:s25], [sflag:$0x2] =	stream.indirect_vreg.gather [hbm4b:s7+s2], $0x80, v3, vm0, $0xb8;
	[tilespmem:$0x19000] =	vst v63  }
0x5c1: {  	_ =	swait.ge [sflag:s23], $0x8000  }
0x5c2: {  	[sflag:s23] =	ssyncset.done $0x0  }
0x5c3: {  	s8 =	simm.s32 $0x11000;
	s0 =	rddreg [dreg:$0x1d];
	[sflag:s23] =	ssyncadd.s32 $0xFFFF8000  }
0x5c4: {  	[hbm4b:s0+s2] =	stream.linear.scatter [tilespmem:s8], [sflag:$0x6], $0x8000, $0x38;
	[tilespmem:$0x19000] =	vst v63  }
0x5c5: {  	_ =	swait.ge [sflag:s24], $0x8000  }
0x5c6: {  	[sflag:s24] =	ssyncset.done $0x0  }
0x5c7: {  	[sflag:s24] =	ssyncadd.s32 $0xFFFF8000  }
0x5c8: {  	v3 =	vld [tilespmem:$0xE80];
	_ =	sdelay $0x4  }
0x5c9: {  	v58 =	vshll.u32 v3, $0x3  }
0x5ca: {  	v3 =	vand.u32 $0x7, v3;
	v4 =	vand.u32 $0xFFFFFFC0, v58  }
0x5cb: {  	v3 =	vor.u32 v3, v4  }
0x5cc: {  	v4 =	vperm.xlane v3, v0;
	_ =	sdelay $0x1  }
0x5cd: {  	v4 =	vadd.s32 v1, v4;
	_ =	sdelay $0x4  }
0x5ce: {  	[tilespmem:s8], [sflag:$0x3] =	stream.indirect_vreg.gather [hbm4b:s4+s2], $0x80, v4, vm0, $0xb8;
	[tilespmem:$0x19000] =	vst v63  }
0x5cf: {  	s25 =	simm.s32 $0x11800;
	v3 =	vperm.xlane v3, v2  }
0x5d0: {  	[tilespmem:s25], [sflag:$0x3] =	stream.indirect_vreg.gather [hbm4b:s5+s2], $0x80, v4, vm0, $0xb8;
	[tilespmem:$0x19000] =	vst v63  }
0x5d1: {  	s26 =	simm.s32 $0x12000;
	v3 =	vadd.s32 v1, v3  }
0x5d2: {  	[tilespmem:s26], [sflag:$0x3] =	stream.indirect_vreg.gather [hbm4b:s6+s2], $0x80, v4, vm0, $0xb8;
	[tilespmem:$0x19000] =	vst v63  }
0x5d3: {  	s30 =	simm.s32 $0x12800  }
0x5d4: {  	[tilespmem:s30], [sflag:$0x3] =	stream.indirect_vreg.gather [hbm4b:s7+s2], $0x80, v4, vm0, $0xb8;
	[tilespmem:$0x19000] =	vst v63  }
0x5d5: {  	s25 =	simm.s32 $0x13000  }
0x5d6: {  	[tilespmem:s25], [sflag:$0x3] =	stream.indirect_vreg.gather [hbm4b:s4+s2], $0x80, v3, vm0, $0xb8;
	[tilespmem:$0x19000] =	vst v63  }
0x5d7: {  	s26 =	simm.s32 $0x13800  }
0x5d8: {  	[tilespmem:s26], [sflag:$0x3] =	stream.indirect_vreg.gather [hbm4b:s5+s2], $0x80, v3, vm0, $0xb8;
	[tilespmem:$0x19000] =	vst v63  }
0x5d9: {  	s31 =	simm.s32 $0x14000  }
0x5da: {  	[tilespmem:s31], [sflag:$0x3] =	stream.indirect_vreg.gather [hbm4b:s6+s2], $0x80, v3, vm0, $0xb8;
	[tilespmem:$0x19000] =	vst v63  }
0x5db: {  	s13 =	simm.s32 $0x14800  }
0x5dc: {  	[tilespmem:s13], [sflag:$0x3] =	stream.indirect_vreg.gather [hbm4b:s7+s2], $0x80, v3, vm0, $0xb8;
	[tilespmem:$0x19000] =	vst v63  }
0x5dd: {  	v3 =	vld [tilespmem:$0xE90];
	_ =	sdelay $0x4  }
0x5de: {  	v59 =	vshll.u32 v3, $0x3  }
0x5df: {  	v3 =	vand.u32 $0x7, v3;
	v4 =	vand.u32 $0xFFFFFFC0, v59  }
0x5e0: {  	v3 =	vor.u32 v3, v4  }
0x5e1: {  	v4 =	vperm.xlane v3, v0;
	_ =	sdelay $0x1  }
0x5e2: {  	v4 =	vadd.s32 v1, v4;
	_ =	sdelay $0x3  }
0x5e3: {  	s14 =	simm.s32 $0x15000  }
0x5e4: {  	[tilespmem:s14], [sflag:$0x3] =	stream.indirect_vreg.gather [hbm4b:s4+s2], $0x80, v4, vm0, $0xb8;
	[tilespmem:$0x19000] =	vst v63  }
0x5e5: {  	s15 =	simm.s32 $0x15800;
	v3 =	vperm.xlane v3, v2  }
0x5e6: {  	[tilespmem:s15], [sflag:$0x3] =	stream.indirect_vreg.gather [hbm4b:s5+s2], $0x80, v4, vm0, $0xb8;
	[tilespmem:$0x19000] =	vst v63  }
0x5e7: {  	s30 =	simm.s32 $0x16000;
	v3 =	vadd.s32 v1, v3  }
0x5e8: {  	[tilespmem:s30], [sflag:$0x3] =	stream.indirect_vreg.gather [hbm4b:s6+s2], $0x80, v4, vm0, $0xb8;
	[tilespmem:$0x19000] =	vst v63  }
0x5e9: {  	s31 =	simm.s32 $0x16800  }
0x5ea: {  	[tilespmem:s31], [sflag:$0x3] =	stream.indirect_vreg.gather [hbm4b:s7+s2], $0x80, v4, vm0, $0xb8;
	[tilespmem:$0x19000] =	vst v63  }
0x5eb: {  	s10 =	simm.s32 $0x17000  }
0x5ec: {  	[tilespmem:s10], [sflag:$0x3] =	stream.indirect_vreg.gather [hbm4b:s4+s2], $0x80, v3, vm0, $0xb8;
	[tilespmem:$0x19000] =	vst v63  }
0x5ed: {  	s11 =	simm.s32 $0x17800  }
0x5ee: {  	[tilespmem:s11], [sflag:$0x3] =	stream.indirect_vreg.gather [hbm4b:s5+s2], $0x80, v3, vm0, $0xb8;
	[tilespmem:$0x19000] =	vst v63  }
0x5ef: {  	s12 =	simm.s32 $0x18000  }
0x5f0: {  	[tilespmem:s12], [sflag:$0x3] =	stream.indirect_vreg.gather [hbm4b:s6+s2], $0x80, v3, vm0, $0xb8;
	[tilespmem:$0x19000] =	vst v63  }
0x5f1: {  	s16 =	simm.s32 $0x18800  }
0x5f2: {  	[tilespmem:s16], [sflag:$0x3] =	stream.indirect_vreg.gather [hbm4b:s7+s2], $0x80, v3, vm0, $0xb8;
	[tilespmem:$0x19000] =	vst v63  }
0x5f3: {  	_ =	swait.ge [sflag:s19], $0x8000  }
0x5f4: {  	[sflag:s19] =	ssyncset.done $0x0  }
0x5f5: {  	s10 =	simm.s32 $0x1000;
	s8 =	rddreg [dreg:$0x1e];
	[sflag:s19] =	ssyncadd.s32 $0xFFFF8000  }
0x5f6: {  	[hbm4b:s8+s2] =	stream.linear.scatter [tilespmem:s10], [sflag:$0x4], $0x8000, $0x38;
	[tilespmem:$0x19000] =	vst v63  }
0x5f7: {  	_ =	swait.ge [sflag:s20], $0x8000  }
0x5f8: {  	[sflag:s20] =	ssyncset.done $0x0  }
0x5f9: {  	[sflag:s20] =	ssyncadd.s32 $0xFFFF8000  }
0x5fa: {  	v3 =	vld [tilespmem:$0xF00];
	_ =	sdelay $0x4  }
0x5fb: {  	v60 =	vshll.u32 v3, $0x3  }
0x5fc: {  	v3 =	vand.u32 $0x7, v3;
	v4 =	vand.u32 $0xFFFFFFC0, v60  }
0x5fd: {  	v3 =	vor.u32 v3, v4  }
0x5fe: {  	v4 =	vperm.xlane v3, v0;
	_ =	sdelay $0x1  }
0x5ff: {  	v4 =	vadd.s32 v1, v4;
	_ =	sdelay $0x4  }
0x600: {  	[tilespmem:s10], [sflag:$0x1] =	stream.indirect_vreg.gather [hbm4b:s4+s2], $0x80, v4, vm0, $0xb8;
	[tilespmem:$0x19000] =	vst v63  }
0x601: {  	s11 =	simm.s32 $0x1800;
	v3 =	vperm.xlane v3, v2  }
0x602: {  	[tilespmem:s11], [sflag:$0x1] =	stream.indirect_vreg.gather [hbm4b:s5+s2], $0x80, v4, vm0, $0xb8;
	[tilespmem:$0x19000] =	vst v63  }
0x603: {  	s12 =	simm.s32 $0x2000;
	v3 =	vadd.s32 v1, v3  }
0x604: {  	[tilespmem:s12], [sflag:$0x1] =	stream.indirect_vreg.gather [hbm4b:s6+s2], $0x80, v4, vm0, $0xb8;
	[tilespmem:$0x19000] =	vst v63  }
0x605: {  	s17 =	simm.s32 $0x2800  }
0x606: {  	[tilespmem:s17], [sflag:$0x1] =	stream.indirect_vreg.gather [hbm4b:s7+s2], $0x80, v4, vm0, $0xb8;
	[tilespmem:$0x19000] =	vst v63  }
0x607: {  	s28 =	simm.s32 $0x3000  }
0x608: {  	[tilespmem:s28], [sflag:$0x1] =	stream.indirect_vreg.gather [hbm4b:s4+s2], $0x80, v3, vm0, $0xb8;
	[tilespmem:$0x19000] =	vst v63  }
0x609: {  	s29 =	simm.s32 $0x3800  }
0x60a: {  	[tilespmem:s29], [sflag:$0x1] =	stream.indirect_vreg.gather [hbm4b:s5+s2], $0x80, v3, vm0, $0xb8;
	[tilespmem:$0x19000] =	vst v63  }
0x60b: {  	_ = 	snop  }
0x60c: {  	[tilespmem:s9], [sflag:$0x1] =	stream.indirect_vreg.gather [hbm4b:s6+s2], $0x80, v3, vm0, $0xb8;
	[tilespmem:$0x19000] =	vst v63  }
0x60d: {  	s13 =	simm.s32 $0x4800  }
0x60e: {  	[tilespmem:s13], [sflag:$0x1] =	stream.indirect_vreg.gather [hbm4b:s7+s2], $0x80, v3, vm0, $0xb8;
	[tilespmem:$0x19000] =	vst v63  }
0x60f: {  	v3 =	vld [tilespmem:$0xF10];
	_ =	sdelay $0x4  }
0x610: {  	v61 =	vshll.u32 v3, $0x3  }
0x611: {  	v3 =	vand.u32 $0x7, v3;
	v4 =	vand.u32 $0xFFFFFFC0, v61  }
0x612: {  	v3 =	vor.u32 v3, v4  }
0x613: {  	v4 =	vperm.xlane v3, v0;
	_ =	sdelay $0x1  }
0x614: {  	v4 =	vadd.s32 v1, v4;
	_ =	sdelay $0x3  }
0x615: {  	s14 =	simm.s32 $0x5000  }
0x616: {  	[tilespmem:s14], [sflag:$0x1] =	stream.indirect_vreg.gather [hbm4b:s4+s2], $0x80, v4, vm0, $0xb8;
	[tilespmem:$0x19000] =	vst v63  }
0x617: {  	s15 =	simm.s32 $0x5800;
	v3 =	vperm.xlane v3, v2  }
0x618: {  	[tilespmem:s15], [sflag:$0x1] =	stream.indirect_vreg.gather [hbm4b:s5+s2], $0x80, v4, vm0, $0xb8;
	[tilespmem:$0x19000] =	vst v63  }
0x619: {  	s16 =	simm.s32 $0x6000;
	v3 =	vadd.s32 v1, v3  }
0x61a: {  	[tilespmem:s16], [sflag:$0x1] =	stream.indirect_vreg.gather [hbm4b:s6+s2], $0x80, v4, vm0, $0xb8;
	[tilespmem:$0x19000] =	vst v63  }
0x61b: {  	s17 =	simm.s32 $0x6800  }
0x61c: {  	[tilespmem:s17], [sflag:$0x1] =	stream.indirect_vreg.gather [hbm4b:s7+s2], $0x80, v4, vm0, $0xb8;
	[tilespmem:$0x19000] =	vst v63  }
0x61d: {  	s25 =	simm.s32 $0x7000  }
0x61e: {  	[tilespmem:s25], [sflag:$0x1] =	stream.indirect_vreg.gather [hbm4b:s4+s2], $0x80, v3, vm0, $0xb8;
	[tilespmem:$0x19000] =	vst v63  }
0x61f: {  	s26 =	simm.s32 $0x7800  }
0x620: {  	[tilespmem:s26], [sflag:$0x1] =	stream.indirect_vreg.gather [hbm4b:s5+s2], $0x80, v3, vm0, $0xb8;
	[tilespmem:$0x19000] =	vst v63  }
0x621: {  	s28 =	simm.s32 $0x8000  }
0x622: {  	[tilespmem:s28], [sflag:$0x1] =	stream.indirect_vreg.gather [hbm4b:s6+s2], $0x80, v3, vm0, $0xb8;
	[tilespmem:$0x19000] =	vst v63  }
0x623: {  	s29 =	simm.s32 $0x8800  }
0x624: {  	[tilespmem:s29], [sflag:$0x1] =	stream.indirect_vreg.gather [hbm4b:s7+s2], $0x80, v3, vm0, $0xb8;
	[tilespmem:$0x19000] =	vst v63  }
0x625: {  	_ =	swait.ge [sflag:s21], $0x8000  }
0x626: {  	[sflag:s21] =	ssyncset.done $0x0  }
0x627: {  	s1 =	simm.s32 $0x9000;
	s30 =	rddreg [dreg:$0x1f];
	[sflag:s21] =	ssyncadd.s32 $0xFFFF8000  }
0x628: {  	[hbm4b:s30+s2] =	stream.linear.scatter [tilespmem:s1], [sflag:$0x5], $0x8000, $0x38;
	[tilespmem:$0x19000] =	vst v63  }
0x629: {  	_ =	swait.ge [sflag:s22], $0x8000  }
0x62a: {  	[sflag:s22] =	ssyncset.done $0x0  }
0x62b: {  	[sflag:s22] =	ssyncadd.s32 $0xFFFF8000  }
0x62c: {  	v3 =	vld [tilespmem:$0xF80];
	_ =	sdelay $0x4  }
0x62d: {  	v62 =	vshll.u32 v3, $0x3  }
0x62e: {  	v3 =	vand.u32 $0x7, v3;
	v4 =	vand.u32 $0xFFFFFFC0, v62  }
0x62f: {  	v3 =	vor.u32 v3, v4  }
0x630: {  	v4 =	vperm.xlane v3, v0;
	_ =	sdelay $0x1  }
0x631: {  	v4 =	vadd.s32 v1, v4;
	_ =	sdelay $0x4  }
0x632: {  	[tilespmem:s1], [sflag:$0x2] =	stream.indirect_vreg.gather [hbm4b:s4+s2], $0x80, v4, vm0, $0xb8;
	[tilespmem:$0x19000] =	vst v63  }
0x633: {  	s31 =	simm.s32 $0x9800;
	v3 =	vperm.xlane v3, v2  }
0x634: {  	[tilespmem:s31], [sflag:$0x2] =	stream.indirect_vreg.gather [hbm4b:s5+s2], $0x80, v4, vm0, $0xb8;
	[tilespmem:$0x19000] =	vst v63  }
0x635: {  	v3 =	vadd.s32 v1, v3  }
0x636: {  	[tilespmem:s3], [sflag:$0x2] =	stream.indirect_vreg.gather [hbm4b:s6+s2], $0x80, v4, vm0, $0xb8;
	[tilespmem:$0x19000] =	vst v63  }
0x637: {  	s9 =	simm.s32 $0xA800  }
0x638: {  	[tilespmem:s9], [sflag:$0x2] =	stream.indirect_vreg.gather [hbm4b:s7+s2], $0x80, v4, vm0, $0xb8;
	[tilespmem:$0x19000] =	vst v63  }
0x639: {  	s10 =	simm.s32 $0xB000  }
0x63a: {  	[tilespmem:s10], [sflag:$0x2] =	stream.indirect_vreg.gather [hbm4b:s4+s2], $0x80, v3, vm0, $0xb8;
	[tilespmem:$0x19000] =	vst v63  }
0x63b: {  	s11 =	simm.s32 $0xB800  }
0x63c: {  	[tilespmem:s11], [sflag:$0x2] =	stream.indirect_vreg.gather [hbm4b:s5+s2], $0x80, v3, vm0, $0xb8;
	[tilespmem:$0x19000] =	vst v63  }
0x63d: {  	s12 =	simm.s32 $0xC000  }
0x63e: {  	[tilespmem:s12], [sflag:$0x2] =	stream.indirect_vreg.gather [hbm4b:s6+s2], $0x80, v3, vm0, $0xb8;
	[tilespmem:$0x19000] =	vst v63  }
0x63f: {  	s13 =	simm.s32 $0xC800  }
0x640: {  	[tilespmem:s13], [sflag:$0x2] =	stream.indirect_vreg.gather [hbm4b:s7+s2], $0x80, v3, vm0, $0xb8;
	[tilespmem:$0x19000] =	vst v63  }
0x641: {  	v3 =	vld [tilespmem:$0xF90];
	_ =	sdelay $0x4  }
0x642: {  	v63 =	vshll.u32 v3, $0x3  }
0x643: {  	v3 =	vand.u32 $0x7, v3;
	v4 =	vand.u32 $0xFFFFFFC0, v63  }
0x644: {  	v3 =	vor.u32 v3, v4  }
0x645: {  	v4 =	vperm.xlane v3, v0;
	_ =	sdelay $0x1  }
0x646: {  	v4 =	vadd.s32 v1, v4;
	_ =	sdelay $0x3  }
0x647: {  	s18 =	simm.s32 $0xD000  }
0x648: {  	[tilespmem:s18], [sflag:$0x2] =	stream.indirect_vreg.gather [hbm4b:s4+s2], $0x80, v4, vm0, $0xb8;
	[tilespmem:$0x19000] =	vst v63  }
0x649: {  	s14 =	simm.s32 $0xD800;
	v3 =	vperm.xlane v3, v2  }
0x64a: {  	[tilespmem:s14], [sflag:$0x2] =	stream.indirect_vreg.gather [hbm4b:s5+s2], $0x80, v4, vm0, $0xb8;
	[tilespmem:$0x19000] =	vst v63  }
0x64b: {  	s15 =	simm.s32 $0xE000;
	v3 =	vadd.s32 v1, v3  }
0x64c: {  	[tilespmem:s15], [sflag:$0x2] =	stream.indirect_vreg.gather [hbm4b:s6+s2], $0x80, v4, vm0, $0xb8;
	[tilespmem:$0x19000] =	vst v63  }
0x64d: {  	s16 =	simm.s32 $0xE800  }
0x64e: {  	[tilespmem:s16], [sflag:$0x2] =	stream.indirect_vreg.gather [hbm4b:s7+s2], $0x80, v4, vm0, $0xb8;
	[tilespmem:$0x19000] =	vst v63  }
0x64f: {  	s17 =	simm.s32 $0xF000  }
0x650: {  	[tilespmem:s17], [sflag:$0x2] =	stream.indirect_vreg.gather [hbm4b:s4+s2], $0x80, v3, vm0, $0xb8;
	[tilespmem:$0x19000] =	vst v63  }
0x651: {  	s18 =	simm.s32 $0xF800  }
0x652: {  	[tilespmem:s18], [sflag:$0x2] =	stream.indirect_vreg.gather [hbm4b:s5+s2], $0x80, v3, vm0, $0xb8;
	[tilespmem:$0x19000] =	vst v63  }
0x653: {  	s25 =	simm.s32 $0x10000  }
0x654: {  	[tilespmem:s25], [sflag:$0x2] =	stream.indirect_vreg.gather [hbm4b:s6+s2], $0x80, v3, vm0, $0xb8;
	[tilespmem:$0x19000] =	vst v63  }
0x655: {  	s26 =	simm.s32 $0x10800  }
0x656: {  	[tilespmem:s26], [sflag:$0x2] =	stream.indirect_vreg.gather [hbm4b:s7+s2], $0x80, v3, vm0, $0xb8;
	[tilespmem:$0x19000] =	vst v63  }
0x657: {  	_ =	swait.ge [sflag:s23], $0x8000  }
0x658: {  	s28 =	sld [smem:$0x7FA]  }
0x659: {  	[sflag:s23] =	ssyncset.done $0x0  }
0x65a: {  	s0 =	simm.s32 $0x11000;
	[sflag:s23] =	ssyncadd.s32 $0xFFFF8000  }
0x65b: {  	[hbm4b:s28+s2] =	stream.linear.scatter [tilespmem:s0], [sflag:$0x6], $0x8000, $0x38;
	[tilespmem:$0x19000] =	vst v63  }
0x65c: {  	_ =	swait.ge [sflag:s24], $0x8000  }
0x65d: {  	[sflag:s24] =	ssyncset.done $0x0  }
0x65e: {  	[sflag:s24] =	ssyncadd.s32 $0xFFFF8000  }
0x65f: {  	_ =	swait.ge [sflag:s19], $0x8000  }
0x660: {  	s29 =	sld [smem:$0x7FB]  }
0x661: {  	[sflag:s19] =	ssyncset.done $0x0  }
0x662: {  	s8 =	simm.s32 $0x1000;
	[sflag:s19] =	ssyncadd.s32 $0xFFFF8000  }
0x663: {  	[hbm4b:s29+s2] =	stream.linear.scatter [tilespmem:s8], [sflag:$0x4], $0x8000, $0x38;
	[tilespmem:$0x19000] =	vst v63  }
0x664: {  	_ =	swait.ge [sflag:s20], $0x8000  }
0x665: {  	[sflag:s20] =	ssyncset.done $0x0  }
0x666: {  	[sflag:s20] =	ssyncadd.s32 $0xFFFF8000  }
0x667: {  	_ =	swait.ge [sflag:s21], $0x8000  }
0x668: {  	s30 =	sld [smem:$0x7FD]  }
0x669: {  	[sflag:s21] =	ssyncset.done $0x0  }
0x66a: {  	[sflag:s21] =	ssyncadd.s32 $0xFFFF8000  }
0x66b: {  	[hbm4b:s30+s2] =	stream.linear.scatter [tilespmem:s1], [sflag:$0x5], $0x8000, $0x38;
	[tilespmem:$0x19000] =	vst v63  }
0x66c: {  	_ =	swait.ge [sflag:s22], $0x8000  }
0x66d: {  	s31 =	sld [smem:$0x7F9];
	_ =	sdelay $0x2  }
0x66e: {  	p0 =	sne.s32 s31, $0x1  }
.Ltmp0:
0x66f: {  	_ = 	snop;
	(pc) =	sbr.rel @p0 .LBB2_1-.Ltmp0, $3  }
0x670: {  	_ =	sdelay $0x1  }
0x671: {  	[sflag:s22] =	ssyncset.done $0x0  }
0x672: {  	[sflag:s22] =	ssyncadd.s32 $0xFFFF8000;
	s0 =	sadd.s32 $0xFFFFFFFF, s31  }
0x673: {  	_ =	sfence.sel $0x180000  }
0x674: {  	[bflag:$0x0] =	sbarrier.arrive $0xFFFF  }
0x675: {  	_ =	strace $0x90000047  }
0x676: {  	s0 =	stileid.u32;
	[bflag:$0x2] =	sbarrier.arrive $0xFFFF  }
0x677: {  	p0 =	sne.s32 s0, $0x0;
	s0 =	rddreg [dreg:$0x2]  }
0x678: {  	s0 =	sadd.s32 @!p0 $0x100000, s0  }
0x679: {  	[sflag:s0] =	ssyncadd.tile.s32 @!p0 $0x1;
	_ =	shalt  }
.Lfunc_end2:
_tile_overlayer_lowered:
.L_overlay_start_2:
0x67a: {  	(tag) =	ssettag $0x2  }
0x67b: {  	s0 =	rddreg [dreg:$0x0];
	s2 =	stileid.u32  }
0x67c: {  	s1 =	rddreg [dreg:$0x1];
	p0 =	sne.s32 s2, $0x0  }
0x67d: {  	s3 =	rddreg [dreg:$0x2];
	[bflag:$0x3] =	sbarrier.arrive $0xFFFF;
	s2 =	simm.s32 @!p0 $0x1C07  }
0x67e: {  	[timem:s3], [sflag:s2] =	dma.local @!p0 [hbm:s0], s1  }
0x67f: {  	s0 =	simm.s32 @!p0 $0x7  }
0x680: {  	_ =	swait.ge @!p0 [sflag:s0], s1  }
0x681: {  	s1 =	ssub.s32 @!p0 $0x0, s1;
	[sflag:s0] =	ssyncset.done @!p0 $0x0  }
0x682: {  	[sflag:s0] =	ssyncadd.s32 @!p0 s1  }
0x683: {  	[bflag:$0x3] =	sbarrier.arrive $0xFFFF  }
0x684: {  	_ =	shalt  }

</sc_bundles>
